<compile_context>
chip_gen: v7x
topology: tpu7x:2x2x1
jax: 0.10.2.dev20260603
libtpu: 0.0.44.dev20260713+nightly
codegen_flags: <defaults>
</compile_context>

<pallas_src>
import functools

import jax
import jax.numpy as jnp
from jax import lax
from jax.experimental import pallas as pl
from jax.experimental.pallas import tpu as pltpu
from jax.experimental.pallas import tpu_sc as plsc

N = 10000
E = 320000
D = 128
D2 = D // 2

NC = 2
NS = 16
L = 16
NT = NC * NS

ET = E // NT
CHUNK = 64
CPT = 320
PPC = 2
EP = NS * CPT * CHUNK
NA = 10112
NB = 4
SHIFT = 14

_mesh = plsc.VectorSubcoreMesh(core_axis_name="c", subcore_axis_name="s")


@functools.partial(
    pl.kernel,
    out_type=jax.ShapeDtypeStruct((NT, N), jnp.float32),
    mesh=_mesh,
    scratch_types=[
        pltpu.VMEM((ET,), jnp.int32),
        pltpu.VMEM((N,), jnp.float32),
    ],
    compiler_params=pltpu.CompilerParams(needs_layout_passes=False),
)
def _deg_kernel(dst_hbm, out_hbm, idx_v, hist_v):
    c = lax.axis_index("c")
    s = lax.axis_index("s")
    wid = c * NS + s
    pltpu.sync_copy(dst_hbm.at[wid], idx_v)

    def zero_body(i, carry):
        hist_v[pl.ds(i * L, L)] = jnp.zeros((L,), jnp.float32)
        return carry

    lax.fori_loop(0, N // L, zero_body, 0)

    ones = jnp.ones((L,), jnp.float32)

    def body(i, carry):
        idx = idx_v[pl.ds(i * L, L)]
        plsc.addupdate_scatter(hist_v, [idx], ones)
        return carry

    lax.fori_loop(0, ET // L, body, 0)
    pltpu.sync_copy(hist_v, out_hbm.at[wid])


def _prep_body(parts_ref, x_ref, xsh_ref, dinv_ref, wself_ref):
    parts = parts_ref[...]
    ones = jnp.ones((NT, 1), jnp.float32)
    deg = lax.dot_general(parts, ones, (((0,), (0,)), ((), ())),
                          preferred_element_type=jnp.float32) + 1.0
    dinv = lax.rsqrt(deg)
    xs = dinv * x_ref[...]
    xsh_ref[0, :N, :] = xs[:, :D2]
    xsh_ref[1, :N, :] = xs[:, D2:]
    dinv_ref[...] = dinv
    wself_ref[...] = 1.0 / deg


_prep_kernel = pl.pallas_call(
    _prep_body,
    out_shape=[
        jax.ShapeDtypeStruct((NC, NA, D2), jnp.float32),
        jax.ShapeDtypeStruct((N, 1), jnp.float32),
        jax.ShapeDtypeStruct((N, 1), jnp.float32),
    ],
)


@functools.partial(
    pl.kernel,
    out_type=jax.ShapeDtypeStruct((NC, NA, D2), jnp.float32),
    mesh=_mesh,
    scratch_types=[
        pltpu.VMEM((CPT // PPC, 128), jnp.int32),
        pltpu.VMEM((NB, 2, CHUNK), jnp.int32),
        pltpu.VMEM((NB * CHUNK, D2), jnp.float32),
        pltpu.VMEM_SHARED((NA, D2), jnp.float32),
        pltpu.VMEM_SHARED((NA, D2), jnp.float32),
        pltpu.SemaphoreType.DMA((NB,)),
        pltpu.SemaphoreType.DMA((NB,)),
    ],
    compiler_params=pltpu.CompilerParams(use_tc_tiling_on_sc=False),
)
def _agg_kernel(pk_hbm, xsh_hbm, out_hbm, idxp, ring, rows, agg, xs_sp,
                sem_g, sem_s):
    c = lax.axis_index("c")
    s = lax.axis_index("s")

    def zb(t, carry):
        r = t // (D2 // L)
        l = t % (D2 // L)
        rows[r, pl.ds(l * L, L)] = jnp.zeros((L,), jnp.float32)
        return carry

    lax.fori_loop(0, CHUNK * (D2 // L), zb, 0)

    zpt = NA // NS

    def za(k, carry):
        pltpu.sync_copy(rows.at[pl.ds(0, CHUNK)],
                        agg.at[pl.ds(s * zpt + k * CHUNK, CHUNK)])
        return carry

    lax.fori_loop(0, zpt // CHUNK, za, 0)
    pltpu.sync_copy(rows.at[pl.ds(0, zpt % CHUNK)],
                    agg.at[pl.ds(s * zpt + (zpt // CHUNK) * CHUNK, zpt % CHUNK)])
    pltpu.sync_copy(xsh_hbm.at[c].at[pl.ds(s * zpt, zpt)],
                    xs_sp.at[pl.ds(s * zpt, zpt)])
    plsc.subcore_barrier()

    pltpu.sync_copy(pk_hbm.at[s], idxp)
    xs_hbm = xs_sp

    mask = jnp.full((L,), (1 << SHIFT) - 1, jnp.int32)
    shift = jnp.full((L,), SHIFT, jnp.int32)

    def unpack(j, jmod, b):
        for q in range(CHUNK // L):
            p = idxp[j // PPC, pl.ds(jmod * CHUNK + q * L, L)]
            ring[b, 0, pl.ds(q * L, L)] = lax.bitwise_and(p, mask)
            ring[b, 1, pl.ds(q * L, L)] = lax.shift_right_logical(p, shift)

    def wait_gather(b):
        pltpu.make_async_copy(xs_hbm.at[ring.at[b, 0]],
                              rows.at[pl.ds(b * CHUNK, CHUNK)],
                              sem_g.at[b]).wait()

    def issue_gather(b):
        pltpu.async_copy(xs_hbm.at[ring.at[b, 0]],
                         rows.at[pl.ds(b * CHUNK, CHUNK)], sem_g.at[b])

    def issue_scatter(b):
        pltpu.async_copy(rows.at[pl.ds(b * CHUNK, CHUNK)],
                         agg.at[ring.at[b, 1]], sem_s.at[b], add=True)

    def wait_scatter(b):
        pltpu.make_async_copy(rows.at[pl.ds(b * CHUNK, CHUNK)],
                              agg.at[ring.at[b, 1]], sem_s.at[b]).wait()

    for b in range(NB - 1):
        unpack(b, b % PPC, b)
        issue_gather(b)
    wait_gather(0)
    issue_scatter(0)
    unpack(NB - 1, (NB - 1) % PPC, NB - 1)
    issue_gather(NB - 1)

    def body(g, carry):
        for i in range(NB):
            j = g * NB + i + 1
            b = (i + 1) % NB
            b1 = i
            wait_gather(b)
            issue_scatter(b)
            wait_scatter(b1)
            unpack(j + NB - 1, i % PPC, b1)
            issue_gather(b1)
        return carry

    lax.fori_loop(0, (CPT - NB) // NB, body, 0)

    for j in range(CPT - NB + 1, CPT):
        b = j % NB
        wait_gather(b)
        issue_scatter(b)
        wait_scatter((j - 1) % NB)
    wait_scatter((CPT - 1) % NB)
    plsc.subcore_barrier()

    ro = NA // NS
    pltpu.sync_copy(agg.at[pl.ds(s * ro, ro)], out_hbm.at[c].at[pl.ds(s * ro, ro)])


def _out_body(a0_ref, a1_ref, x_ref, dinv_ref, wself_ref,
              wm_ref, bm_ref, wl_ref, bl_ref, mu_ref, ls_ref):
    a = jnp.concatenate([a0_ref[...], a1_ref[...]], axis=1)
    h = dinv_ref[...] * a + wself_ref[...] * x_ref[...]
    mu_ref[...] = jnp.dot(h, wm_ref[...], preferred_element_type=jnp.float32) + bm_ref[...]
    ls_ref[...] = jnp.dot(h, wl_ref[...], preferred_element_type=jnp.float32) + bl_ref[...]


_R2 = 1000


_out_kernel = pl.pallas_call(
    _out_body,
    grid=(N // _R2,),
    in_specs=[
        pl.BlockSpec((_R2, D2), lambda i: (i, 0)),
        pl.BlockSpec((_R2, D2), lambda i: (i, 0)),
        pl.BlockSpec((_R2, D), lambda i: (i, 0)),
        pl.BlockSpec((_R2, 1), lambda i: (i, 0)),
        pl.BlockSpec((_R2, 1), lambda i: (i, 0)),
        pl.BlockSpec((D, D), lambda i: (0, 0)),
        pl.BlockSpec((1, D), lambda i: (0, 0)),
        pl.BlockSpec((D, D), lambda i: (0, 0)),
        pl.BlockSpec((1, D), lambda i: (0, 0)),
    ],
    out_specs=[
        pl.BlockSpec((_R2, D), lambda i: (i, 0)),
        pl.BlockSpec((_R2, D), lambda i: (i, 0)),
    ],
    out_shape=[
        jax.ShapeDtypeStruct((N, D), jnp.float32),
        jax.ShapeDtypeStruct((N, D), jnp.float32),
    ],
)


@jax.jit
def kernel(x, edge_index, W_mu, b_mu, W_logstd, b_logstd):
    src = edge_index[0]
    dst = edge_index[1]

    deg_parts = _deg_kernel(dst.reshape(NT, ET))
    xsh, dinv, wself = _prep_kernel(deg_parts, x)

    pad = EP - E
    packed = jnp.concatenate([
        src | (dst << SHIFT),
        jnp.full((pad,), N << SHIFT, jnp.int32),
    ]).reshape(NS, CPT // PPC, 128)
    agg = _agg_kernel(packed, xsh)

    mu, logstd = _out_kernel(agg[0], agg[1], x, dinv, wself,
                             W_mu, b_mu.reshape(1, D), W_logstd, b_logstd.reshape(1, D))
    return (mu, logstd)

# --- scband reference (transcript-rebuilt; emitter-appended) ---
"""Pipeline reference for scband-variational-linear-encoder-23441931501602 (READ-ONLY COPY).

The authoritative reference and input builder live on the scoring server;
editing this copy changes nothing except your own understanding.
"""

import jax, jax.numpy as jnp
import numpy as np

N = 10000
E = 320000
D_IN = 128
D_OUT = 128


def setup_inputs(seed: int = 0) -> dict:
    key = jax.random.key(seed)
    ks = jax.random.split(key, 6)
    x = jax.random.normal(ks[0], (N, D_IN), dtype=jnp.float32)
    edge_index = jax.random.randint(ks[1], (2, E), 0, N, dtype=jnp.int32)
    scale = 1.0 / np.sqrt(D_IN)
    W_mu = jax.random.normal(ks[2], (D_IN, D_OUT), dtype=jnp.float32) * scale
    b_mu = jnp.zeros((D_OUT,), dtype=jnp.float32)
    W_logstd = jax.random.normal(ks[3], (D_IN, D_OUT), dtype=jnp.float32) * scale
    b_logstd = jnp.zeros((D_OUT,), dtype=jnp.float32)
    return {"x": x, "edge_index": edge_index, "W_mu": W_mu, "b_mu": b_mu, "W_logstd": W_logstd, "b_logstd": b_logstd}


def _gcn_conv(x, src, dst, W, b):
    # Linear transform
    xw = x @ W
    n = x.shape[0]
    # Symmetric normalization with self-loops already appended to src/dst
    ones = jnp.ones(src.shape[0], dtype=x.dtype)
    deg = jnp.zeros(n, dtype=x.dtype).at[dst].add(ones)
    dinv = jnp.where(deg > 0, jax.lax.rsqrt(jnp.where(deg > 0, deg, 1.0)), 0.0)
    norm = dinv[src] * dinv[dst]
    # Gather messages from src, scale, scatter-add into dst
    msgs = norm[:, None] * xw[src]
    out = jnp.zeros((n, W.shape[1]), dtype=x.dtype).at[dst].add(msgs)
    return out + b


def reference(x, edge_index, W_mu, b_mu, W_logstd, b_logstd):
    n = x.shape[0]
    loop = jnp.arange(n, dtype=edge_index.dtype)
    src = jnp.concatenate([edge_index[0], loop])
    dst = jnp.concatenate([edge_index[1], loop])
    mu = _gcn_conv(x, src, dst, W_mu, b_mu)
    logstd = _gcn_conv(x, src, dst, W_logstd, b_logstd)
    return (mu, logstd)

if __name__ == "__main__":
    import jax
    _d = setup_inputs()
    print(jax.jit(kernel)(*tuple(_d.values())))

</pallas_src>

<mosaic_0001>
#map = affine_map<(d0, d1) -> (0, 0, 0)>
module attributes {stable_mosaic.version = 14 : i64} {
  func.func @_agg_kernel(%arg0: i32, %arg1: i32, %arg2: memref<16x160x128xi32, #tpu.memory_space<hbm>>, %arg3: memref<2x10112x64xf32, #tpu.memory_space<hbm>>, %arg4: memref<2x10112x64xf32, #tpu.memory_space<hbm>>, %arg5: memref<160x128xi32, #tpu.memory_space<vmem>>, %arg6: memref<4x2x64xi32, #tpu.memory_space<vmem>>, %arg7: memref<256x64xf32, #tpu.memory_space<vmem>>, %arg8: memref<10112x64xf32, #tpu.memory_space<vmem_shared>>, %arg9: memref<10112x64xf32, #tpu.memory_space<vmem_shared>>, %arg10: memref<4x!tpu.dma_semaphore, #tpu.memory_space<semaphore_mem>>, %arg11: memref<4x!tpu.dma_semaphore, #tpu.memory_space<semaphore_mem>>) attributes {dimension_semantics = [#tpu.dimension_semantics<core_parallel>, #tpu.dimension_semantics<subcore_parallel>], iteration_bounds = array<i64: 2, 16>, scalar_prefetch = 0 : i64, scratch_operands = 7 : i64, tpu.core_type = #tpu.core_type<sc_vector_subcore>, window_params = [{transform_indices = #map}, {transform_indices = #map}, {transform_indices = #map}]} {
    %scan3A = arith.constant 0 : i32
    %scan3A_0 = arith.constant 0 : i32
    %scan3A_1 = arith.constant 256 : i32
    %scan3A_2 = arith.addi %scan3A_0, %scan3A_1 : i32
    %scan3A_3 = arith.constant 1 : i32
    scf.for %scan3A_617 = %scan3A_0 to %scan3A_2 step %scan3A_3  : i32 {
      %jit3A = arith.constant 4 : i32
      %div3A = arith.divsi %scan3A_617, %jit3A : i32
      %sign3A = arith.constant 0 : i32
      %sign3A_618 = arith.cmpi sgt, %scan3A_617, %sign3A : i32
      %sign3A_619 = arith.extui %sign3A_618 : i1 to i32
      %sign3A_620 = arith.constant 0 : i32
      %sign3A_621 = arith.cmpi slt, %scan3A_617, %sign3A_620 : i32
      %sign3A_622 = arith.extui %sign3A_621 : i1 to i32
      %sign3A_623 = arith.subi %sign3A_619, %sign3A_622 : i32
      %sign3A_624 = arith.constant 0 : i32
      %sign3A_625 = arith.cmpi sgt, %jit3A, %sign3A_624 : i32
      %sign3A_626 = arith.extui %sign3A_625 : i1 to i32
      %sign3A_627 = arith.constant 0 : i32
      %sign3A_628 = arith.cmpi slt, %jit3A, %sign3A_627 : i32
      %sign3A_629 = arith.extui %sign3A_628 : i1 to i32
      %sign3A_630 = arith.subi %sign3A_626, %sign3A_629 : i32
      %ne3A = arith.cmpi ne, %sign3A_623, %sign3A_630 : i32
      %rem3A = arith.remsi %scan3A_617, %jit3A : i32
      %ne3A_631 = arith.constant 0 : i32
      %ne3A_632 = arith.cmpi ne, %rem3A, %ne3A_631 : i32
      %and3A_633 = arith.andi %ne3A, %ne3A_632 : i1
      %sub3A = arith.constant 1 : i32
      %sub3A_634 = arith.subi %div3A, %sub3A : i32
      %select_n3A = arith.select %and3A_633, %sub3A_634, %div3A : i32
      %jit3A_635 = arith.constant 4 : i32
      %eq3A = arith.constant 0 : i32
      %eq3A_636 = arith.cmpi eq, %jit3A_635, %eq3A : i32
      %jit3A_637 = arith.constant 1 : i32
      %select_n3A_638 = arith.select %eq3A_636, %jit3A_637, %jit3A_635 : i32
      %rem3A_639 = arith.remsi %scan3A_617, %select_n3A_638 : i32
      %ne3A_640 = arith.constant 0 : i32
      %ne3A_641 = arith.cmpi ne, %rem3A_639, %ne3A_640 : i32
      %lt3A = arith.constant 0 : i32
      %lt3A_642 = arith.cmpi slt, %rem3A_639, %lt3A : i32
      %lt3A_643 = arith.constant 0 : i32
      %lt3A_644 = arith.cmpi slt, %select_n3A_638, %lt3A_643 : i32
      %ne3A_645 = arith.xori %lt3A_642, %lt3A_644 : i1
      %and3A_646 = arith.andi %ne3A_645, %ne3A_641 : i1
      %add3A_647 = arith.addi %rem3A_639, %select_n3A_638 : i32
      %select_n3A_648 = arith.select %and3A_646, %add3A_647, %rem3A_639 : i32
      %broadcast_in_dim3A_649 = arith.constant 0.000000e+00 : f32
      %broadcast_in_dim3A_650 = vector.broadcast %broadcast_in_dim3A_649 : f32 to vector<16xf32>
      %mul3A_651 = arith.constant 16 : i32
      %mul3A_652 = arith.muli %select_n3A_648, %mul3A_651 : i32
      %swap3A_653 = arith.index_cast %select_n3A : i32 to index
      %swap3A_654 = arith.index_cast %mul3A_652 : i32 to index
      %swap3A_655 = tpu.vector_load %arg7[%swap3A_653, %swap3A_654] {strides = array<i32>} : memref<256x64xf32, #tpu.memory_space<vmem>>, vector<1x16xf32>,
      %swap3A_656 = vector.shape_cast %swap3A_655 : vector<1x16xf32> to vector<16xf32>
      %swap3A_657 = vector.shape_cast %broadcast_in_dim3A_650 : vector<16xf32> to vector<1x16xf32>
      tpu.vector_store %arg7[%swap3A_653, %swap3A_654], %swap3A_657 {strides = array<i32>} : memref<256x64xf32, #tpu.memory_space<vmem>>, vector<1x16xf32>,
    }
    %scan3A_4 = arith.constant 256 : i32
    %scan3A_5 = arith.constant 0 : i32
    %scan3A_6 = arith.constant 0 : i32
    %scan3A_7 = arith.constant 9 : i32
    %scan3A_8 = arith.addi %scan3A_6, %scan3A_7 : i32
    %scan3A_9 = arith.constant 1 : i32
    scf.for %scan3A_617 = %scan3A_6 to %scan3A_8 step %scan3A_9  : i32 {
      %mul3A_618 = arith.constant 632 : i32
      %mul3A_619 = arith.muli %arg1, %mul3A_618 : i32
      %mul3A_620 = arith.constant 64 : i32
      %mul3A_621 = arith.muli %scan3A_617, %mul3A_620 : i32
      %add3A_622 = arith.addi %mul3A_619, %mul3A_621 : i32
      "tpu.region"() ({
        %run_scoped3A = tpu.sem_alloc : memref<!tpu.dma_semaphore, #tpu.memory_space<semaphore_mem>>
        %dma_start3A_623 = arith.constant 0 : i32
        %dma_start3A_624 = arith.constant 0 : i32
        %dma_start3A_625 = tpu.memref_slice %arg7[%dma_start3A_623, %dma_start3A_624] : memref<256x64xf32, #tpu.memory_space<vmem>> -> memref<64x64xf32, #tpu.memory_space<vmem>>
        %dma_start3A_626 = arith.constant 0 : i32
        %dma_start3A_627 = tpu.memref_slice %arg8[%add3A_622, %dma_start3A_626] : memref<10112x64xf32, #tpu.memory_space<vmem_shared>> -> memref<64x64xf32, #tpu.memory_space<vmem_shared>>
        %dma_start3A_628 = arith.constant 0 : i32
        %dma_start3A_629 = tpu.memref_slice %arg8[%add3A_622, %dma_start3A_628] : memref<10112x64xf32, #tpu.memory_space<vmem_shared>> -> memref<64x64xf32, #tpu.memory_space<vmem_shared>>
        %dma_start3A_630 = arith.constant 0 : i32
        %dma_start3A_631 = arith.constant 0 : i32
        %dma_start3A_632 = tpu.memref_slice %arg7[%dma_start3A_630, %dma_start3A_631] : memref<256x64xf32, #tpu.memory_space<vmem>> -> memref<64x64xf32, #tpu.memory_space<vmem>>
        tpu.enqueue_dma source(%dma_start3A_632 : memref<64x64xf32, #tpu.memory_space<vmem>>) target(%dma_start3A_629 : memref<64x64xf32, #tpu.memory_space<vmem_shared>>) target_semaphore(%run_scoped3A : memref<!tpu.dma_semaphore, #tpu.memory_space<semaphore_mem>>)
        %dma_wait3A_633 = arith.constant 0 : i32
        %dma_wait3A_634 = arith.constant 0 : i32
        %dma_wait3A_635 = tpu.memref_slice %arg7[%dma_wait3A_633, %dma_wait3A_634] : memref<256x64xf32, #tpu.memory_space<vmem>> -> memref<64x64xf32, #tpu.memory_space<vmem>>
        %dma_wait3A_636 = arith.constant 0 : i32
        %dma_wait3A_637 = tpu.memref_slice %arg8[%add3A_622, %dma_wait3A_636] : memref<10112x64xf32, #tpu.memory_space<vmem_shared>> -> memref<64x64xf32, #tpu.memory_space<vmem_shared>>
        %dma_wait3A_638 = arith.constant 0 : i32
        %dma_wait3A_639 = tpu.memref_slice %arg8[%add3A_622, %dma_wait3A_638] : memref<10112x64xf32, #tpu.memory_space<vmem_shared>> -> memref<64x64xf32, #tpu.memory_space<vmem_shared>>
        %dma_wait3A_640 = arith.constant 0 : i32
        %dma_wait3A_641 = arith.constant 0 : i32
        %dma_wait3A_642 = tpu.memref_slice %arg7[%dma_wait3A_640, %dma_wait3A_641] : memref<256x64xf32, #tpu.memory_space<vmem>> -> memref<64x64xf32, #tpu.memory_space<vmem>>
        tpu.wait_dma2 semaphore(%run_scoped3A : memref<!tpu.dma_semaphore, #tpu.memory_space<semaphore_mem>>) src(%dma_wait3A_642 : memref<64x64xf32, #tpu.memory_space<vmem>>) dst(%dma_wait3A_639 : memref<64x64xf32, #tpu.memory_space<vmem_shared>>)
        tpu.yield
      }) : () -> ()
    }
    %scan3A_10 = arith.constant 9 : i32
    %mul3A = arith.constant 632 : i32
    %mul3A_11 = arith.muli %arg1, %mul3A : i32
    %add3A = arith.constant 576 : i32
    %add3A_12 = arith.addi %mul3A_11, %add3A : i32
    "tpu.region"() ({
      %run_scoped3A = tpu.sem_alloc : memref<!tpu.dma_semaphore, #tpu.memory_space<semaphore_mem>>
      %dma_start3A_617 = arith.constant 0 : i32
      %dma_start3A_618 = arith.constant 0 : i32
      %dma_start3A_619 = tpu.memref_slice %arg7[%dma_start3A_617, %dma_start3A_618] : memref<256x64xf32, #tpu.memory_space<vmem>> -> memref<56x64xf32, #tpu.memory_space<vmem>>
      %dma_start3A_620 = arith.constant 0 : i32
      %dma_start3A_621 = tpu.memref_slice %arg8[%add3A_12, %dma_start3A_620] : memref<10112x64xf32, #tpu.memory_space<vmem_shared>> -> memref<56x64xf32, #tpu.memory_space<vmem_shared>>
      %dma_start3A_622 = arith.constant 0 : i32
      %dma_start3A_623 = tpu.memref_slice %arg8[%add3A_12, %dma_start3A_622] : memref<10112x64xf32, #tpu.memory_space<vmem_shared>> -> memref<56x64xf32, #tpu.memory_space<vmem_shared>>
      %dma_start3A_624 = arith.constant 0 : i32
      %dma_start3A_625 = arith.constant 0 : i32
      %dma_start3A_626 = tpu.memref_slice %arg7[%dma_start3A_624, %dma_start3A_625] : memref<256x64xf32, #tpu.memory_space<vmem>> -> memref<56x64xf32, #tpu.memory_space<vmem>>
      tpu.enqueue_dma source(%dma_start3A_626 : memref<56x64xf32, #tpu.memory_space<vmem>>) target(%dma_start3A_623 : memref<56x64xf32, #tpu.memory_space<vmem_shared>>) target_semaphore(%run_scoped3A : memref<!tpu.dma_semaphore, #tpu.memory_space<semaphore_mem>>)
      %dma_wait3A_627 = arith.constant 0 : i32
      %dma_wait3A_628 = arith.constant 0 : i32
      %dma_wait3A_629 = tpu.memref_slice %arg7[%dma_wait3A_627, %dma_wait3A_628] : memref<256x64xf32, #tpu.memory_space<vmem>> -> memref<56x64xf32, #tpu.memory_space<vmem>>
      %dma_wait3A_630 = arith.constant 0 : i32
      %dma_wait3A_631 = tpu.memref_slice %arg8[%add3A_12, %dma_wait3A_630] : memref<10112x64xf32, #tpu.memory_space<vmem_shared>> -> memref<56x64xf32, #tpu.memory_space<vmem_shared>>
      %dma_wait3A_632 = arith.constant 0 : i32
      %dma_wait3A_633 = tpu.memref_slice %arg8[%add3A_12, %dma_wait3A_632] : memref<10112x64xf32, #tpu.memory_space<vmem_shared>> -> memref<56x64xf32, #tpu.memory_space<vmem_shared>>
      %dma_wait3A_634 = arith.constant 0 : i32
      %dma_wait3A_635 = arith.constant 0 : i32
      %dma_wait3A_636 = tpu.memref_slice %arg7[%dma_wait3A_634, %dma_wait3A_635] : memref<256x64xf32, #tpu.memory_space<vmem>> -> memref<56x64xf32, #tpu.memory_space<vmem>>
      tpu.wait_dma2 semaphore(%run_scoped3A : memref<!tpu.dma_semaphore, #tpu.memory_space<semaphore_mem>>) src(%dma_wait3A_636 : memref<56x64xf32, #tpu.memory_space<vmem>>) dst(%dma_wait3A_633 : memref<56x64xf32, #tpu.memory_space<vmem_shared>>)
      tpu.yield
    }) : () -> ()
    %mul3A_13 = arith.constant 632 : i32
    %mul3A_14 = arith.muli %arg1, %mul3A_13 : i32
    %mul3A_15 = arith.constant 632 : i32
    %mul3A_16 = arith.muli %arg1, %mul3A_15 : i32
    "tpu.region"() ({
      %run_scoped3A = tpu.sem_alloc : memref<!tpu.dma_semaphore, #tpu.memory_space<semaphore_mem>>
      %dma_start3A_617 = arith.constant 0 : i32
      %dma_start3A_618 = tpu.memref_slice %arg9[%mul3A_16, %dma_start3A_617] : memref<10112x64xf32, #tpu.memory_space<vmem_shared>> -> memref<632x64xf32, #tpu.memory_space<vmem_shared>>
      %dma_start3A_619 = arith.constant 0 : i32
      %dma_start3A_620 = arith.constant 0 : i32
      %dma_start3A_621 = tpu.memref_slice %arg3[%arg0, %dma_start3A_619, %dma_start3A_620] : memref<2x10112x64xf32, #tpu.memory_space<hbm>> -> memref<1x10112x64xf32, #tpu.memory_space<hbm>>
      %dma_start3A_622 = tpu.memref_squeeze %dma_start3A_621 : memref<1x10112x64xf32, #tpu.memory_space<hbm>> -> memref<10112x64xf32, #tpu.memory_space<hbm>>
      %dma_start3A_623 = arith.constant 0 : i32
      %dma_start3A_624 = tpu.memref_slice %dma_start3A_622[%mul3A_14, %dma_start3A_623] : memref<10112x64xf32, #tpu.memory_space<hbm>> -> memref<632x64xf32, #tpu.memory_space<hbm>>
      tpu.enqueue_dma source(%dma_start3A_624 : memref<632x64xf32, #tpu.memory_space<hbm>>) target(%dma_start3A_618 : memref<632x64xf32, #tpu.memory_space<vmem_shared>>) target_semaphore(%run_scoped3A : memref<!tpu.dma_semaphore, #tpu.memory_space<semaphore_mem>>)
      %dma_wait3A_625 = arith.constant 0 : i32
      %dma_wait3A_626 = tpu.memref_slice %arg9[%mul3A_16, %dma_wait3A_625] : memref<10112x64xf32, #tpu.memory_space<vmem_shared>> -> memref<632x64xf32, #tpu.memory_space<vmem_shared>>
      %dma_wait3A_627 = arith.constant 0 : i32
      %dma_wait3A_628 = arith.constant 0 : i32
      %dma_wait3A_629 = tpu.memref_slice %arg3[%arg0, %dma_wait3A_627, %dma_wait3A_628] : memref<2x10112x64xf32, #tpu.memory_space<hbm>> -> memref<1x10112x64xf32, #tpu.memory_space<hbm>>
      %dma_wait3A_630 = tpu.memref_squeeze %dma_wait3A_629 : memref<1x10112x64xf32, #tpu.memory_space<hbm>> -> memref<10112x64xf32, #tpu.memory_space<hbm>>
      %dma_wait3A_631 = arith.constant 0 : i32
      %dma_wait3A_632 = tpu.memref_slice %dma_wait3A_630[%mul3A_14, %dma_wait3A_631] : memref<10112x64xf32, #tpu.memory_space<hbm>> -> memref<632x64xf32, #tpu.memory_space<hbm>>
      tpu.wait_dma2 semaphore(%run_scoped3A : memref<!tpu.dma_semaphore, #tpu.memory_space<semaphore_mem>>) src(%dma_wait3A_632 : memref<632x64xf32, #tpu.memory_space<hbm>>) dst(%dma_wait3A_626 : memref<632x64xf32, #tpu.memory_space<vmem_shared>>)
      tpu.yield
    }) : () -> ()
    %barrier3A = arith.constant 0 : index
    tpu.barrier barrier_id(%barrier3A)
    "tpu.region"() ({
      %run_scoped3A = tpu.sem_alloc : memref<!tpu.dma_semaphore, #tpu.memory_space<semaphore_mem>>
      %dma_start3A_617 = arith.constant 0 : i32
      %dma_start3A_618 = arith.constant 0 : i32
      %dma_start3A_619 = tpu.memref_slice %arg2[%arg1, %dma_start3A_617, %dma_start3A_618] : memref<16x160x128xi32, #tpu.memory_space<hbm>> -> memref<1x160x128xi32, #tpu.memory_space<hbm>>
      %dma_start3A_620 = tpu.memref_squeeze %dma_start3A_619 : memref<1x160x128xi32, #tpu.memory_space<hbm>> -> memref<160x128xi32, #tpu.memory_space<hbm>>
      %dma_start3A_621 = arith.constant 0 : i32
      %dma_start3A_622 = arith.constant 0 : i32
      %dma_start3A_623 = tpu.memref_slice %arg2[%arg1, %dma_start3A_621, %dma_start3A_622] : memref<16x160x128xi32, #tpu.memory_space<hbm>> -> memref<1x160x128xi32, #tpu.memory_space<hbm>>
      %dma_start3A_624 = tpu.memref_squeeze %dma_start3A_623 : memref<1x160x128xi32, #tpu.memory_space<hbm>> -> memref<160x128xi32, #tpu.memory_space<hbm>>
      tpu.enqueue_dma source(%dma_start3A_624 : memref<160x128xi32, #tpu.memory_space<hbm>>) target(%arg5 : memref<160x128xi32, #tpu.memory_space<vmem>>) target_semaphore(%run_scoped3A : memref<!tpu.dma_semaphore, #tpu.memory_space<semaphore_mem>>)
      %dma_wait3A_625 = arith.constant 0 : i32
      %dma_wait3A_626 = arith.constant 0 : i32
      %dma_wait3A_627 = tpu.memref_slice %arg2[%arg1, %dma_wait3A_625, %dma_wait3A_626] : memref<16x160x128xi32, #tpu.memory_space<hbm>> -> memref<1x160x128xi32, #tpu.memory_space<hbm>>
      %dma_wait3A_628 = tpu.memref_squeeze %dma_wait3A_627 : memref<1x160x128xi32, #tpu.memory_space<hbm>> -> memref<160x128xi32, #tpu.memory_space<hbm>>
      %dma_wait3A_629 = arith.constant 0 : i32
      %dma_wait3A_630 = arith.constant 0 : i32
      %dma_wait3A_631 = tpu.memref_slice %arg2[%arg1, %dma_wait3A_629, %dma_wait3A_630] : memref<16x160x128xi32, #tpu.memory_space<hbm>> -> memref<1x160x128xi32, #tpu.memory_space<hbm>>
      %dma_wait3A_632 = tpu.memref_squeeze %dma_wait3A_631 : memref<1x160x128xi32, #tpu.memory_space<hbm>> -> memref<160x128xi32, #tpu.memory_space<hbm>>
      tpu.wait_dma2 semaphore(%run_scoped3A : memref<!tpu.dma_semaphore, #tpu.memory_space<semaphore_mem>>) src(%dma_wait3A_632 : memref<160x128xi32, #tpu.memory_space<hbm>>) dst(%arg5 : memref<160x128xi32, #tpu.memory_space<vmem>>)
      tpu.yield
    }) : () -> ()
    %broadcast_in_dim3A = arith.constant 16383 : i32
    %broadcast_in_dim3A_17 = vector.broadcast %broadcast_in_dim3A : i32 to vector<16xi32>
    %broadcast_in_dim3A_18 = arith.constant 14 : i32
    %broadcast_in_dim3A_19 = vector.broadcast %broadcast_in_dim3A_18 : i32 to vector<16xi32>
    %get3A = arith.constant 0 : i32
    %get3A_20 = arith.index_cast %get3A : i32 to index
    %get3A_21 = arith.constant 0 : index
    %get3A_22 = tpu.vector_load %arg5[%get3A_20, %get3A_21] {strides = array<i32>} : memref<160x128xi32, #tpu.memory_space<vmem>>, vector<1x16xi32>,
    %get3A_23 = vector.shape_cast %get3A_22 : vector<1x16xi32> to vector<16xi32>
    %and3A = arith.andi %get3A_23, %broadcast_in_dim3A_17 : vector<16xi32>
    %swap3A = arith.constant 0 : i32
    %swap3A_24 = arith.constant 0 : i32
    %swap3A_25 = arith.index_cast %swap3A : i32 to index
    %swap3A_26 = arith.index_cast %swap3A_24 : i32 to index
    %swap3A_27 = arith.constant 0 : index
    %swap3A_28 = tpu.vector_load %arg6[%swap3A_25, %swap3A_26, %swap3A_27] {strides = array<i32>} : memref<4x2x64xi32, #tpu.memory_space<vmem>>, vector<1x1x16xi32>,
    %swap3A_29 = vector.shape_cast %swap3A_28 : vector<1x1x16xi32> to vector<16xi32>
    %swap3A_30 = vector.shape_cast %and3A : vector<16xi32> to vector<1x1x16xi32>
    tpu.vector_store %arg6[%swap3A_25, %swap3A_26, %swap3A_27], %swap3A_30 {strides = array<i32>} : memref<4x2x64xi32, #tpu.memory_space<vmem>>, vector<1x1x16xi32>,
    %shift_right_logical3A = arith.shrui %get3A_23, %broadcast_in_dim3A_19 : vector<16xi32>
    %swap3A_31 = arith.constant 0 : i32
    %swap3A_32 = arith.constant 1 : i32
    %swap3A_33 = arith.index_cast %swap3A_31 : i32 to index
    %swap3A_34 = arith.index_cast %swap3A_32 : i32 to index
    %swap3A_35 = arith.constant 0 : index
    %swap3A_36 = tpu.vector_load %arg6[%swap3A_33, %swap3A_34, %swap3A_35] {strides = array<i32>} : memref<4x2x64xi32, #tpu.memory_space<vmem>>, vector<1x1x16xi32>,
    %swap3A_37 = vector.shape_cast %swap3A_36 : vector<1x1x16xi32> to vector<16xi32>
    %swap3A_38 = vector.shape_cast %shift_right_logical3A : vector<16xi32> to vector<1x1x16xi32>
    tpu.vector_store %arg6[%swap3A_33, %swap3A_34, %swap3A_35], %swap3A_38 {strides = array<i32>} : memref<4x2x64xi32, #tpu.memory_space<vmem>>, vector<1x1x16xi32>,
    %get3A_39 = arith.constant 0 : i32
    %get3A_40 = arith.index_cast %get3A_39 : i32 to index
    %get3A_41 = arith.constant 16 : index
    %get3A_42 = tpu.vector_load %arg5[%get3A_40, %get3A_41] {strides = array<i32>} : memref<160x128xi32, #tpu.memory_space<vmem>>, vector<1x16xi32>,
    %get3A_43 = vector.shape_cast %get3A_42 : vector<1x16xi32> to vector<16xi32>
    %and3A_44 = arith.andi %get3A_43, %broadcast_in_dim3A_17 : vector<16xi32>
    %swap3A_45 = arith.constant 0 : i32
    %swap3A_46 = arith.constant 0 : i32
    %swap3A_47 = arith.index_cast %swap3A_45 : i32 to index
    %swap3A_48 = arith.index_cast %swap3A_46 : i32 to index
    %swap3A_49 = arith.constant 16 : index
    %swap3A_50 = tpu.vector_load %arg6[%swap3A_47, %swap3A_48, %swap3A_49] {strides = array<i32>} : memref<4x2x64xi32, #tpu.memory_space<vmem>>, vector<1x1x16xi32>,
    %swap3A_51 = vector.shape_cast %swap3A_50 : vector<1x1x16xi32> to vector<16xi32>
    %swap3A_52 = vector.shape_cast %and3A_44 : vector<16xi32> to vector<1x1x16xi32>
    tpu.vector_store %arg6[%swap3A_47, %swap3A_48, %swap3A_49], %swap3A_52 {strides = array<i32>} : memref<4x2x64xi32, #tpu.memory_space<vmem>>, vector<1x1x16xi32>,
    %shift_right_logical3A_53 = arith.shrui %get3A_43, %broadcast_in_dim3A_19 : vector<16xi32>
    %swap3A_54 = arith.constant 0 : i32
    %swap3A_55 = arith.constant 1 : i32
    %swap3A_56 = arith.index_cast %swap3A_54 : i32 to index
    %swap3A_57 = arith.index_cast %swap3A_55 : i32 to index
    %swap3A_58 = arith.constant 16 : index
    %swap3A_59 = tpu.vector_load %arg6[%swap3A_56, %swap3A_57, %swap3A_58] {strides = array<i32>} : memref<4x2x64xi32, #tpu.memory_space<vmem>>, vector<1x1x16xi32>,
    %swap3A_60 = vector.shape_cast %swap3A_59 : vector<1x1x16xi32> to vector<16xi32>
    %swap3A_61 = vector.shape_cast %shift_right_logical3A_53 : vector<16xi32> to vector<1x1x16xi32>
    tpu.vector_store %arg6[%swap3A_56, %swap3A_57, %swap3A_58], %swap3A_61 {strides = array<i32>} : memref<4x2x64xi32, #tpu.memory_space<vmem>>, vector<1x1x16xi32>,
    %get3A_62 = arith.constant 0 : i32
    %get3A_63 = arith.index_cast %get3A_62 : i32 to index
    %get3A_64 = arith.constant 32 : index
    %get3A_65 = tpu.vector_load %arg5[%get3A_63, %get3A_64] {strides = array<i32>} : memref<160x128xi32, #tpu.memory_space<vmem>>, vector<1x16xi32>,
    %get3A_66 = vector.shape_cast %get3A_65 : vector<1x16xi32> to vector<16xi32>
    %and3A_67 = arith.andi %get3A_66, %broadcast_in_dim3A_17 : vector<16xi32>
    %swap3A_68 = arith.constant 0 : i32
    %swap3A_69 = arith.constant 0 : i32
    %swap3A_70 = arith.index_cast %swap3A_68 : i32 to index
    %swap3A_71 = arith.index_cast %swap3A_69 : i32 to index
    %swap3A_72 = arith.constant 32 : index
    %swap3A_73 = tpu.vector_load %arg6[%swap3A_70, %swap3A_71, %swap3A_72] {strides = array<i32>} : memref<4x2x64xi32, #tpu.memory_space<vmem>>, vector<1x1x16xi32>,
    %swap3A_74 = vector.shape_cast %swap3A_73 : vector<1x1x16xi32> to vector<16xi32>
    %swap3A_75 = vector.shape_cast %and3A_67 : vector<16xi32> to vector<1x1x16xi32>
    tpu.vector_store %arg6[%swap3A_70, %swap3A_71, %swap3A_72], %swap3A_75 {strides = array<i32>} : memref<4x2x64xi32, #tpu.memory_space<vmem>>, vector<1x1x16xi32>,
    %shift_right_logical3A_76 = arith.shrui %get3A_66, %broadcast_in_dim3A_19 : vector<16xi32>
    %swap3A_77 = arith.constant 0 : i32
    %swap3A_78 = arith.constant 1 : i32
    %swap3A_79 = arith.index_cast %swap3A_77 : i32 to index
    %swap3A_80 = arith.index_cast %swap3A_78 : i32 to index
    %swap3A_81 = arith.constant 32 : index
    %swap3A_82 = tpu.vector_load %arg6[%swap3A_79, %swap3A_80, %swap3A_81] {strides = array<i32>} : memref<4x2x64xi32, #tpu.memory_space<vmem>>, vector<1x1x16xi32>,
    %swap3A_83 = vector.shape_cast %swap3A_82 : vector<1x1x16xi32> to vector<16xi32>
    %swap3A_84 = vector.shape_cast %shift_right_logical3A_76 : vector<16xi32> to vector<1x1x16xi32>
    tpu.vector_store %arg6[%swap3A_79, %swap3A_80, %swap3A_81], %swap3A_84 {strides = array<i32>} : memref<4x2x64xi32, #tpu.memory_space<vmem>>, vector<1x1x16xi32>,
    %get3A_85 = arith.constant 0 : i32
    %get3A_86 = arith.index_cast %get3A_85 : i32 to index
    %get3A_87 = arith.constant 48 : index
    %get3A_88 = tpu.vector_load %arg5[%get3A_86, %get3A_87] {strides = array<i32>} : memref<160x128xi32, #tpu.memory_space<vmem>>, vector<1x16xi32>,
    %get3A_89 = vector.shape_cast %get3A_88 : vector<1x16xi32> to vector<16xi32>
    %and3A_90 = arith.andi %get3A_89, %broadcast_in_dim3A_17 : vector<16xi32>
    %swap3A_91 = arith.constant 0 : i32
    %swap3A_92 = arith.constant 0 : i32
    %swap3A_93 = arith.index_cast %swap3A_91 : i32 to index
    %swap3A_94 = arith.index_cast %swap3A_92 : i32 to index
    %swap3A_95 = arith.constant 48 : index
    %swap3A_96 = tpu.vector_load %arg6[%swap3A_93, %swap3A_94, %swap3A_95] {strides = array<i32>} : memref<4x2x64xi32, #tpu.memory_space<vmem>>, vector<1x1x16xi32>,
    %swap3A_97 = vector.shape_cast %swap3A_96 : vector<1x1x16xi32> to vector<16xi32>
    %swap3A_98 = vector.shape_cast %and3A_90 : vector<16xi32> to vector<1x1x16xi32>
    tpu.vector_store %arg6[%swap3A_93, %swap3A_94, %swap3A_95], %swap3A_98 {strides = array<i32>} : memref<4x2x64xi32, #tpu.memory_space<vmem>>, vector<1x1x16xi32>,
    %shift_right_logical3A_99 = arith.shrui %get3A_89, %broadcast_in_dim3A_19 : vector<16xi32>
    %swap3A_100 = arith.constant 0 : i32
    %swap3A_101 = arith.constant 1 : i32
    %swap3A_102 = arith.index_cast %swap3A_100 : i32 to index
    %swap3A_103 = arith.index_cast %swap3A_101 : i32 to index
    %swap3A_104 = arith.constant 48 : index
    %swap3A_105 = tpu.vector_load %arg6[%swap3A_102, %swap3A_103, %swap3A_104] {strides = array<i32>} : memref<4x2x64xi32, #tpu.memory_space<vmem>>, vector<1x1x16xi32>,
    %swap3A_106 = vector.shape_cast %swap3A_105 : vector<1x1x16xi32> to vector<16xi32>
    %swap3A_107 = vector.shape_cast %shift_right_logical3A_99 : vector<16xi32> to vector<1x1x16xi32>
    tpu.vector_store %arg6[%swap3A_102, %swap3A_103, %swap3A_104], %swap3A_107 {strides = array<i32>} : memref<4x2x64xi32, #tpu.memory_space<vmem>>, vector<1x1x16xi32>,
    %dma_start3A = arith.constant 0 : i32
    %dma_start3A_108 = arith.constant 0 : i32
    %dma_start3A_109 = arith.constant 0 : i32
    %dma_start3A_110 = arith.constant 0 : i32
    %dma_start3A_111 = arith.constant 0 : i32
    %dma_start3A_112 = tpu.memref_slice %arg7[%dma_start3A_110, %dma_start3A_111] : memref<256x64xf32, #tpu.memory_space<vmem>> -> memref<64x64xf32, #tpu.memory_space<vmem>>
    %dma_start3A_113 = arith.constant 0 : i32
    %dma_start3A_114 = tpu.memref_slice %arg6[%dma_start3A, %dma_start3A_108, %dma_start3A_113] : memref<4x2x64xi32, #tpu.memory_space<vmem>> -> memref<1x1x64xi32, #tpu.memory_space<vmem>>
    %dma_start3A_115 = tpu.memref_squeeze %dma_start3A_114 : memref<1x1x64xi32, #tpu.memory_space<vmem>> -> memref<64xi32, #tpu.memory_space<vmem>>
    %dma_start3A_116 = arith.constant 0 : i32
    %dma_start3A_117 = arith.constant 0 : i32
    %dma_start3A_118 = tpu.memref_slice %arg9[%dma_start3A_116, %dma_start3A_117] : memref<10112x64xf32, #tpu.memory_space<vmem_shared>> -> memref<10112x64xf32, #tpu.memory_space<vmem_shared>>
    %dma_start3A_119 = tpu.memref_slice %arg10[%dma_start3A_109] : memref<4x!tpu.dma_semaphore, #tpu.memory_space<semaphore_mem>> -> memref<1x!tpu.dma_semaphore, #tpu.memory_space<semaphore_mem>>
    %dma_start3A_120 = tpu.memref_squeeze %dma_start3A_119 : memref<1x!tpu.dma_semaphore, #tpu.memory_space<semaphore_mem>> -> memref<!tpu.dma_semaphore, #tpu.memory_space<semaphore_mem>>
    tpu.enqueue_indirect_dma source(%dma_start3A_118 : memref<10112x64xf32, #tpu.memory_space<vmem_shared>>) target(%dma_start3A_112 : memref<64x64xf32, #tpu.memory_space<vmem>>) offsets(%dma_start3A_115 : memref<64xi32, #tpu.memory_space<vmem>>) semaphore(%dma_start3A_120 : memref<!tpu.dma_semaphore, #tpu.memory_space<semaphore_mem>>)
    %get3A_121 = arith.constant 0 : i32
    %get3A_122 = arith.index_cast %get3A_121 : i32 to index
    %get3A_123 = arith.constant 64 : index
    %get3A_124 = tpu.vector_load %arg5[%get3A_122, %get3A_123] {strides = array<i32>} : memref<160x128xi32, #tpu.memory_space<vmem>>, vector<1x16xi32>,
    %get3A_125 = vector.shape_cast %get3A_124 : vector<1x16xi32> to vector<16xi32>
    %and3A_126 = arith.andi %get3A_125, %broadcast_in_dim3A_17 : vector<16xi32>
    %swap3A_127 = arith.constant 1 : i32
    %swap3A_128 = arith.constant 0 : i32
    %swap3A_129 = arith.index_cast %swap3A_127 : i32 to index
    %swap3A_130 = arith.index_cast %swap3A_128 : i32 to index
    %swap3A_131 = arith.constant 0 : index
    %swap3A_132 = tpu.vector_load %arg6[%swap3A_129, %swap3A_130, %swap3A_131] {strides = array<i32>} : memref<4x2x64xi32, #tpu.memory_space<vmem>>, vector<1x1x16xi32>,
    %swap3A_133 = vector.shape_cast %swap3A_132 : vector<1x1x16xi32> to vector<16xi32>
    %swap3A_134 = vector.shape_cast %and3A_126 : vector<16xi32> to vector<1x1x16xi32>
    tpu.vector_store %arg6[%swap3A_129, %swap3A_130, %swap3A_131], %swap3A_134 {strides = array<i32>} : memref<4x2x64xi32, #tpu.memory_space<vmem>>, vector<1x1x16xi32>,
    %shift_right_logical3A_135 = arith.shrui %get3A_125, %broadcast_in_dim3A_19 : vector<16xi32>
    %swap3A_136 = arith.constant 1 : i32
    %swap3A_137 = arith.constant 1 : i32
    %swap3A_138 = arith.index_cast %swap3A_136 : i32 to index
    %swap3A_139 = arith.index_cast %swap3A_137 : i32 to index
    %swap3A_140 = arith.constant 0 : index
    %swap3A_141 = tpu.vector_load %arg6[%swap3A_138, %swap3A_139, %swap3A_140] {strides = array<i32>} : memref<4x2x64xi32, #tpu.memory_space<vmem>>, vector<1x1x16xi32>,
    %swap3A_142 = vector.shape_cast %swap3A_141 : vector<1x1x16xi32> to vector<16xi32>
    %swap3A_143 = vector.shape_cast %shift_right_logical3A_135 : vector<16xi32> to vector<1x1x16xi32>
    tpu.vector_store %arg6[%swap3A_138, %swap3A_139, %swap3A_140], %swap3A_143 {strides = array<i32>} : memref<4x2x64xi32, #tpu.memory_space<vmem>>, vector<1x1x16xi32>,
    %get3A_144 = arith.constant 0 : i32
    %get3A_145 = arith.index_cast %get3A_144 : i32 to index
    %get3A_146 = arith.constant 80 : index
    %get3A_147 = tpu.vector_load %arg5[%get3A_145, %get3A_146] {strides = array<i32>} : memref<160x128xi32, #tpu.memory_space<vmem>>, vector<1x16xi32>,
    %get3A_148 = vector.shape_cast %get3A_147 : vector<1x16xi32> to vector<16xi32>
    %and3A_149 = arith.andi %get3A_148, %broadcast_in_dim3A_17 : vector<16xi32>
    %swap3A_150 = arith.constant 1 : i32
    %swap3A_151 = arith.constant 0 : i32
    %swap3A_152 = arith.index_cast %swap3A_150 : i32 to index
    %swap3A_153 = arith.index_cast %swap3A_151 : i32 to index
    %swap3A_154 = arith.constant 16 : index
    %swap3A_155 = tpu.vector_load %arg6[%swap3A_152, %swap3A_153, %swap3A_154] {strides = array<i32>} : memref<4x2x64xi32, #tpu.memory_space<vmem>>, vector<1x1x16xi32>,
    %swap3A_156 = vector.shape_cast %swap3A_155 : vector<1x1x16xi32> to vector<16xi32>
    %swap3A_157 = vector.shape_cast %and3A_149 : vector<16xi32> to vector<1x1x16xi32>
    tpu.vector_store %arg6[%swap3A_152, %swap3A_153, %swap3A_154], %swap3A_157 {strides = array<i32>} : memref<4x2x64xi32, #tpu.memory_space<vmem>>, vector<1x1x16xi32>,
    %shift_right_logical3A_158 = arith.shrui %get3A_148, %broadcast_in_dim3A_19 : vector<16xi32>
    %swap3A_159 = arith.constant 1 : i32
    %swap3A_160 = arith.constant 1 : i32
    %swap3A_161 = arith.index_cast %swap3A_159 : i32 to index
    %swap3A_162 = arith.index_cast %swap3A_160 : i32 to index
    %swap3A_163 = arith.constant 16 : index
    %swap3A_164 = tpu.vector_load %arg6[%swap3A_161, %swap3A_162, %swap3A_163] {strides = array<i32>} : memref<4x2x64xi32, #tpu.memory_space<vmem>>, vector<1x1x16xi32>,
    %swap3A_165 = vector.shape_cast %swap3A_164 : vector<1x1x16xi32> to vector<16xi32>
    %swap3A_166 = vector.shape_cast %shift_right_logical3A_158 : vector<16xi32> to vector<1x1x16xi32>
    tpu.vector_store %arg6[%swap3A_161, %swap3A_162, %swap3A_163], %swap3A_166 {strides = array<i32>} : memref<4x2x64xi32, #tpu.memory_space<vmem>>, vector<1x1x16xi32>,
    %get3A_167 = arith.constant 0 : i32
    %get3A_168 = arith.index_cast %get3A_167 : i32 to index
    %get3A_169 = arith.constant 96 : index
    %get3A_170 = tpu.vector_load %arg5[%get3A_168, %get3A_169] {strides = array<i32>} : memref<160x128xi32, #tpu.memory_space<vmem>>, vector<1x16xi32>,
    %get3A_171 = vector.shape_cast %get3A_170 : vector<1x16xi32> to vector<16xi32>
    %and3A_172 = arith.andi %get3A_171, %broadcast_in_dim3A_17 : vector<16xi32>
    %swap3A_173 = arith.constant 1 : i32
    %swap3A_174 = arith.constant 0 : i32
    %swap3A_175 = arith.index_cast %swap3A_173 : i32 to index
    %swap3A_176 = arith.index_cast %swap3A_174 : i32 to index
    %swap3A_177 = arith.constant 32 : index
    %swap3A_178 = tpu.vector_load %arg6[%swap3A_175, %swap3A_176, %swap3A_177] {strides = array<i32>} : memref<4x2x64xi32, #tpu.memory_space<vmem>>, vector<1x1x16xi32>,
    %swap3A_179 = vector.shape_cast %swap3A_178 : vector<1x1x16xi32> to vector<16xi32>
    %swap3A_180 = vector.shape_cast %and3A_172 : vector<16xi32> to vector<1x1x16xi32>
    tpu.vector_store %arg6[%swap3A_175, %swap3A_176, %swap3A_177], %swap3A_180 {strides = array<i32>} : memref<4x2x64xi32, #tpu.memory_space<vmem>>, vector<1x1x16xi32>,
    %shift_right_logical3A_181 = arith.shrui %get3A_171, %broadcast_in_dim3A_19 : vector<16xi32>
    %swap3A_182 = arith.constant 1 : i32
    %swap3A_183 = arith.constant 1 : i32
    %swap3A_184 = arith.index_cast %swap3A_182 : i32 to index
    %swap3A_185 = arith.index_cast %swap3A_183 : i32 to index
    %swap3A_186 = arith.constant 32 : index
    %swap3A_187 = tpu.vector_load %arg6[%swap3A_184, %swap3A_185, %swap3A_186] {strides = array<i32>} : memref<4x2x64xi32, #tpu.memory_space<vmem>>, vector<1x1x16xi32>,
    %swap3A_188 = vector.shape_cast %swap3A_187 : vector<1x1x16xi32> to vector<16xi32>
    %swap3A_189 = vector.shape_cast %shift_right_logical3A_181 : vector<16xi32> to vector<1x1x16xi32>
    tpu.vector_store %arg6[%swap3A_184, %swap3A_185, %swap3A_186], %swap3A_189 {strides = array<i32>} : memref<4x2x64xi32, #tpu.memory_space<vmem>>, vector<1x1x16xi32>,
    %get3A_190 = arith.constant 0 : i32
    %get3A_191 = arith.index_cast %get3A_190 : i32 to index
    %get3A_192 = arith.constant 112 : index
    %get3A_193 = tpu.vector_load %arg5[%get3A_191, %get3A_192] {strides = array<i32>} : memref<160x128xi32, #tpu.memory_space<vmem>>, vector<1x16xi32>,
    %get3A_194 = vector.shape_cast %get3A_193 : vector<1x16xi32> to vector<16xi32>
    %and3A_195 = arith.andi %get3A_194, %broadcast_in_dim3A_17 : vector<16xi32>
    %swap3A_196 = arith.constant 1 : i32
    %swap3A_197 = arith.constant 0 : i32
    %swap3A_198 = arith.index_cast %swap3A_196 : i32 to index
    %swap3A_199 = arith.index_cast %swap3A_197 : i32 to index
    %swap3A_200 = arith.constant 48 : index
    %swap3A_201 = tpu.vector_load %arg6[%swap3A_198, %swap3A_199, %swap3A_200] {strides = array<i32>} : memref<4x2x64xi32, #tpu.memory_space<vmem>>, vector<1x1x16xi32>,
    %swap3A_202 = vector.shape_cast %swap3A_201 : vector<1x1x16xi32> to vector<16xi32>
    %swap3A_203 = vector.shape_cast %and3A_195 : vector<16xi32> to vector<1x1x16xi32>
    tpu.vector_store %arg6[%swap3A_198, %swap3A_199, %swap3A_200], %swap3A_203 {strides = array<i32>} : memref<4x2x64xi32, #tpu.memory_space<vmem>>, vector<1x1x16xi32>,
    %shift_right_logical3A_204 = arith.shrui %get3A_194, %broadcast_in_dim3A_19 : vector<16xi32>
    %swap3A_205 = arith.constant 1 : i32
    %swap3A_206 = arith.constant 1 : i32
    %swap3A_207 = arith.index_cast %swap3A_205 : i32 to index
    %swap3A_208 = arith.index_cast %swap3A_206 : i32 to index
    %swap3A_209 = arith.constant 48 : index
    %swap3A_210 = tpu.vector_load %arg6[%swap3A_207, %swap3A_208, %swap3A_209] {strides = array<i32>} : memref<4x2x64xi32, #tpu.memory_space<vmem>>, vector<1x1x16xi32>,
    %swap3A_211 = vector.shape_cast %swap3A_210 : vector<1x1x16xi32> to vector<16xi32>
    %swap3A_212 = vector.shape_cast %shift_right_logical3A_204 : vector<16xi32> to vector<1x1x16xi32>
    tpu.vector_store %arg6[%swap3A_207, %swap3A_208, %swap3A_209], %swap3A_212 {strides = array<i32>} : memref<4x2x64xi32, #tpu.memory_space<vmem>>, vector<1x1x16xi32>,
    %dma_start3A_213 = arith.constant 1 : i32
    %dma_start3A_214 = arith.constant 0 : i32
    %dma_start3A_215 = arith.constant 1 : i32
    %dma_start3A_216 = arith.constant 64 : i32
    %dma_start3A_217 = arith.constant 0 : i32
    %dma_start3A_218 = tpu.memref_slice %arg7[%dma_start3A_216, %dma_start3A_217] : memref<256x64xf32, #tpu.memory_space<vmem>> -> memref<64x64xf32, #tpu.memory_space<vmem>>
    %dma_start3A_219 = arith.constant 0 : i32
    %dma_start3A_220 = tpu.memref_slice %arg6[%dma_start3A_213, %dma_start3A_214, %dma_start3A_219] : memref<4x2x64xi32, #tpu.memory_space<vmem>> -> memref<1x1x64xi32, #tpu.memory_space<vmem>>
    %dma_start3A_221 = tpu.memref_squeeze %dma_start3A_220 : memref<1x1x64xi32, #tpu.memory_space<vmem>> -> memref<64xi32, #tpu.memory_space<vmem>>
    %dma_start3A_222 = arith.constant 0 : i32
    %dma_start3A_223 = arith.constant 0 : i32
    %dma_start3A_224 = tpu.memref_slice %arg9[%dma_start3A_222, %dma_start3A_223] : memref<10112x64xf32, #tpu.memory_space<vmem_shared>> -> memref<10112x64xf32, #tpu.memory_space<vmem_shared>>
    %dma_start3A_225 = tpu.memref_slice %arg10[%dma_start3A_215] : memref<4x!tpu.dma_semaphore, #tpu.memory_space<semaphore_mem>> -> memref<1x!tpu.dma_semaphore, #tpu.memory_space<semaphore_mem>>
    %dma_start3A_226 = tpu.memref_squeeze %dma_start3A_225 : memref<1x!tpu.dma_semaphore, #tpu.memory_space<semaphore_mem>> -> memref<!tpu.dma_semaphore, #tpu.memory_space<semaphore_mem>>
    tpu.enqueue_indirect_dma source(%dma_start3A_224 : memref<10112x64xf32, #tpu.memory_space<vmem_shared>>) target(%dma_start3A_218 : memref<64x64xf32, #tpu.memory_space<vmem>>) offsets(%dma_start3A_221 : memref<64xi32, #tpu.memory_space<vmem>>) semaphore(%dma_start3A_226 : memref<!tpu.dma_semaphore, #tpu.memory_space<semaphore_mem>>)
    %get3A_227 = arith.constant 1 : i32
    %get3A_228 = arith.index_cast %get3A_227 : i32 to index
    %get3A_229 = arith.constant 0 : index
    %get3A_230 = tpu.vector_load %arg5[%get3A_228, %get3A_229] {strides = array<i32>} : memref<160x128xi32, #tpu.memory_space<vmem>>, vector<1x16xi32>,
    %get3A_231 = vector.shape_cast %get3A_230 : vector<1x16xi32> to vector<16xi32>
    %and3A_232 = arith.andi %get3A_231, %broadcast_in_dim3A_17 : vector<16xi32>
    %swap3A_233 = arith.constant 2 : i32
    %swap3A_234 = arith.constant 0 : i32
    %swap3A_235 = arith.index_cast %swap3A_233 : i32 to index
    %swap3A_236 = arith.index_cast %swap3A_234 : i32 to index
    %swap3A_237 = arith.constant 0 : index
    %swap3A_238 = tpu.vector_load %arg6[%swap3A_235, %swap3A_236, %swap3A_237] {strides = array<i32>} : memref<4x2x64xi32, #tpu.memory_space<vmem>>, vector<1x1x16xi32>,
    %swap3A_239 = vector.shape_cast %swap3A_238 : vector<1x1x16xi32> to vector<16xi32>
    %swap3A_240 = vector.shape_cast %and3A_232 : vector<16xi32> to vector<1x1x16xi32>
    tpu.vector_store %arg6[%swap3A_235, %swap3A_236, %swap3A_237], %swap3A_240 {strides = array<i32>} : memref<4x2x64xi32, #tpu.memory_space<vmem>>, vector<1x1x16xi32>,
    %shift_right_logical3A_241 = arith.shrui %get3A_231, %broadcast_in_dim3A_19 : vector<16xi32>
    %swap3A_242 = arith.constant 2 : i32
    %swap3A_243 = arith.constant 1 : i32
    %swap3A_244 = arith.index_cast %swap3A_242 : i32 to index
    %swap3A_245 = arith.index_cast %swap3A_243 : i32 to index
    %swap3A_246 = arith.constant 0 : index
    %swap3A_247 = tpu.vector_load %arg6[%swap3A_244, %swap3A_245, %swap3A_246] {strides = array<i32>} : memref<4x2x64xi32, #tpu.memory_space<vmem>>, vector<1x1x16xi32>,
    %swap3A_248 = vector.shape_cast %swap3A_247 : vector<1x1x16xi32> to vector<16xi32>
    %swap3A_249 = vector.shape_cast %shift_right_logical3A_241 : vector<16xi32> to vector<1x1x16xi32>
    tpu.vector_store %arg6[%swap3A_244, %swap3A_245, %swap3A_246], %swap3A_249 {strides = array<i32>} : memref<4x2x64xi32, #tpu.memory_space<vmem>>, vector<1x1x16xi32>,
    %get3A_250 = arith.constant 1 : i32
    %get3A_251 = arith.index_cast %get3A_250 : i32 to index
    %get3A_252 = arith.constant 16 : index
    %get3A_253 = tpu.vector_load %arg5[%get3A_251, %get3A_252] {strides = array<i32>} : memref<160x128xi32, #tpu.memory_space<vmem>>, vector<1x16xi32>,
    %get3A_254 = vector.shape_cast %get3A_253 : vector<1x16xi32> to vector<16xi32>
    %and3A_255 = arith.andi %get3A_254, %broadcast_in_dim3A_17 : vector<16xi32>
    %swap3A_256 = arith.constant 2 : i32
    %swap3A_257 = arith.constant 0 : i32
    %swap3A_258 = arith.index_cast %swap3A_256 : i32 to index
    %swap3A_259 = arith.index_cast %swap3A_257 : i32 to index
    %swap3A_260 = arith.constant 16 : index
    %swap3A_261 = tpu.vector_load %arg6[%swap3A_258, %swap3A_259, %swap3A_260] {strides = array<i32>} : memref<4x2x64xi32, #tpu.memory_space<vmem>>, vector<1x1x16xi32>,
    %swap3A_262 = vector.shape_cast %swap3A_261 : vector<1x1x16xi32> to vector<16xi32>
    %swap3A_263 = vector.shape_cast %and3A_255 : vector<16xi32> to vector<1x1x16xi32>
    tpu.vector_store %arg6[%swap3A_258, %swap3A_259, %swap3A_260], %swap3A_263 {strides = array<i32>} : memref<4x2x64xi32, #tpu.memory_space<vmem>>, vector<1x1x16xi32>,
    %shift_right_logical3A_264 = arith.shrui %get3A_254, %broadcast_in_dim3A_19 : vector<16xi32>
    %swap3A_265 = arith.constant 2 : i32
    %swap3A_266 = arith.constant 1 : i32
    %swap3A_267 = arith.index_cast %swap3A_265 : i32 to index
    %swap3A_268 = arith.index_cast %swap3A_266 : i32 to index
    %swap3A_269 = arith.constant 16 : index
    %swap3A_270 = tpu.vector_load %arg6[%swap3A_267, %swap3A_268, %swap3A_269] {strides = array<i32>} : memref<4x2x64xi32, #tpu.memory_space<vmem>>, vector<1x1x16xi32>,
    %swap3A_271 = vector.shape_cast %swap3A_270 : vector<1x1x16xi32> to vector<16xi32>
    %swap3A_272 = vector.shape_cast %shift_right_logical3A_264 : vector<16xi32> to vector<1x1x16xi32>
    tpu.vector_store %arg6[%swap3A_267, %swap3A_268, %swap3A_269], %swap3A_272 {strides = array<i32>} : memref<4x2x64xi32, #tpu.memory_space<vmem>>, vector<1x1x16xi32>,
    %get3A_273 = arith.constant 1 : i32
    %get3A_274 = arith.index_cast %get3A_273 : i32 to index
    %get3A_275 = arith.constant 32 : index
    %get3A_276 = tpu.vector_load %arg5[%get3A_274, %get3A_275] {strides = array<i32>} : memref<160x128xi32, #tpu.memory_space<vmem>>, vector<1x16xi32>,
    %get3A_277 = vector.shape_cast %get3A_276 : vector<1x16xi32> to vector<16xi32>
    %and3A_278 = arith.andi %get3A_277, %broadcast_in_dim3A_17 : vector<16xi32>
    %swap3A_279 = arith.constant 2 : i32
    %swap3A_280 = arith.constant 0 : i32
    %swap3A_281 = arith.index_cast %swap3A_279 : i32 to index
    %swap3A_282 = arith.index_cast %swap3A_280 : i32 to index
    %swap3A_283 = arith.constant 32 : index
    %swap3A_284 = tpu.vector_load %arg6[%swap3A_281, %swap3A_282, %swap3A_283] {strides = array<i32>} : memref<4x2x64xi32, #tpu.memory_space<vmem>>, vector<1x1x16xi32>,
    %swap3A_285 = vector.shape_cast %swap3A_284 : vector<1x1x16xi32> to vector<16xi32>
    %swap3A_286 = vector.shape_cast %and3A_278 : vector<16xi32> to vector<1x1x16xi32>
    tpu.vector_store %arg6[%swap3A_281, %swap3A_282, %swap3A_283], %swap3A_286 {strides = array<i32>} : memref<4x2x64xi32, #tpu.memory_space<vmem>>, vector<1x1x16xi32>,
    %shift_right_logical3A_287 = arith.shrui %get3A_277, %broadcast_in_dim3A_19 : vector<16xi32>
    %swap3A_288 = arith.constant 2 : i32
    %swap3A_289 = arith.constant 1 : i32
    %swap3A_290 = arith.index_cast %swap3A_288 : i32 to index
    %swap3A_291 = arith.index_cast %swap3A_289 : i32 to index
    %swap3A_292 = arith.constant 32 : index
    %swap3A_293 = tpu.vector_load %arg6[%swap3A_290, %swap3A_291, %swap3A_292] {strides = array<i32>} : memref<4x2x64xi32, #tpu.memory_space<vmem>>, vector<1x1x16xi32>,
    %swap3A_294 = vector.shape_cast %swap3A_293 : vector<1x1x16xi32> to vector<16xi32>
    %swap3A_295 = vector.shape_cast %shift_right_logical3A_287 : vector<16xi32> to vector<1x1x16xi32>
    tpu.vector_store %arg6[%swap3A_290, %swap3A_291, %swap3A_292], %swap3A_295 {strides = array<i32>} : memref<4x2x64xi32, #tpu.memory_space<vmem>>, vector<1x1x16xi32>,
    %get3A_296 = arith.constant 1 : i32
    %get3A_297 = arith.index_cast %get3A_296 : i32 to index
    %get3A_298 = arith.constant 48 : index
    %get3A_299 = tpu.vector_load %arg5[%get3A_297, %get3A_298] {strides = array<i32>} : memref<160x128xi32, #tpu.memory_space<vmem>>, vector<1x16xi32>,
    %get3A_300 = vector.shape_cast %get3A_299 : vector<1x16xi32> to vector<16xi32>
    %and3A_301 = arith.andi %get3A_300, %broadcast_in_dim3A_17 : vector<16xi32>
    %swap3A_302 = arith.constant 2 : i32
    %swap3A_303 = arith.constant 0 : i32
    %swap3A_304 = arith.index_cast %swap3A_302 : i32 to index
    %swap3A_305 = arith.index_cast %swap3A_303 : i32 to index
    %swap3A_306 = arith.constant 48 : index
    %swap3A_307 = tpu.vector_load %arg6[%swap3A_304, %swap3A_305, %swap3A_306] {strides = array<i32>} : memref<4x2x64xi32, #tpu.memory_space<vmem>>, vector<1x1x16xi32>,
    %swap3A_308 = vector.shape_cast %swap3A_307 : vector<1x1x16xi32> to vector<16xi32>
    %swap3A_309 = vector.shape_cast %and3A_301 : vector<16xi32> to vector<1x1x16xi32>
    tpu.vector_store %arg6[%swap3A_304, %swap3A_305, %swap3A_306], %swap3A_309 {strides = array<i32>} : memref<4x2x64xi32, #tpu.memory_space<vmem>>, vector<1x1x16xi32>,
    %shift_right_logical3A_310 = arith.shrui %get3A_300, %broadcast_in_dim3A_19 : vector<16xi32>
    %swap3A_311 = arith.constant 2 : i32
    %swap3A_312 = arith.constant 1 : i32
    %swap3A_313 = arith.index_cast %swap3A_311 : i32 to index
    %swap3A_314 = arith.index_cast %swap3A_312 : i32 to index
    %swap3A_315 = arith.constant 48 : index
    %swap3A_316 = tpu.vector_load %arg6[%swap3A_313, %swap3A_314, %swap3A_315] {strides = array<i32>} : memref<4x2x64xi32, #tpu.memory_space<vmem>>, vector<1x1x16xi32>,
    %swap3A_317 = vector.shape_cast %swap3A_316 : vector<1x1x16xi32> to vector<16xi32>
    %swap3A_318 = vector.shape_cast %shift_right_logical3A_310 : vector<16xi32> to vector<1x1x16xi32>
    tpu.vector_store %arg6[%swap3A_313, %swap3A_314, %swap3A_315], %swap3A_318 {strides = array<i32>} : memref<4x2x64xi32, #tpu.memory_space<vmem>>, vector<1x1x16xi32>,
    %dma_start3A_319 = arith.constant 2 : i32
    %dma_start3A_320 = arith.constant 0 : i32
    %dma_start3A_321 = arith.constant 2 : i32
    %dma_start3A_322 = arith.constant 128 : i32
    %dma_start3A_323 = arith.constant 0 : i32
    %dma_start3A_324 = tpu.memref_slice %arg7[%dma_start3A_322, %dma_start3A_323] : memref<256x64xf32, #tpu.memory_space<vmem>> -> memref<64x64xf32, #tpu.memory_space<vmem>>
    %dma_start3A_325 = arith.constant 0 : i32
    %dma_start3A_326 = tpu.memref_slice %arg6[%dma_start3A_319, %dma_start3A_320, %dma_start3A_325] : memref<4x2x64xi32, #tpu.memory_space<vmem>> -> memref<1x1x64xi32, #tpu.memory_space<vmem>>
    %dma_start3A_327 = tpu.memref_squeeze %dma_start3A_326 : memref<1x1x64xi32, #tpu.memory_space<vmem>> -> memref<64xi32, #tpu.memory_space<vmem>>
    %dma_start3A_328 = arith.constant 0 : i32
    %dma_start3A_329 = arith.constant 0 : i32
    %dma_start3A_330 = tpu.memref_slice %arg9[%dma_start3A_328, %dma_start3A_329] : memref<10112x64xf32, #tpu.memory_space<vmem_shared>> -> memref<10112x64xf32, #tpu.memory_space<vmem_shared>>
    %dma_start3A_331 = tpu.memref_slice %arg10[%dma_start3A_321] : memref<4x!tpu.dma_semaphore, #tpu.memory_space<semaphore_mem>> -> memref<1x!tpu.dma_semaphore, #tpu.memory_space<semaphore_mem>>
    %dma_start3A_332 = tpu.memref_squeeze %dma_start3A_331 : memref<1x!tpu.dma_semaphore, #tpu.memory_space<semaphore_mem>> -> memref<!tpu.dma_semaphore, #tpu.memory_space<semaphore_mem>>
    tpu.enqueue_indirect_dma source(%dma_start3A_330 : memref<10112x64xf32, #tpu.memory_space<vmem_shared>>) target(%dma_start3A_324 : memref<64x64xf32, #tpu.memory_space<vmem>>) offsets(%dma_start3A_327 : memref<64xi32, #tpu.memory_space<vmem>>) semaphore(%dma_start3A_332 : memref<!tpu.dma_semaphore, #tpu.memory_space<semaphore_mem>>)
    %dma_wait3A = arith.constant 0 : i32
    %dma_wait3A_333 = arith.constant 0 : i32
    %dma_wait3A_334 = arith.constant 0 : i32
    %dma_wait3A_335 = arith.constant 0 : i32
    %dma_wait3A_336 = arith.constant 0 : i32
    %dma_wait3A_337 = tpu.memref_slice %arg7[%dma_wait3A_335, %dma_wait3A_336] : memref<256x64xf32, #tpu.memory_space<vmem>> -> memref<64x64xf32, #tpu.memory_space<vmem>>
    %dma_wait3A_338 = arith.constant 0 : i32
    %dma_wait3A_339 = tpu.memref_slice %arg6[%dma_wait3A, %dma_wait3A_333, %dma_wait3A_338] : memref<4x2x64xi32, #tpu.memory_space<vmem>> -> memref<1x1x64xi32, #tpu.memory_space<vmem>>
    %dma_wait3A_340 = tpu.memref_squeeze %dma_wait3A_339 : memref<1x1x64xi32, #tpu.memory_space<vmem>> -> memref<64xi32, #tpu.memory_space<vmem>>
    %dma_wait3A_341 = arith.constant 0 : i32
    %dma_wait3A_342 = arith.constant 0 : i32
    %dma_wait3A_343 = tpu.memref_slice %arg9[%dma_wait3A_341, %dma_wait3A_342] : memref<10112x64xf32, #tpu.memory_space<vmem_shared>> -> memref<10112x64xf32, #tpu.memory_space<vmem_shared>>
    %dma_wait3A_344 = tpu.memref_slice %arg10[%dma_wait3A_334] : memref<4x!tpu.dma_semaphore, #tpu.memory_space<semaphore_mem>> -> memref<1x!tpu.dma_semaphore, #tpu.memory_space<semaphore_mem>>
    %dma_wait3A_345 = tpu.memref_squeeze %dma_wait3A_344 : memref<1x!tpu.dma_semaphore, #tpu.memory_space<semaphore_mem>> -> memref<!tpu.dma_semaphore, #tpu.memory_space<semaphore_mem>>
    tpu.wait_indirect_dma semaphore(%dma_wait3A_345 : memref<!tpu.dma_semaphore, #tpu.memory_space<semaphore_mem>>) src(%dma_wait3A_343 : memref<10112x64xf32, #tpu.memory_space<vmem_shared>>) dst(%dma_wait3A_337 : memref<64x64xf32, #tpu.memory_space<vmem>>)
    %dma_start3A_346 = arith.constant 0 : i32
    %dma_start3A_347 = arith.constant 1 : i32
    %dma_start3A_348 = arith.constant 0 : i32
    %dma_start3A_349 = arith.constant 0 : i32
    %dma_start3A_350 = arith.constant 0 : i32
    %dma_start3A_351 = tpu.memref_slice %arg7[%dma_start3A_349, %dma_start3A_350] : memref<256x64xf32, #tpu.memory_space<vmem>> -> memref<64x64xf32, #tpu.memory_space<vmem>>
    %dma_start3A_352 = arith.constant 0 : i32
    %dma_start3A_353 = tpu.memref_slice %arg6[%dma_start3A_346, %dma_start3A_347, %dma_start3A_352] : memref<4x2x64xi32, #tpu.memory_space<vmem>> -> memref<1x1x64xi32, #tpu.memory_space<vmem>>
    %dma_start3A_354 = tpu.memref_squeeze %dma_start3A_353 : memref<1x1x64xi32, #tpu.memory_space<vmem>> -> memref<64xi32, #tpu.memory_space<vmem>>
    %dma_start3A_355 = arith.constant 0 : i32
    %dma_start3A_356 = arith.constant 0 : i32
    %dma_start3A_357 = tpu.memref_slice %arg8[%dma_start3A_355, %dma_start3A_356] : memref<10112x64xf32, #tpu.memory_space<vmem_shared>> -> memref<10112x64xf32, #tpu.memory_space<vmem_shared>>
    %dma_start3A_358 = tpu.memref_slice %arg11[%dma_start3A_348] : memref<4x!tpu.dma_semaphore, #tpu.memory_space<semaphore_mem>> -> memref<1x!tpu.dma_semaphore, #tpu.memory_space<semaphore_mem>>
    %dma_start3A_359 = tpu.memref_squeeze %dma_start3A_358 : memref<1x!tpu.dma_semaphore, #tpu.memory_space<semaphore_mem>> -> memref<!tpu.dma_semaphore, #tpu.memory_space<semaphore_mem>>
    tpu.enqueue_indirect_dma source(%dma_start3A_351 : memref<64x64xf32, #tpu.memory_space<vmem>>) target(%dma_start3A_357 : memref<10112x64xf32, #tpu.memory_space<vmem_shared>>) offsets(%dma_start3A_354 : memref<64xi32, #tpu.memory_space<vmem>>) semaphore(%dma_start3A_359 : memref<!tpu.dma_semaphore, #tpu.memory_space<semaphore_mem>>) {add = true}
    %get3A_360 = arith.constant 1 : i32
    %get3A_361 = arith.index_cast %get3A_360 : i32 to index
    %get3A_362 = arith.constant 64 : index
    %get3A_363 = tpu.vector_load %arg5[%get3A_361, %get3A_362] {strides = array<i32>} : memref<160x128xi32, #tpu.memory_space<vmem>>, vector<1x16xi32>,
    %get3A_364 = vector.shape_cast %get3A_363 : vector<1x16xi32> to vector<16xi32>
    %and3A_365 = arith.andi %get3A_364, %broadcast_in_dim3A_17 : vector<16xi32>
    %swap3A_366 = arith.constant 3 : i32
    %swap3A_367 = arith.constant 0 : i32
    %swap3A_368 = arith.index_cast %swap3A_366 : i32 to index
    %swap3A_369 = arith.index_cast %swap3A_367 : i32 to index
    %swap3A_370 = arith.constant 0 : index
    %swap3A_371 = tpu.vector_load %arg6[%swap3A_368, %swap3A_369, %swap3A_370] {strides = array<i32>} : memref<4x2x64xi32, #tpu.memory_space<vmem>>, vector<1x1x16xi32>,
    %swap3A_372 = vector.shape_cast %swap3A_371 : vector<1x1x16xi32> to vector<16xi32>
    %swap3A_373 = vector.shape_cast %and3A_365 : vector<16xi32> to vector<1x1x16xi32>
    tpu.vector_store %arg6[%swap3A_368, %swap3A_369, %swap3A_370], %swap3A_373 {strides = array<i32>} : memref<4x2x64xi32, #tpu.memory_space<vmem>>, vector<1x1x16xi32>,
    %shift_right_logical3A_374 = arith.shrui %get3A_364, %broadcast_in_dim3A_19 : vector<16xi32>
    %swap3A_375 = arith.constant 3 : i32
    %swap3A_376 = arith.constant 1 : i32
    %swap3A_377 = arith.index_cast %swap3A_375 : i32 to index
    %swap3A_378 = arith.index_cast %swap3A_376 : i32 to index
    %swap3A_379 = arith.constant 0 : index
    %swap3A_380 = tpu.vector_load %arg6[%swap3A_377, %swap3A_378, %swap3A_379] {strides = array<i32>} : memref<4x2x64xi32, #tpu.memory_space<vmem>>, vector<1x1x16xi32>,
    %swap3A_381 = vector.shape_cast %swap3A_380 : vector<1x1x16xi32> to vector<16xi32>
    %swap3A_382 = vector.shape_cast %shift_right_logical3A_374 : vector<16xi32> to vector<1x1x16xi32>
    tpu.vector_store %arg6[%swap3A_377, %swap3A_378, %swap3A_379], %swap3A_382 {strides = array<i32>} : memref<4x2x64xi32, #tpu.memory_space<vmem>>, vector<1x1x16xi32>,
    %get3A_383 = arith.constant 1 : i32
    %get3A_384 = arith.index_cast %get3A_383 : i32 to index
    %get3A_385 = arith.constant 80 : index
    %get3A_386 = tpu.vector_load %arg5[%get3A_384, %get3A_385] {strides = array<i32>} : memref<160x128xi32, #tpu.memory_space<vmem>>, vector<1x16xi32>,
    %get3A_387 = vector.shape_cast %get3A_386 : vector<1x16xi32> to vector<16xi32>
    %and3A_388 = arith.andi %get3A_387, %broadcast_in_dim3A_17 : vector<16xi32>
    %swap3A_389 = arith.constant 3 : i32
    %swap3A_390 = arith.constant 0 : i32
    %swap3A_391 = arith.index_cast %swap3A_389 : i32 to index
    %swap3A_392 = arith.index_cast %swap3A_390 : i32 to index
    %swap3A_393 = arith.constant 16 : index
    %swap3A_394 = tpu.vector_load %arg6[%swap3A_391, %swap3A_392, %swap3A_393] {strides = array<i32>} : memref<4x2x64xi32, #tpu.memory_space<vmem>>, vector<1x1x16xi32>,
    %swap3A_395 = vector.shape_cast %swap3A_394 : vector<1x1x16xi32> to vector<16xi32>
    %swap3A_396 = vector.shape_cast %and3A_388 : vector<16xi32> to vector<1x1x16xi32>
    tpu.vector_store %arg6[%swap3A_391, %swap3A_392, %swap3A_393], %swap3A_396 {strides = array<i32>} : memref<4x2x64xi32, #tpu.memory_space<vmem>>, vector<1x1x16xi32>,
    %shift_right_logical3A_397 = arith.shrui %get3A_387, %broadcast_in_dim3A_19 : vector<16xi32>
    %swap3A_398 = arith.constant 3 : i32
    %swap3A_399 = arith.constant 1 : i32
    %swap3A_400 = arith.index_cast %swap3A_398 : i32 to index
    %swap3A_401 = arith.index_cast %swap3A_399 : i32 to index
    %swap3A_402 = arith.constant 16 : index
    %swap3A_403 = tpu.vector_load %arg6[%swap3A_400, %swap3A_401, %swap3A_402] {strides = array<i32>} : memref<4x2x64xi32, #tpu.memory_space<vmem>>, vector<1x1x16xi32>,
    %swap3A_404 = vector.shape_cast %swap3A_403 : vector<1x1x16xi32> to vector<16xi32>
    %swap3A_405 = vector.shape_cast %shift_right_logical3A_397 : vector<16xi32> to vector<1x1x16xi32>
    tpu.vector_store %arg6[%swap3A_400, %swap3A_401, %swap3A_402], %swap3A_405 {strides = array<i32>} : memref<4x2x64xi32, #tpu.memory_space<vmem>>, vector<1x1x16xi32>,
    %get3A_406 = arith.constant 1 : i32
    %get3A_407 = arith.index_cast %get3A_406 : i32 to index
    %get3A_408 = arith.constant 96 : index
    %get3A_409 = tpu.vector_load %arg5[%get3A_407, %get3A_408] {strides = array<i32>} : memref<160x128xi32, #tpu.memory_space<vmem>>, vector<1x16xi32>,
    %get3A_410 = vector.shape_cast %get3A_409 : vector<1x16xi32> to vector<16xi32>
    %and3A_411 = arith.andi %get3A_410, %broadcast_in_dim3A_17 : vector<16xi32>
    %swap3A_412 = arith.constant 3 : i32
    %swap3A_413 = arith.constant 0 : i32
    %swap3A_414 = arith.index_cast %swap3A_412 : i32 to index
    %swap3A_415 = arith.index_cast %swap3A_413 : i32 to index
    %swap3A_416 = arith.constant 32 : index
    %swap3A_417 = tpu.vector_load %arg6[%swap3A_414, %swap3A_415, %swap3A_416] {strides = array<i32>} : memref<4x2x64xi32, #tpu.memory_space<vmem>>, vector<1x1x16xi32>,
    %swap3A_418 = vector.shape_cast %swap3A_417 : vector<1x1x16xi32> to vector<16xi32>
    %swap3A_419 = vector.shape_cast %and3A_411 : vector<16xi32> to vector<1x1x16xi32>
    tpu.vector_store %arg6[%swap3A_414, %swap3A_415, %swap3A_416], %swap3A_419 {strides = array<i32>} : memref<4x2x64xi32, #tpu.memory_space<vmem>>, vector<1x1x16xi32>,
    %shift_right_logical3A_420 = arith.shrui %get3A_410, %broadcast_in_dim3A_19 : vector<16xi32>
    %swap3A_421 = arith.constant 3 : i32
    %swap3A_422 = arith.constant 1 : i32
    %swap3A_423 = arith.index_cast %swap3A_421 : i32 to index
    %swap3A_424 = arith.index_cast %swap3A_422 : i32 to index
    %swap3A_425 = arith.constant 32 : index
    %swap3A_426 = tpu.vector_load %arg6[%swap3A_423, %swap3A_424, %swap3A_425] {strides = array<i32>} : memref<4x2x64xi32, #tpu.memory_space<vmem>>, vector<1x1x16xi32>,
    %swap3A_427 = vector.shape_cast %swap3A_426 : vector<1x1x16xi32> to vector<16xi32>
    %swap3A_428 = vector.shape_cast %shift_right_logical3A_420 : vector<16xi32> to vector<1x1x16xi32>
    tpu.vector_store %arg6[%swap3A_423, %swap3A_424, %swap3A_425], %swap3A_428 {strides = array<i32>} : memref<4x2x64xi32, #tpu.memory_space<vmem>>, vector<1x1x16xi32>,
    %get3A_429 = arith.constant 1 : i32
    %get3A_430 = arith.index_cast %get3A_429 : i32 to index
    %get3A_431 = arith.constant 112 : index
    %get3A_432 = tpu.vector_load %arg5[%get3A_430, %get3A_431] {strides = array<i32>} : memref<160x128xi32, #tpu.memory_space<vmem>>, vector<1x16xi32>,
    %get3A_433 = vector.shape_cast %get3A_432 : vector<1x16xi32> to vector<16xi32>
    %and3A_434 = arith.andi %get3A_433, %broadcast_in_dim3A_17 : vector<16xi32>
    %swap3A_435 = arith.constant 3 : i32
    %swap3A_436 = arith.constant 0 : i32
    %swap3A_437 = arith.index_cast %swap3A_435 : i32 to index
    %swap3A_438 = arith.index_cast %swap3A_436 : i32 to index
    %swap3A_439 = arith.constant 48 : index
    %swap3A_440 = tpu.vector_load %arg6[%swap3A_437, %swap3A_438, %swap3A_439] {strides = array<i32>} : memref<4x2x64xi32, #tpu.memory_space<vmem>>, vector<1x1x16xi32>,
    %swap3A_441 = vector.shape_cast %swap3A_440 : vector<1x1x16xi32> to vector<16xi32>
    %swap3A_442 = vector.shape_cast %and3A_434 : vector<16xi32> to vector<1x1x16xi32>
    tpu.vector_store %arg6[%swap3A_437, %swap3A_438, %swap3A_439], %swap3A_442 {strides = array<i32>} : memref<4x2x64xi32, #tpu.memory_space<vmem>>, vector<1x1x16xi32>,
    %shift_right_logical3A_443 = arith.shrui %get3A_433, %broadcast_in_dim3A_19 : vector<16xi32>
    %swap3A_444 = arith.constant 3 : i32
    %swap3A_445 = arith.constant 1 : i32
    %swap3A_446 = arith.index_cast %swap3A_444 : i32 to index
    %swap3A_447 = arith.index_cast %swap3A_445 : i32 to index
    %swap3A_448 = arith.constant 48 : index
    %swap3A_449 = tpu.vector_load %arg6[%swap3A_446, %swap3A_447, %swap3A_448] {strides = array<i32>} : memref<4x2x64xi32, #tpu.memory_space<vmem>>, vector<1x1x16xi32>,
    %swap3A_450 = vector.shape_cast %swap3A_449 : vector<1x1x16xi32> to vector<16xi32>
    %swap3A_451 = vector.shape_cast %shift_right_logical3A_443 : vector<16xi32> to vector<1x1x16xi32>
    tpu.vector_store %arg6[%swap3A_446, %swap3A_447, %swap3A_448], %swap3A_451 {strides = array<i32>} : memref<4x2x64xi32, #tpu.memory_space<vmem>>, vector<1x1x16xi32>,
    %dma_start3A_452 = arith.constant 3 : i32
    %dma_start3A_453 = arith.constant 0 : i32
    %dma_start3A_454 = arith.constant 3 : i32
    %dma_start3A_455 = arith.constant 192 : i32
    %dma_start3A_456 = arith.constant 0 : i32
    %dma_start3A_457 = tpu.memref_slice %arg7[%dma_start3A_455, %dma_start3A_456] : memref<256x64xf32, #tpu.memory_space<vmem>> -> memref<64x64xf32, #tpu.memory_space<vmem>>
    %dma_start3A_458 = arith.constant 0 : i32
    %dma_start3A_459 = tpu.memref_slice %arg6[%dma_start3A_452, %dma_start3A_453, %dma_start3A_458] : memref<4x2x64xi32, #tpu.memory_space<vmem>> -> memref<1x1x64xi32, #tpu.memory_space<vmem>>
    %dma_start3A_460 = tpu.memref_squeeze %dma_start3A_459 : memref<1x1x64xi32, #tpu.memory_space<vmem>> -> memref<64xi32, #tpu.memory_space<vmem>>
    %dma_start3A_461 = arith.constant 0 : i32
    %dma_start3A_462 = arith.constant 0 : i32
    %dma_start3A_463 = tpu.memref_slice %arg9[%dma_start3A_461, %dma_start3A_462] : memref<10112x64xf32, #tpu.memory_space<vmem_shared>> -> memref<10112x64xf32, #tpu.memory_space<vmem_shared>>
    %dma_start3A_464 = tpu.memref_slice %arg10[%dma_start3A_454] : memref<4x!tpu.dma_semaphore, #tpu.memory_space<semaphore_mem>> -> memref<1x!tpu.dma_semaphore, #tpu.memory_space<semaphore_mem>>
    %dma_start3A_465 = tpu.memref_squeeze %dma_start3A_464 : memref<1x!tpu.dma_semaphore, #tpu.memory_space<semaphore_mem>> -> memref<!tpu.dma_semaphore, #tpu.memory_space<semaphore_mem>>
    tpu.enqueue_indirect_dma source(%dma_start3A_463 : memref<10112x64xf32, #tpu.memory_space<vmem_shared>>) target(%dma_start3A_457 : memref<64x64xf32, #tpu.memory_space<vmem>>) offsets(%dma_start3A_460 : memref<64xi32, #tpu.memory_space<vmem>>) semaphore(%dma_start3A_465 : memref<!tpu.dma_semaphore, #tpu.memory_space<semaphore_mem>>)
    %scan3A_466 = arith.constant 0 : i32
    %scan3A_467 = arith.constant 0 : i32
    %scan3A_468 = arith.constant 79 : i32
    %scan3A_469 = arith.addi %scan3A_467, %scan3A_468 : i32
    %scan3A_470 = arith.constant 1 : i32
    scf.for %scan3A_617 = %scan3A_467 to %scan3A_469 step %scan3A_470  : i32 {
      %mul3A_618 = arith.constant 4 : i32
      %mul3A_619 = arith.muli %scan3A_617, %mul3A_618 : i32
      %add3A_620 = arith.constant 0 : i32
      %add3A_621 = arith.addi %mul3A_619, %add3A_620 : i32
      %add3A_622 = arith.constant 1 : i32
      %add3A_623 = arith.addi %add3A_621, %add3A_622 : i32
      %dma_wait3A_624 = arith.constant 1 : i32
      %dma_wait3A_625 = arith.constant 0 : i32
      %dma_wait3A_626 = arith.constant 1 : i32
      %dma_wait3A_627 = arith.constant 64 : i32
      %dma_wait3A_628 = arith.constant 0 : i32
      %dma_wait3A_629 = tpu.memref_slice %arg7[%dma_wait3A_627, %dma_wait3A_628] : memref<256x64xf32, #tpu.memory_space<vmem>> -> memref<64x64xf32, #tpu.memory_space<vmem>>
      %dma_wait3A_630 = arith.constant 0 : i32
      %dma_wait3A_631 = tpu.memref_slice %arg6[%dma_wait3A_624, %dma_wait3A_625, %dma_wait3A_630] : memref<4x2x64xi32, #tpu.memory_space<vmem>> -> memref<1x1x64xi32, #tpu.memory_space<vmem>>
      %dma_wait3A_632 = tpu.memref_squeeze %dma_wait3A_631 : memref<1x1x64xi32, #tpu.memory_space<vmem>> -> memref<64xi32, #tpu.memory_space<vmem>>
      %dma_wait3A_633 = arith.constant 0 : i32
      %dma_wait3A_634 = arith.constant 0 : i32
      %dma_wait3A_635 = tpu.memref_slice %arg9[%dma_wait3A_633, %dma_wait3A_634] : memref<10112x64xf32, #tpu.memory_space<vmem_shared>> -> memref<10112x64xf32, #tpu.memory_space<vmem_shared>>
      %dma_wait3A_636 = tpu.memref_slice %arg10[%dma_wait3A_626] : memref<4x!tpu.dma_semaphore, #tpu.memory_space<semaphore_mem>> -> memref<1x!tpu.dma_semaphore, #tpu.memory_space<semaphore_mem>>
      %dma_wait3A_637 = tpu.memref_squeeze %dma_wait3A_636 : memref<1x!tpu.dma_semaphore, #tpu.memory_space<semaphore_mem>> -> memref<!tpu.dma_semaphore, #tpu.memory_space<semaphore_mem>>
      tpu.wait_indirect_dma semaphore(%dma_wait3A_637 : memref<!tpu.dma_semaphore, #tpu.memory_space<semaphore_mem>>) src(%dma_wait3A_635 : memref<10112x64xf32, #tpu.memory_space<vmem_shared>>) dst(%dma_wait3A_629 : memref<64x64xf32, #tpu.memory_space<vmem>>)
      %dma_start3A_638 = arith.constant 1 : i32
      %dma_start3A_639 = arith.constant 1 : i32
      %dma_start3A_640 = arith.constant 1 : i32
      %dma_start3A_641 = arith.constant 64 : i32
      %dma_start3A_642 = arith.constant 0 : i32
      %dma_start3A_643 = tpu.memref_slice %arg7[%dma_start3A_641, %dma_start3A_642] : memref<256x64xf32, #tpu.memory_space<vmem>> -> memref<64x64xf32, #tpu.memory_space<vmem>>
      %dma_start3A_644 = arith.constant 0 : i32
      %dma_start3A_645 = tpu.memref_slice %arg6[%dma_start3A_638, %dma_start3A_639, %dma_start3A_644] : memref<4x2x64xi32, #tpu.memory_space<vmem>> -> memref<1x1x64xi32, #tpu.memory_space<vmem>>
      %dma_start3A_646 = tpu.memref_squeeze %dma_start3A_645 : memref<1x1x64xi32, #tpu.memory_space<vmem>> -> memref<64xi32, #tpu.memory_space<vmem>>
      %dma_start3A_647 = arith.constant 0 : i32
      %dma_start3A_648 = arith.constant 0 : i32
      %dma_start3A_649 = tpu.memref_slice %arg8[%dma_start3A_647, %dma_start3A_648] : memref<10112x64xf32, #tpu.memory_space<vmem_shared>> -> memref<10112x64xf32, #tpu.memory_space<vmem_shared>>
      %dma_start3A_650 = tpu.memref_slice %arg11[%dma_start3A_640] : memref<4x!tpu.dma_semaphore, #tpu.memory_space<semaphore_mem>> -> memref<1x!tpu.dma_semaphore, #tpu.memory_space<semaphore_mem>>
      %dma_start3A_651 = tpu.memref_squeeze %dma_start3A_650 : memref<1x!tpu.dma_semaphore, #tpu.memory_space<semaphore_mem>> -> memref<!tpu.dma_semaphore, #tpu.memory_space<semaphore_mem>>
      tpu.enqueue_indirect_dma source(%dma_start3A_643 : memref<64x64xf32, #tpu.memory_space<vmem>>) target(%dma_start3A_649 : memref<10112x64xf32, #tpu.memory_space<vmem_shared>>) offsets(%dma_start3A_646 : memref<64xi32, #tpu.memory_space<vmem>>) semaphore(%dma_start3A_651 : memref<!tpu.dma_semaphore, #tpu.memory_space<semaphore_mem>>) {add = true}
      %dma_wait3A_652 = arith.constant 0 : i32
      %dma_wait3A_653 = arith.constant 1 : i32
      %dma_wait3A_654 = arith.constant 0 : i32
      %dma_wait3A_655 = arith.constant 0 : i32
      %dma_wait3A_656 = arith.constant 0 : i32
      %dma_wait3A_657 = tpu.memref_slice %arg7[%dma_wait3A_655, %dma_wait3A_656] : memref<256x64xf32, #tpu.memory_space<vmem>> -> memref<64x64xf32, #tpu.memory_space<vmem>>
      %dma_wait3A_658 = arith.constant 0 : i32
      %dma_wait3A_659 = tpu.memref_slice %arg6[%dma_wait3A_652, %dma_wait3A_653, %dma_wait3A_658] : memref<4x2x64xi32, #tpu.memory_space<vmem>> -> memref<1x1x64xi32, #tpu.memory_space<vmem>>
      %dma_wait3A_660 = tpu.memref_squeeze %dma_wait3A_659 : memref<1x1x64xi32, #tpu.memory_space<vmem>> -> memref<64xi32, #tpu.memory_space<vmem>>
      %dma_wait3A_661 = arith.constant 0 : i32
      %dma_wait3A_662 = arith.constant 0 : i32
      %dma_wait3A_663 = tpu.memref_slice %arg8[%dma_wait3A_661, %dma_wait3A_662] : memref<10112x64xf32, #tpu.memory_space<vmem_shared>> -> memref<10112x64xf32, #tpu.memory_space<vmem_shared>>
      %dma_wait3A_664 = tpu.memref_slice %arg11[%dma_wait3A_654] : memref<4x!tpu.dma_semaphore, #tpu.memory_space<semaphore_mem>> -> memref<1x!tpu.dma_semaphore, #tpu.memory_space<semaphore_mem>>
      %dma_wait3A_665 = tpu.memref_squeeze %dma_wait3A_664 : memref<1x!tpu.dma_semaphore, #tpu.memory_space<semaphore_mem>> -> memref<!tpu.dma_semaphore, #tpu.memory_space<semaphore_mem>>
      tpu.wait_indirect_dma semaphore(%dma_wait3A_665 : memref<!tpu.dma_semaphore, #tpu.memory_space<semaphore_mem>>) src(%dma_wait3A_657 : memref<64x64xf32, #tpu.memory_space<vmem>>) dst(%dma_wait3A_663 : memref<10112x64xf32, #tpu.memory_space<vmem_shared>>)
      %add3A_666 = arith.constant 4 : i32
      %add3A_667 = arith.addi %add3A_623, %add3A_666 : i32
      %sub3A = arith.constant 1 : i32
      %sub3A_668 = arith.subi %add3A_667, %sub3A : i32
      %jit3A = arith.constant 2 : i32
      %div3A = arith.divsi %sub3A_668, %jit3A : i32
      %sign3A = arith.constant 0 : i32
      %sign3A_669 = arith.cmpi sgt, %sub3A_668, %sign3A : i32
      %sign3A_670 = arith.extui %sign3A_669 : i1 to i32
      %sign3A_671 = arith.constant 0 : i32
      %sign3A_672 = arith.cmpi slt, %sub3A_668, %sign3A_671 : i32
      %sign3A_673 = arith.extui %sign3A_672 : i1 to i32
      %sign3A_674 = arith.subi %sign3A_670, %sign3A_673 : i32
      %sign3A_675 = arith.constant 0 : i32
      %sign3A_676 = arith.cmpi sgt, %jit3A, %sign3A_675 : i32
      %sign3A_677 = arith.extui %sign3A_676 : i1 to i32
      %sign3A_678 = arith.constant 0 : i32
      %sign3A_679 = arith.cmpi slt, %jit3A, %sign3A_678 : i32
      %sign3A_680 = arith.extui %sign3A_679 : i1 to i32
      %sign3A_681 = arith.subi %sign3A_677, %sign3A_680 : i32
      %ne3A = arith.cmpi ne, %sign3A_674, %sign3A_681 : i32
      %rem3A = arith.remsi %sub3A_668, %jit3A : i32
      %ne3A_682 = arith.constant 0 : i32
      %ne3A_683 = arith.cmpi ne, %rem3A, %ne3A_682 : i32
      %and3A_684 = arith.andi %ne3A, %ne3A_683 : i1
      %sub3A_685 = arith.constant 1 : i32
      %sub3A_686 = arith.subi %div3A, %sub3A_685 : i32
      %select_n3A = arith.select %and3A_684, %sub3A_686, %div3A : i32
      %get3A_687 = arith.index_cast %select_n3A : i32 to index
      %get3A_688 = arith.constant 0 : index
      %get3A_689 = tpu.vector_load %arg5[%get3A_687, %get3A_688] {strides = array<i32>} : memref<160x128xi32, #tpu.memory_space<vmem>>, vector<1x16xi32>,
      %get3A_690 = vector.shape_cast %get3A_689 : vector<1x16xi32> to vector<16xi32>
      %and3A_691 = arith.andi %get3A_690, %broadcast_in_dim3A_17 : vector<16xi32>
      %swap3A_692 = arith.constant 0 : i32
      %swap3A_693 = arith.constant 0 : i32
      %swap3A_694 = arith.index_cast %swap3A_692 : i32 to index
      %swap3A_695 = arith.index_cast %swap3A_693 : i32 to index
      %swap3A_696 = arith.constant 0 : index
      %swap3A_697 = tpu.vector_load %arg6[%swap3A_694, %swap3A_695, %swap3A_696] {strides = array<i32>} : memref<4x2x64xi32, #tpu.memory_space<vmem>>, vector<1x1x16xi32>,
      %swap3A_698 = vector.shape_cast %swap3A_697 : vector<1x1x16xi32> to vector<16xi32>
      %swap3A_699 = vector.shape_cast %and3A_691 : vector<16xi32> to vector<1x1x16xi32>
      tpu.vector_store %arg6[%swap3A_694, %swap3A_695, %swap3A_696], %swap3A_699 {strides = array<i32>} : memref<4x2x64xi32, #tpu.memory_space<vmem>>, vector<1x1x16xi32>,
      %shift_right_logical3A_700 = arith.shrui %get3A_690, %broadcast_in_dim3A_19 : vector<16xi32>
      %swap3A_701 = arith.constant 0 : i32
      %swap3A_702 = arith.constant 1 : i32
      %swap3A_703 = arith.index_cast %swap3A_701 : i32 to index
      %swap3A_704 = arith.index_cast %swap3A_702 : i32 to index
      %swap3A_705 = arith.constant 0 : index
      %swap3A_706 = tpu.vector_load %arg6[%swap3A_703, %swap3A_704, %swap3A_705] {strides = array<i32>} : memref<4x2x64xi32, #tpu.memory_space<vmem>>, vector<1x1x16xi32>,
      %swap3A_707 = vector.shape_cast %swap3A_706 : vector<1x1x16xi32> to vector<16xi32>
      %swap3A_708 = vector.shape_cast %shift_right_logical3A_700 : vector<16xi32> to vector<1x1x16xi32>
      tpu.vector_store %arg6[%swap3A_703, %swap3A_704, %swap3A_705], %swap3A_708 {strides = array<i32>} : memref<4x2x64xi32, #tpu.memory_space<vmem>>, vector<1x1x16xi32>,
      %jit3A_709 = arith.constant 2 : i32
      %div3A_710 = arith.divsi %sub3A_668, %jit3A_709 : i32
      %sign3A_711 = arith.constant 0 : i32
      %sign3A_712 = arith.cmpi sgt, %sub3A_668, %sign3A_711 : i32
      %sign3A_713 = arith.extui %sign3A_712 : i1 to i32
      %sign3A_714 = arith.constant 0 : i32
      %sign3A_715 = arith.cmpi slt, %sub3A_668, %sign3A_714 : i32
      %sign3A_716 = arith.extui %sign3A_715 : i1 to i32
      %sign3A_717 = arith.subi %sign3A_713, %sign3A_716 : i32
      %sign3A_718 = arith.constant 0 : i32
      %sign3A_719 = arith.cmpi sgt, %jit3A_709, %sign3A_718 : i32
      %sign3A_720 = arith.extui %sign3A_719 : i1 to i32
      %sign3A_721 = arith.constant 0 : i32
      %sign3A_722 = arith.cmpi slt, %jit3A_709, %sign3A_721 : i32
      %sign3A_723 = arith.extui %sign3A_722 : i1 to i32
      %sign3A_724 = arith.subi %sign3A_720, %sign3A_723 : i32
      %ne3A_725 = arith.cmpi ne, %sign3A_717, %sign3A_724 : i32
      %rem3A_726 = arith.remsi %sub3A_668, %jit3A_709 : i32
      %ne3A_727 = arith.constant 0 : i32
      %ne3A_728 = arith.cmpi ne, %rem3A_726, %ne3A_727 : i32
      %and3A_729 = arith.andi %ne3A_725, %ne3A_728 : i1
      %sub3A_730 = arith.constant 1 : i32
      %sub3A_731 = arith.subi %div3A_710, %sub3A_730 : i32
      %select_n3A_732 = arith.select %and3A_729, %sub3A_731, %div3A_710 : i32
      %get3A_733 = arith.index_cast %select_n3A_732 : i32 to index
      %get3A_734 = arith.constant 16 : index
      %get3A_735 = tpu.vector_load %arg5[%get3A_733, %get3A_734] {strides = array<i32>} : memref<160x128xi32, #tpu.memory_space<vmem>>, vector<1x16xi32>,
      %get3A_736 = vector.shape_cast %get3A_735 : vector<1x16xi32> to vector<16xi32>
      %and3A_737 = arith.andi %get3A_736, %broadcast_in_dim3A_17 : vector<16xi32>
      %swap3A_738 = arith.constant 0 : i32
      %swap3A_739 = arith.constant 0 : i32
      %swap3A_740 = arith.index_cast %swap3A_738 : i32 to index
      %swap3A_741 = arith.index_cast %swap3A_739 : i32 to index
      %swap3A_742 = arith.constant 16 : index
      %swap3A_743 = tpu.vector_load %arg6[%swap3A_740, %swap3A_741, %swap3A_742] {strides = array<i32>} : memref<4x2x64xi32, #tpu.memory_space<vmem>>, vector<1x1x16xi32>,
      %swap3A_744 = vector.shape_cast %swap3A_743 : vector<1x1x16xi32> to vector<16xi32>
      %swap3A_745 = vector.shape_cast %and3A_737 : vector<16xi32> to vector<1x1x16xi32>
      tpu.vector_store %arg6[%swap3A_740, %swap3A_741, %swap3A_742], %swap3A_745 {strides = array<i32>} : memref<4x2x64xi32, #tpu.memory_space<vmem>>, vector<1x1x16xi32>,
      %shift_right_logical3A_746 = arith.shrui %get3A_736, %broadcast_in_dim3A_19 : vector<16xi32>
      %swap3A_747 = arith.constant 0 : i32
      %swap3A_748 = arith.constant 1 : i32
      %swap3A_749 = arith.index_cast %swap3A_747 : i32 to index
      %swap3A_750 = arith.index_cast %swap3A_748 : i32 to index
      %swap3A_751 = arith.constant 16 : index
      %swap3A_752 = tpu.vector_load %arg6[%swap3A_749, %swap3A_750, %swap3A_751] {strides = array<i32>} : memref<4x2x64xi32, #tpu.memory_space<vmem>>, vector<1x1x16xi32>,
      %swap3A_753 = vector.shape_cast %swap3A_752 : vector<1x1x16xi32> to vector<16xi32>
      %swap3A_754 = vector.shape_cast %shift_right_logical3A_746 : vector<16xi32> to vector<1x1x16xi32>
      tpu.vector_store %arg6[%swap3A_749, %swap3A_750, %swap3A_751], %swap3A_754 {strides = array<i32>} : memref<4x2x64xi32, #tpu.memory_space<vmem>>, vector<1x1x16xi32>,
      %jit3A_755 = arith.constant 2 : i32
      %div3A_756 = arith.divsi %sub3A_668, %jit3A_755 : i32
      %sign3A_757 = arith.constant 0 : i32
      %sign3A_758 = arith.cmpi sgt, %sub3A_668, %sign3A_757 : i32
      %sign3A_759 = arith.extui %sign3A_758 : i1 to i32
      %sign3A_760 = arith.constant 0 : i32
      %sign3A_761 = arith.cmpi slt, %sub3A_668, %sign3A_760 : i32
      %sign3A_762 = arith.extui %sign3A_761 : i1 to i32
      %sign3A_763 = arith.subi %sign3A_759, %sign3A_762 : i32
      %sign3A_764 = arith.constant 0 : i32
      %sign3A_765 = arith.cmpi sgt, %jit3A_755, %sign3A_764 : i32
      %sign3A_766 = arith.extui %sign3A_765 : i1 to i32
      %sign3A_767 = arith.constant 0 : i32
      %sign3A_768 = arith.cmpi slt, %jit3A_755, %sign3A_767 : i32
      %sign3A_769 = arith.extui %sign3A_768 : i1 to i32
      %sign3A_770 = arith.subi %sign3A_766, %sign3A_769 : i32
      %ne3A_771 = arith.cmpi ne, %sign3A_763, %sign3A_770 : i32
      %rem3A_772 = arith.remsi %sub3A_668, %jit3A_755 : i32
      %ne3A_773 = arith.constant 0 : i32
      %ne3A_774 = arith.cmpi ne, %rem3A_772, %ne3A_773 : i32
      %and3A_775 = arith.andi %ne3A_771, %ne3A_774 : i1
      %sub3A_776 = arith.constant 1 : i32
      %sub3A_777 = arith.subi %div3A_756, %sub3A_776 : i32
      %select_n3A_778 = arith.select %and3A_775, %sub3A_777, %div3A_756 : i32
      %get3A_779 = arith.index_cast %select_n3A_778 : i32 to index
      %get3A_780 = arith.constant 32 : index
      %get3A_781 = tpu.vector_load %arg5[%get3A_779, %get3A_780] {strides = array<i32>} : memref<160x128xi32, #tpu.memory_space<vmem>>, vector<1x16xi32>,
      %get3A_782 = vector.shape_cast %get3A_781 : vector<1x16xi32> to vector<16xi32>
      %and3A_783 = arith.andi %get3A_782, %broadcast_in_dim3A_17 : vector<16xi32>
      %swap3A_784 = arith.constant 0 : i32
      %swap3A_785 = arith.constant 0 : i32
      %swap3A_786 = arith.index_cast %swap3A_784 : i32 to index
      %swap3A_787 = arith.index_cast %swap3A_785 : i32 to index
      %swap3A_788 = arith.constant 32 : index
      %swap3A_789 = tpu.vector_load %arg6[%swap3A_786, %swap3A_787, %swap3A_788] {strides = array<i32>} : memref<4x2x64xi32, #tpu.memory_space<vmem>>, vector<1x1x16xi32>,
      %swap3A_790 = vector.shape_cast %swap3A_789 : vector<1x1x16xi32> to vector<16xi32>
      %swap3A_791 = vector.shape_cast %and3A_783 : vector<16xi32> to vector<1x1x16xi32>
      tpu.vector_store %arg6[%swap3A_786, %swap3A_787, %swap3A_788], %swap3A_791 {strides = array<i32>} : memref<4x2x64xi32, #tpu.memory_space<vmem>>, vector<1x1x16xi32>,
      %shift_right_logical3A_792 = arith.shrui %get3A_782, %broadcast_in_dim3A_19 : vector<16xi32>
      %swap3A_793 = arith.constant 0 : i32
      %swap3A_794 = arith.constant 1 : i32
      %swap3A_795 = arith.index_cast %swap3A_793 : i32 to index
      %swap3A_796 = arith.index_cast %swap3A_794 : i32 to index
      %swap3A_797 = arith.constant 32 : index
      %swap3A_798 = tpu.vector_load %arg6[%swap3A_795, %swap3A_796, %swap3A_797] {strides = array<i32>} : memref<4x2x64xi32, #tpu.memory_space<vmem>>, vector<1x1x16xi32>,
      %swap3A_799 = vector.shape_cast %swap3A_798 : vector<1x1x16xi32> to vector<16xi32>
      %swap3A_800 = vector.shape_cast %shift_right_logical3A_792 : vector<16xi32> to vector<1x1x16xi32>
      tpu.vector_store %arg6[%swap3A_795, %swap3A_796, %swap3A_797], %swap3A_800 {strides = array<i32>} : memref<4x2x64xi32, #tpu.memory_space<vmem>>, vector<1x1x16xi32>,
      %jit3A_801 = arith.constant 2 : i32
      %div3A_802 = arith.divsi %sub3A_668, %jit3A_801 : i32
      %sign3A_803 = arith.constant 0 : i32
      %sign3A_804 = arith.cmpi sgt, %sub3A_668, %sign3A_803 : i32
      %sign3A_805 = arith.extui %sign3A_804 : i1 to i32
      %sign3A_806 = arith.constant 0 : i32
      %sign3A_807 = arith.cmpi slt, %sub3A_668, %sign3A_806 : i32
      %sign3A_808 = arith.extui %sign3A_807 : i1 to i32
      %sign3A_809 = arith.subi %sign3A_805, %sign3A_808 : i32
      %sign3A_810 = arith.constant 0 : i32
      %sign3A_811 = arith.cmpi sgt, %jit3A_801, %sign3A_810 : i32
      %sign3A_812 = arith.extui %sign3A_811 : i1 to i32
      %sign3A_813 = arith.constant 0 : i32
      %sign3A_814 = arith.cmpi slt, %jit3A_801, %sign3A_813 : i32
      %sign3A_815 = arith.extui %sign3A_814 : i1 to i32
      %sign3A_816 = arith.subi %sign3A_812, %sign3A_815 : i32
      %ne3A_817 = arith.cmpi ne, %sign3A_809, %sign3A_816 : i32
      %rem3A_818 = arith.remsi %sub3A_668, %jit3A_801 : i32
      %ne3A_819 = arith.constant 0 : i32
      %ne3A_820 = arith.cmpi ne, %rem3A_818, %ne3A_819 : i32
      %and3A_821 = arith.andi %ne3A_817, %ne3A_820 : i1
      %sub3A_822 = arith.constant 1 : i32
      %sub3A_823 = arith.subi %div3A_802, %sub3A_822 : i32
      %select_n3A_824 = arith.select %and3A_821, %sub3A_823, %div3A_802 : i32
      %get3A_825 = arith.index_cast %select_n3A_824 : i32 to index
      %get3A_826 = arith.constant 48 : index
      %get3A_827 = tpu.vector_load %arg5[%get3A_825, %get3A_826] {strides = array<i32>} : memref<160x128xi32, #tpu.memory_space<vmem>>, vector<1x16xi32>,
      %get3A_828 = vector.shape_cast %get3A_827 : vector<1x16xi32> to vector<16xi32>
      %and3A_829 = arith.andi %get3A_828, %broadcast_in_dim3A_17 : vector<16xi32>
      %swap3A_830 = arith.constant 0 : i32
      %swap3A_831 = arith.constant 0 : i32
      %swap3A_832 = arith.index_cast %swap3A_830 : i32 to index
      %swap3A_833 = arith.index_cast %swap3A_831 : i32 to index
      %swap3A_834 = arith.constant 48 : index
      %swap3A_835 = tpu.vector_load %arg6[%swap3A_832, %swap3A_833, %swap3A_834] {strides = array<i32>} : memref<4x2x64xi32, #tpu.memory_space<vmem>>, vector<1x1x16xi32>,
      %swap3A_836 = vector.shape_cast %swap3A_835 : vector<1x1x16xi32> to vector<16xi32>
      %swap3A_837 = vector.shape_cast %and3A_829 : vector<16xi32> to vector<1x1x16xi32>
      tpu.vector_store %arg6[%swap3A_832, %swap3A_833, %swap3A_834], %swap3A_837 {strides = array<i32>} : memref<4x2x64xi32, #tpu.memory_space<vmem>>, vector<1x1x16xi32>,
      %shift_right_logical3A_838 = arith.shrui %get3A_828, %broadcast_in_dim3A_19 : vector<16xi32>
      %swap3A_839 = arith.constant 0 : i32
      %swap3A_840 = arith.constant 1 : i32
      %swap3A_841 = arith.index_cast %swap3A_839 : i32 to index
      %swap3A_842 = arith.index_cast %swap3A_840 : i32 to index
      %swap3A_843 = arith.constant 48 : index
      %swap3A_844 = tpu.vector_load %arg6[%swap3A_841, %swap3A_842, %swap3A_843] {strides = array<i32>} : memref<4x2x64xi32, #tpu.memory_space<vmem>>, vector<1x1x16xi32>,
      %swap3A_845 = vector.shape_cast %swap3A_844 : vector<1x1x16xi32> to vector<16xi32>
      %swap3A_846 = vector.shape_cast %shift_right_logical3A_838 : vector<16xi32> to vector<1x1x16xi32>
      tpu.vector_store %arg6[%swap3A_841, %swap3A_842, %swap3A_843], %swap3A_846 {strides = array<i32>} : memref<4x2x64xi32, #tpu.memory_space<vmem>>, vector<1x1x16xi32>,
      %dma_start3A_847 = arith.constant 0 : i32
      %dma_start3A_848 = arith.constant 0 : i32
      %dma_start3A_849 = arith.constant 0 : i32
      %dma_start3A_850 = arith.constant 0 : i32
      %dma_start3A_851 = arith.constant 0 : i32
      %dma_start3A_852 = tpu.memref_slice %arg7[%dma_start3A_850, %dma_start3A_851] : memref<256x64xf32, #tpu.memory_space<vmem>> -> memref<64x64xf32, #tpu.memory_space<vmem>>
      %dma_start3A_853 = arith.constant 0 : i32
      %dma_start3A_854 = tpu.memref_slice %arg6[%dma_start3A_847, %dma_start3A_848, %dma_start3A_853] : memref<4x2x64xi32, #tpu.memory_space<vmem>> -> memref<1x1x64xi32, #tpu.memory_space<vmem>>
      %dma_start3A_855 = tpu.memref_squeeze %dma_start3A_854 : memref<1x1x64xi32, #tpu.memory_space<vmem>> -> memref<64xi32, #tpu.memory_space<vmem>>
      %dma_start3A_856 = arith.constant 0 : i32
      %dma_start3A_857 = arith.constant 0 : i32
      %dma_start3A_858 = tpu.memref_slice %arg9[%dma_start3A_856, %dma_start3A_857] : memref<10112x64xf32, #tpu.memory_space<vmem_shared>> -> memref<10112x64xf32, #tpu.memory_space<vmem_shared>>
      %dma_start3A_859 = tpu.memref_slice %arg10[%dma_start3A_849] : memref<4x!tpu.dma_semaphore, #tpu.memory_space<semaphore_mem>> -> memref<1x!tpu.dma_semaphore, #tpu.memory_space<semaphore_mem>>
      %dma_start3A_860 = tpu.memref_squeeze %dma_start3A_859 : memref<1x!tpu.dma_semaphore, #tpu.memory_space<semaphore_mem>> -> memref<!tpu.dma_semaphore, #tpu.memory_space<semaphore_mem>>
      tpu.enqueue_indirect_dma source(%dma_start3A_858 : memref<10112x64xf32, #tpu.memory_space<vmem_shared>>) target(%dma_start3A_852 : memref<64x64xf32, #tpu.memory_space<vmem>>) offsets(%dma_start3A_855 : memref<64xi32, #tpu.memory_space<vmem>>) semaphore(%dma_start3A_860 : memref<!tpu.dma_semaphore, #tpu.memory_space<semaphore_mem>>)
      %mul3A_861 = arith.constant 4 : i32
      %mul3A_862 = arith.muli %scan3A_617, %mul3A_861 : i32
      %add3A_863 = arith.constant 1 : i32
      %add3A_864 = arith.addi %mul3A_862, %add3A_863 : i32
      %add3A_865 = arith.constant 1 : i32
      %add3A_866 = arith.addi %add3A_864, %add3A_865 : i32
      %dma_wait3A_867 = arith.constant 2 : i32
      %dma_wait3A_868 = arith.constant 0 : i32
      %dma_wait3A_869 = arith.constant 2 : i32
      %dma_wait3A_870 = arith.constant 128 : i32
      %dma_wait3A_871 = arith.constant 0 : i32
      %dma_wait3A_872 = tpu.memref_slice %arg7[%dma_wait3A_870, %dma_wait3A_871] : memref<256x64xf32, #tpu.memory_space<vmem>> -> memref<64x64xf32, #tpu.memory_space<vmem>>
      %dma_wait3A_873 = arith.constant 0 : i32
      %dma_wait3A_874 = tpu.memref_slice %arg6[%dma_wait3A_867, %dma_wait3A_868, %dma_wait3A_873] : memref<4x2x64xi32, #tpu.memory_space<vmem>> -> memref<1x1x64xi32, #tpu.memory_space<vmem>>
      %dma_wait3A_875 = tpu.memref_squeeze %dma_wait3A_874 : memref<1x1x64xi32, #tpu.memory_space<vmem>> -> memref<64xi32, #tpu.memory_space<vmem>>
      %dma_wait3A_876 = arith.constant 0 : i32
      %dma_wait3A_877 = arith.constant 0 : i32
      %dma_wait3A_878 = tpu.memref_slice %arg9[%dma_wait3A_876, %dma_wait3A_877] : memref<10112x64xf32, #tpu.memory_space<vmem_shared>> -> memref<10112x64xf32, #tpu.memory_space<vmem_shared>>
      %dma_wait3A_879 = tpu.memref_slice %arg10[%dma_wait3A_869] : memref<4x!tpu.dma_semaphore, #tpu.memory_space<semaphore_mem>> -> memref<1x!tpu.dma_semaphore, #tpu.memory_space<semaphore_mem>>
      %dma_wait3A_880 = tpu.memref_squeeze %dma_wait3A_879 : memref<1x!tpu.dma_semaphore, #tpu.memory_space<semaphore_mem>> -> memref<!tpu.dma_semaphore, #tpu.memory_space<semaphore_mem>>
      tpu.wait_indirect_dma semaphore(%dma_wait3A_880 : memref<!tpu.dma_semaphore, #tpu.memory_space<semaphore_mem>>) src(%dma_wait3A_878 : memref<10112x64xf32, #tpu.memory_space<vmem_shared>>) dst(%dma_wait3A_872 : memref<64x64xf32, #tpu.memory_space<vmem>>)
      %dma_start3A_881 = arith.constant 2 : i32
      %dma_start3A_882 = arith.constant 1 : i32
      %dma_start3A_883 = arith.constant 2 : i32
      %dma_start3A_884 = arith.constant 128 : i32
      %dma_start3A_885 = arith.constant 0 : i32
      %dma_start3A_886 = tpu.memref_slice %arg7[%dma_start3A_884, %dma_start3A_885] : memref<256x64xf32, #tpu.memory_space<vmem>> -> memref<64x64xf32, #tpu.memory_space<vmem>>
      %dma_start3A_887 = arith.constant 0 : i32
      %dma_start3A_888 = tpu.memref_slice %arg6[%dma_start3A_881, %dma_start3A_882, %dma_start3A_887] : memref<4x2x64xi32, #tpu.memory_space<vmem>> -> memref<1x1x64xi32, #tpu.memory_space<vmem>>
      %dma_start3A_889 = tpu.memref_squeeze %dma_start3A_888 : memref<1x1x64xi32, #tpu.memory_space<vmem>> -> memref<64xi32, #tpu.memory_space<vmem>>
      %dma_start3A_890 = arith.constant 0 : i32
      %dma_start3A_891 = arith.constant 0 : i32
      %dma_start3A_892 = tpu.memref_slice %arg8[%dma_start3A_890, %dma_start3A_891] : memref<10112x64xf32, #tpu.memory_space<vmem_shared>> -> memref<10112x64xf32, #tpu.memory_space<vmem_shared>>
      %dma_start3A_893 = tpu.memref_slice %arg11[%dma_start3A_883] : memref<4x!tpu.dma_semaphore, #tpu.memory_space<semaphore_mem>> -> memref<1x!tpu.dma_semaphore, #tpu.memory_space<semaphore_mem>>
      %dma_start3A_894 = tpu.memref_squeeze %dma_start3A_893 : memref<1x!tpu.dma_semaphore, #tpu.memory_space<semaphore_mem>> -> memref<!tpu.dma_semaphore, #tpu.memory_space<semaphore_mem>>
      tpu.enqueue_indirect_dma source(%dma_start3A_886 : memref<64x64xf32, #tpu.memory_space<vmem>>) target(%dma_start3A_892 : memref<10112x64xf32, #tpu.memory_space<vmem_shared>>) offsets(%dma_start3A_889 : memref<64xi32, #tpu.memory_space<vmem>>) semaphore(%dma_start3A_894 : memref<!tpu.dma_semaphore, #tpu.memory_space<semaphore_mem>>) {add = true}
      %dma_wait3A_895 = arith.constant 1 : i32
      %dma_wait3A_896 = arith.constant 1 : i32
      %dma_wait3A_897 = arith.constant 1 : i32
      %dma_wait3A_898 = arith.constant 64 : i32
      %dma_wait3A_899 = arith.constant 0 : i32
      %dma_wait3A_900 = tpu.memref_slice %arg7[%dma_wait3A_898, %dma_wait3A_899] : memref<256x64xf32, #tpu.memory_space<vmem>> -> memref<64x64xf32, #tpu.memory_space<vmem>>
      %dma_wait3A_901 = arith.constant 0 : i32
      %dma_wait3A_902 = tpu.memref_slice %arg6[%dma_wait3A_895, %dma_wait3A_896, %dma_wait3A_901] : memref<4x2x64xi32, #tpu.memory_space<vmem>> -> memref<1x1x64xi32, #tpu.memory_space<vmem>>
      %dma_wait3A_903 = tpu.memref_squeeze %dma_wait3A_902 : memref<1x1x64xi32, #tpu.memory_space<vmem>> -> memref<64xi32, #tpu.memory_space<vmem>>
      %dma_wait3A_904 = arith.constant 0 : i32
      %dma_wait3A_905 = arith.constant 0 : i32
      %dma_wait3A_906 = tpu.memref_slice %arg8[%dma_wait3A_904, %dma_wait3A_905] : memref<10112x64xf32, #tpu.memory_space<vmem_shared>> -> memref<10112x64xf32, #tpu.memory_space<vmem_shared>>
      %dma_wait3A_907 = tpu.memref_slice %arg11[%dma_wait3A_897] : memref<4x!tpu.dma_semaphore, #tpu.memory_space<semaphore_mem>> -> memref<1x!tpu.dma_semaphore, #tpu.memory_space<semaphore_mem>>
      %dma_wait3A_908 = tpu.memref_squeeze %dma_wait3A_907 : memref<1x!tpu.dma_semaphore, #tpu.memory_space<semaphore_mem>> -> memref<!tpu.dma_semaphore, #tpu.memory_space<semaphore_mem>>
      tpu.wait_indirect_dma semaphore(%dma_wait3A_908 : memref<!tpu.dma_semaphore, #tpu.memory_space<semaphore_mem>>) src(%dma_wait3A_900 : memref<64x64xf32, #tpu.memory_space<vmem>>) dst(%dma_wait3A_906 : memref<10112x64xf32, #tpu.memory_space<vmem_shared>>)
      %add3A_909 = arith.constant 4 : i32
      %add3A_910 = arith.addi %add3A_866, %add3A_909 : i32
      %sub3A_911 = arith.constant 1 : i32
      %sub3A_912 = arith.subi %add3A_910, %sub3A_911 : i32
      %jit3A_913 = arith.constant 2 : i32
      %div3A_914 = arith.divsi %sub3A_912, %jit3A_913 : i32
      %sign3A_915 = arith.constant 0 : i32
      %sign3A_916 = arith.cmpi sgt, %sub3A_912, %sign3A_915 : i32
      %sign3A_917 = arith.extui %sign3A_916 : i1 to i32
      %sign3A_918 = arith.constant 0 : i32
      %sign3A_919 = arith.cmpi slt, %sub3A_912, %sign3A_918 : i32
      %sign3A_920 = arith.extui %sign3A_919 : i1 to i32
      %sign3A_921 = arith.subi %sign3A_917, %sign3A_920 : i32
      %sign3A_922 = arith.constant 0 : i32
      %sign3A_923 = arith.cmpi sgt, %jit3A_913, %sign3A_922 : i32
      %sign3A_924 = arith.extui %sign3A_923 : i1 to i32
      %sign3A_925 = arith.constant 0 : i32
      %sign3A_926 = arith.cmpi slt, %jit3A_913, %sign3A_925 : i32
      %sign3A_927 = arith.extui %sign3A_926 : i1 to i32
      %sign3A_928 = arith.subi %sign3A_924, %sign3A_927 : i32
      %ne3A_929 = arith.cmpi ne, %sign3A_921, %sign3A_928 : i32
      %rem3A_930 = arith.remsi %sub3A_912, %jit3A_913 : i32
      %ne3A_931 = arith.constant 0 : i32
      %ne3A_932 = arith.cmpi ne, %rem3A_930, %ne3A_931 : i32
      %and3A_933 = arith.andi %ne3A_929, %ne3A_932 : i1
      %sub3A_934 = arith.constant 1 : i32
      %sub3A_935 = arith.subi %div3A_914, %sub3A_934 : i32
      %select_n3A_936 = arith.select %and3A_933, %sub3A_935, %div3A_914 : i32
      %get3A_937 = arith.index_cast %select_n3A_936 : i32 to index
      %get3A_938 = arith.constant 64 : index
      %get3A_939 = tpu.vector_load %arg5[%get3A_937, %get3A_938] {strides = array<i32>} : memref<160x128xi32, #tpu.memory_space<vmem>>, vector<1x16xi32>,
      %get3A_940 = vector.shape_cast %get3A_939 : vector<1x16xi32> to vector<16xi32>
      %and3A_941 = arith.andi %get3A_940, %broadcast_in_dim3A_17 : vector<16xi32>
      %swap3A_942 = arith.constant 1 : i32
      %swap3A_943 = arith.constant 0 : i32
      %swap3A_944 = arith.index_cast %swap3A_942 : i32 to index
      %swap3A_945 = arith.index_cast %swap3A_943 : i32 to index
      %swap3A_946 = arith.constant 0 : index
      %swap3A_947 = tpu.vector_load %arg6[%swap3A_944, %swap3A_945, %swap3A_946] {strides = array<i32>} : memref<4x2x64xi32, #tpu.memory_space<vmem>>, vector<1x1x16xi32>,
      %swap3A_948 = vector.shape_cast %swap3A_947 : vector<1x1x16xi32> to vector<16xi32>
      %swap3A_949 = vector.shape_cast %and3A_941 : vector<16xi32> to vector<1x1x16xi32>
      tpu.vector_store %arg6[%swap3A_944, %swap3A_945, %swap3A_946], %swap3A_949 {strides = array<i32>} : memref<4x2x64xi32, #tpu.memory_space<vmem>>, vector<1x1x16xi32>,
      %shift_right_logical3A_950 = arith.shrui %get3A_940, %broadcast_in_dim3A_19 : vector<16xi32>
      %swap3A_951 = arith.constant 1 : i32
      %swap3A_952 = arith.constant 1 : i32
      %swap3A_953 = arith.index_cast %swap3A_951 : i32 to index
      %swap3A_954 = arith.index_cast %swap3A_952 : i32 to index
      %swap3A_955 = arith.constant 0 : index
      %swap3A_956 = tpu.vector_load %arg6[%swap3A_953, %swap3A_954, %swap3A_955] {strides = array<i32>} : memref<4x2x64xi32, #tpu.memory_space<vmem>>, vector<1x1x16xi32>,
      %swap3A_957 = vector.shape_cast %swap3A_956 : vector<1x1x16xi32> to vector<16xi32>
      %swap3A_958 = vector.shape_cast %shift_right_logical3A_950 : vector<16xi32> to vector<1x1x16xi32>
      tpu.vector_store %arg6[%swap3A_953, %swap3A_954, %swap3A_955], %swap3A_958 {strides = array<i32>} : memref<4x2x64xi32, #tpu.memory_space<vmem>>, vector<1x1x16xi32>,
      %jit3A_959 = arith.constant 2 : i32
      %div3A_960 = arith.divsi %sub3A_912, %jit3A_959 : i32
      %sign3A_961 = arith.constant 0 : i32
      %sign3A_962 = arith.cmpi sgt, %sub3A_912, %sign3A_961 : i32
      %sign3A_963 = arith.extui %sign3A_962 : i1 to i32
      %sign3A_964 = arith.constant 0 : i32
      %sign3A_965 = arith.cmpi slt, %sub3A_912, %sign3A_964 : i32
      %sign3A_966 = arith.extui %sign3A_965 : i1 to i32
      %sign3A_967 = arith.subi %sign3A_963, %sign3A_966 : i32
      %sign3A_968 = arith.constant 0 : i32
      %sign3A_969 = arith.cmpi sgt, %jit3A_959, %sign3A_968 : i32
      %sign3A_970 = arith.extui %sign3A_969 : i1 to i32
      %sign3A_971 = arith.constant 0 : i32
      %sign3A_972 = arith.cmpi slt, %jit3A_959, %sign3A_971 : i32
      %sign3A_973 = arith.extui %sign3A_972 : i1 to i32
      %sign3A_974 = arith.subi %sign3A_970, %sign3A_973 : i32
      %ne3A_975 = arith.cmpi ne, %sign3A_967, %sign3A_974 : i32
      %rem3A_976 = arith.remsi %sub3A_912, %jit3A_959 : i32
      %ne3A_977 = arith.constant 0 : i32
      %ne3A_978 = arith.cmpi ne, %rem3A_976, %ne3A_977 : i32
      %and3A_979 = arith.andi %ne3A_975, %ne3A_978 : i1
      %sub3A_980 = arith.constant 1 : i32
      %sub3A_981 = arith.subi %div3A_960, %sub3A_980 : i32
      %select_n3A_982 = arith.select %and3A_979, %sub3A_981, %div3A_960 : i32
      %get3A_983 = arith.index_cast %select_n3A_982 : i32 to index
      %get3A_984 = arith.constant 80 : index
      %get3A_985 = tpu.vector_load %arg5[%get3A_983, %get3A_984] {strides = array<i32>} : memref<160x128xi32, #tpu.memory_space<vmem>>, vector<1x16xi32>,
      %get3A_986 = vector.shape_cast %get3A_985 : vector<1x16xi32> to vector<16xi32>
      %and3A_987 = arith.andi %get3A_986, %broadcast_in_dim3A_17 : vector<16xi32>
      %swap3A_988 = arith.constant 1 : i32
      %swap3A_989 = arith.constant 0 : i32
      %swap3A_990 = arith.index_cast %swap3A_988 : i32 to index
      %swap3A_991 = arith.index_cast %swap3A_989 : i32 to index
      %swap3A_992 = arith.constant 16 : index
      %swap3A_993 = tpu.vector_load %arg6[%swap3A_990, %swap3A_991, %swap3A_992] {strides = array<i32>} : memref<4x2x64xi32, #tpu.memory_space<vmem>>, vector<1x1x16xi32>,
      %swap3A_994 = vector.shape_cast %swap3A_993 : vector<1x1x16xi32> to vector<16xi32>
      %swap3A_995 = vector.shape_cast %and3A_987 : vector<16xi32> to vector<1x1x16xi32>
      tpu.vector_store %arg6[%swap3A_990, %swap3A_991, %swap3A_992], %swap3A_995 {strides = array<i32>} : memref<4x2x64xi32, #tpu.memory_space<vmem>>, vector<1x1x16xi32>,
      %shift_right_logical3A_996 = arith.shrui %get3A_986, %broadcast_in_dim3A_19 : vector<16xi32>
      %swap3A_997 = arith.constant 1 : i32
      %swap3A_998 = arith.constant 1 : i32
      %swap3A_999 = arith.index_cast %swap3A_997 : i32 to index
      %swap3A_1000 = arith.index_cast %swap3A_998 : i32 to index
      %swap3A_1001 = arith.constant 16 : index
      %swap3A_1002 = tpu.vector_load %arg6[%swap3A_999, %swap3A_1000, %swap3A_1001] {strides = array<i32>} : memref<4x2x64xi32, #tpu.memory_space<vmem>>, vector<1x1x16xi32>,
      %swap3A_1003 = vector.shape_cast %swap3A_1002 : vector<1x1x16xi32> to vector<16xi32>
      %swap3A_1004 = vector.shape_cast %shift_right_logical3A_996 : vector<16xi32> to vector<1x1x16xi32>
      tpu.vector_store %arg6[%swap3A_999, %swap3A_1000, %swap3A_1001], %swap3A_1004 {strides = array<i32>} : memref<4x2x64xi32, #tpu.memory_space<vmem>>, vector<1x1x16xi32>,
      %jit3A_1005 = arith.constant 2 : i32
      %div3A_1006 = arith.divsi %sub3A_912, %jit3A_1005 : i32
      %sign3A_1007 = arith.constant 0 : i32
      %sign3A_1008 = arith.cmpi sgt, %sub3A_912, %sign3A_1007 : i32
      %sign3A_1009 = arith.extui %sign3A_1008 : i1 to i32
      %sign3A_1010 = arith.constant 0 : i32
      %sign3A_1011 = arith.cmpi slt, %sub3A_912, %sign3A_1010 : i32
      %sign3A_1012 = arith.extui %sign3A_1011 : i1 to i32
      %sign3A_1013 = arith.subi %sign3A_1009, %sign3A_1012 : i32
      %sign3A_1014 = arith.constant 0 : i32
      %sign3A_1015 = arith.cmpi sgt, %jit3A_1005, %sign3A_1014 : i32
      %sign3A_1016 = arith.extui %sign3A_1015 : i1 to i32
      %sign3A_1017 = arith.constant 0 : i32
      %sign3A_1018 = arith.cmpi slt, %jit3A_1005, %sign3A_1017 : i32
      %sign3A_1019 = arith.extui %sign3A_1018 : i1 to i32
      %sign3A_1020 = arith.subi %sign3A_1016, %sign3A_1019 : i32
      %ne3A_1021 = arith.cmpi ne, %sign3A_1013, %sign3A_1020 : i32
      %rem3A_1022 = arith.remsi %sub3A_912, %jit3A_1005 : i32
      %ne3A_1023 = arith.constant 0 : i32
      %ne3A_1024 = arith.cmpi ne, %rem3A_1022, %ne3A_1023 : i32
      %and3A_1025 = arith.andi %ne3A_1021, %ne3A_1024 : i1
      %sub3A_1026 = arith.constant 1 : i32
      %sub3A_1027 = arith.subi %div3A_1006, %sub3A_1026 : i32
      %select_n3A_1028 = arith.select %and3A_1025, %sub3A_1027, %div3A_1006 : i32
      %get3A_1029 = arith.index_cast %select_n3A_1028 : i32 to index
      %get3A_1030 = arith.constant 96 : index
      %get3A_1031 = tpu.vector_load %arg5[%get3A_1029, %get3A_1030] {strides = array<i32>} : memref<160x128xi32, #tpu.memory_space<vmem>>, vector<1x16xi32>,
      %get3A_1032 = vector.shape_cast %get3A_1031 : vector<1x16xi32> to vector<16xi32>
      %and3A_1033 = arith.andi %get3A_1032, %broadcast_in_dim3A_17 : vector<16xi32>
      %swap3A_1034 = arith.constant 1 : i32
      %swap3A_1035 = arith.constant 0 : i32
      %swap3A_1036 = arith.index_cast %swap3A_1034 : i32 to index
      %swap3A_1037 = arith.index_cast %swap3A_1035 : i32 to index
      %swap3A_1038 = arith.constant 32 : index
      %swap3A_1039 = tpu.vector_load %arg6[%swap3A_1036, %swap3A_1037, %swap3A_1038] {strides = array<i32>} : memref<4x2x64xi32, #tpu.memory_space<vmem>>, vector<1x1x16xi32>,
      %swap3A_1040 = vector.shape_cast %swap3A_1039 : vector<1x1x16xi32> to vector<16xi32>
      %swap3A_1041 = vector.shape_cast %and3A_1033 : vector<16xi32> to vector<1x1x16xi32>
      tpu.vector_store %arg6[%swap3A_1036, %swap3A_1037, %swap3A_1038], %swap3A_1041 {strides = array<i32>} : memref<4x2x64xi32, #tpu.memory_space<vmem>>, vector<1x1x16xi32>,
      %shift_right_logical3A_1042 = arith.shrui %get3A_1032, %broadcast_in_dim3A_19 : vector<16xi32>
      %swap3A_1043 = arith.constant 1 : i32
      %swap3A_1044 = arith.constant 1 : i32
      %swap3A_1045 = arith.index_cast %swap3A_1043 : i32 to index
      %swap3A_1046 = arith.index_cast %swap3A_1044 : i32 to index
      %swap3A_1047 = arith.constant 32 : index
      %swap3A_1048 = tpu.vector_load %arg6[%swap3A_1045, %swap3A_1046, %swap3A_1047] {strides = array<i32>} : memref<4x2x64xi32, #tpu.memory_space<vmem>>, vector<1x1x16xi32>,
      %swap3A_1049 = vector.shape_cast %swap3A_1048 : vector<1x1x16xi32> to vector<16xi32>
      %swap3A_1050 = vector.shape_cast %shift_right_logical3A_1042 : vector<16xi32> to vector<1x1x16xi32>
      tpu.vector_store %arg6[%swap3A_1045, %swap3A_1046, %swap3A_1047], %swap3A_1050 {strides = array<i32>} : memref<4x2x64xi32, #tpu.memory_space<vmem>>, vector<1x1x16xi32>,
      %jit3A_1051 = arith.constant 2 : i32
      %div3A_1052 = arith.divsi %sub3A_912, %jit3A_1051 : i32
      %sign3A_1053 = arith.constant 0 : i32
      %sign3A_1054 = arith.cmpi sgt, %sub3A_912, %sign3A_1053 : i32
      %sign3A_1055 = arith.extui %sign3A_1054 : i1 to i32
      %sign3A_1056 = arith.constant 0 : i32
      %sign3A_1057 = arith.cmpi slt, %sub3A_912, %sign3A_1056 : i32
      %sign3A_1058 = arith.extui %sign3A_1057 : i1 to i32
      %sign3A_1059 = arith.subi %sign3A_1055, %sign3A_1058 : i32
      %sign3A_1060 = arith.constant 0 : i32
      %sign3A_1061 = arith.cmpi sgt, %jit3A_1051, %sign3A_1060 : i32
      %sign3A_1062 = arith.extui %sign3A_1061 : i1 to i32
      %sign3A_1063 = arith.constant 0 : i32
      %sign3A_1064 = arith.cmpi slt, %jit3A_1051, %sign3A_1063 : i32
      %sign3A_1065 = arith.extui %sign3A_1064 : i1 to i32
      %sign3A_1066 = arith.subi %sign3A_1062, %sign3A_1065 : i32
      %ne3A_1067 = arith.cmpi ne, %sign3A_1059, %sign3A_1066 : i32
      %rem3A_1068 = arith.remsi %sub3A_912, %jit3A_1051 : i32
      %ne3A_1069 = arith.constant 0 : i32
      %ne3A_1070 = arith.cmpi ne, %rem3A_1068, %ne3A_1069 : i32
      %and3A_1071 = arith.andi %ne3A_1067, %ne3A_1070 : i1
      %sub3A_1072 = arith.constant 1 : i32
      %sub3A_1073 = arith.subi %div3A_1052, %sub3A_1072 : i32
      %select_n3A_1074 = arith.select %and3A_1071, %sub3A_1073, %div3A_1052 : i32
      %get3A_1075 = arith.index_cast %select_n3A_1074 : i32 to index
      %get3A_1076 = arith.constant 112 : index
      %get3A_1077 = tpu.vector_load %arg5[%get3A_1075, %get3A_1076] {strides = array<i32>} : memref<160x128xi32, #tpu.memory_space<vmem>>, vector<1x16xi32>,
      %get3A_1078 = vector.shape_cast %get3A_1077 : vector<1x16xi32> to vector<16xi32>
      %and3A_1079 = arith.andi %get3A_1078, %broadcast_in_dim3A_17 : vector<16xi32>
      %swap3A_1080 = arith.constant 1 : i32
      %swap3A_1081 = arith.constant 0 : i32
      %swap3A_1082 = arith.index_cast %swap3A_1080 : i32 to index
      %swap3A_1083 = arith.index_cast %swap3A_1081 : i32 to index
      %swap3A_1084 = arith.constant 48 : index
      %swap3A_1085 = tpu.vector_load %arg6[%swap3A_1082, %swap3A_1083, %swap3A_1084] {strides = array<i32>} : memref<4x2x64xi32, #tpu.memory_space<vmem>>, vector<1x1x16xi32>,
      %swap3A_1086 = vector.shape_cast %swap3A_1085 : vector<1x1x16xi32> to vector<16xi32>
      %swap3A_1087 = vector.shape_cast %and3A_1079 : vector<16xi32> to vector<1x1x16xi32>
      tpu.vector_store %arg6[%swap3A_1082, %swap3A_1083, %swap3A_1084], %swap3A_1087 {strides = array<i32>} : memref<4x2x64xi32, #tpu.memory_space<vmem>>, vector<1x1x16xi32>,
      %shift_right_logical3A_1088 = arith.shrui %get3A_1078, %broadcast_in_dim3A_19 : vector<16xi32>
      %swap3A_1089 = arith.constant 1 : i32
      %swap3A_1090 = arith.constant 1 : i32
      %swap3A_1091 = arith.index_cast %swap3A_1089 : i32 to index
      %swap3A_1092 = arith.index_cast %swap3A_1090 : i32 to index
      %swap3A_1093 = arith.constant 48 : index
      %swap3A_1094 = tpu.vector_load %arg6[%swap3A_1091, %swap3A_1092, %swap3A_1093] {strides = array<i32>} : memref<4x2x64xi32, #tpu.memory_space<vmem>>, vector<1x1x16xi32>,
      %swap3A_1095 = vector.shape_cast %swap3A_1094 : vector<1x1x16xi32> to vector<16xi32>
      %swap3A_1096 = vector.shape_cast %shift_right_logical3A_1088 : vector<16xi32> to vector<1x1x16xi32>
      tpu.vector_store %arg6[%swap3A_1091, %swap3A_1092, %swap3A_1093], %swap3A_1096 {strides = array<i32>} : memref<4x2x64xi32, #tpu.memory_space<vmem>>, vector<1x1x16xi32>,
      %dma_start3A_1097 = arith.constant 1 : i32
      %dma_start3A_1098 = arith.constant 0 : i32
      %dma_start3A_1099 = arith.constant 1 : i32
      %dma_start3A_1100 = arith.constant 64 : i32
      %dma_start3A_1101 = arith.constant 0 : i32
      %dma_start3A_1102 = tpu.memref_slice %arg7[%dma_start3A_1100, %dma_start3A_1101] : memref<256x64xf32, #tpu.memory_space<vmem>> -> memref<64x64xf32, #tpu.memory_space<vmem>>
      %dma_start3A_1103 = arith.constant 0 : i32
      %dma_start3A_1104 = tpu.memref_slice %arg6[%dma_start3A_1097, %dma_start3A_1098, %dma_start3A_1103] : memref<4x2x64xi32, #tpu.memory_space<vmem>> -> memref<1x1x64xi32, #tpu.memory_space<vmem>>
      %dma_start3A_1105 = tpu.memref_squeeze %dma_start3A_1104 : memref<1x1x64xi32, #tpu.memory_space<vmem>> -> memref<64xi32, #tpu.memory_space<vmem>>
      %dma_start3A_1106 = arith.constant 0 : i32
      %dma_start3A_1107 = arith.constant 0 : i32
      %dma_start3A_1108 = tpu.memref_slice %arg9[%dma_start3A_1106, %dma_start3A_1107] : memref<10112x64xf32, #tpu.memory_space<vmem_shared>> -> memref<10112x64xf32, #tpu.memory_space<vmem_shared>>
      %dma_start3A_1109 = tpu.memref_slice %arg10[%dma_start3A_1099] : memref<4x!tpu.dma_semaphore, #tpu.memory_space<semaphore_mem>> -> memref<1x!tpu.dma_semaphore, #tpu.memory_space<semaphore_mem>>
      %dma_start3A_1110 = tpu.memref_squeeze %dma_start3A_1109 : memref<1x!tpu.dma_semaphore, #tpu.memory_space<semaphore_mem>> -> memref<!tpu.dma_semaphore, #tpu.memory_space<semaphore_mem>>
      tpu.enqueue_indirect_dma source(%dma_start3A_1108 : memref<10112x64xf32, #tpu.memory_space<vmem_shared>>) target(%dma_start3A_1102 : memref<64x64xf32, #tpu.memory_space<vmem>>) offsets(%dma_start3A_1105 : memref<64xi32, #tpu.memory_space<vmem>>) semaphore(%dma_start3A_1110 : memref<!tpu.dma_semaphore, #tpu.memory_space<semaphore_mem>>)
      %mul3A_1111 = arith.constant 4 : i32
      %mul3A_1112 = arith.muli %scan3A_617, %mul3A_1111 : i32
      %add3A_1113 = arith.constant 2 : i32
      %add3A_1114 = arith.addi %mul3A_1112, %add3A_1113 : i32
      %add3A_1115 = arith.constant 1 : i32
      %add3A_1116 = arith.addi %add3A_1114, %add3A_1115 : i32
      %dma_wait3A_1117 = arith.constant 3 : i32
      %dma_wait3A_1118 = arith.constant 0 : i32
      %dma_wait3A_1119 = arith.constant 3 : i32
      %dma_wait3A_1120 = arith.constant 192 : i32
      %dma_wait3A_1121 = arith.constant 0 : i32
      %dma_wait3A_1122 = tpu.memref_slice %arg7[%dma_wait3A_1120, %dma_wait3A_1121] : memref<256x64xf32, #tpu.memory_space<vmem>> -> memref<64x64xf32, #tpu.memory_space<vmem>>
      %dma_wait3A_1123 = arith.constant 0 : i32
      %dma_wait3A_1124 = tpu.memref_slice %arg6[%dma_wait3A_1117, %dma_wait3A_1118, %dma_wait3A_1123] : memref<4x2x64xi32, #tpu.memory_space<vmem>> -> memref<1x1x64xi32, #tpu.memory_space<vmem>>
      %dma_wait3A_1125 = tpu.memref_squeeze %dma_wait3A_1124 : memref<1x1x64xi32, #tpu.memory_space<vmem>> -> memref<64xi32, #tpu.memory_space<vmem>>
      %dma_wait3A_1126 = arith.constant 0 : i32
      %dma_wait3A_1127 = arith.constant 0 : i32
      %dma_wait3A_1128 = tpu.memref_slice %arg9[%dma_wait3A_1126, %dma_wait3A_1127] : memref<10112x64xf32, #tpu.memory_space<vmem_shared>> -> memref<10112x64xf32, #tpu.memory_space<vmem_shared>>
      %dma_wait3A_1129 = tpu.memref_slice %arg10[%dma_wait3A_1119] : memref<4x!tpu.dma_semaphore, #tpu.memory_space<semaphore_mem>> -> memref<1x!tpu.dma_semaphore, #tpu.memory_space<semaphore_mem>>
      %dma_wait3A_1130 = tpu.memref_squeeze %dma_wait3A_1129 : memref<1x!tpu.dma_semaphore, #tpu.memory_space<semaphore_mem>> -> memref<!tpu.dma_semaphore, #tpu.memory_space<semaphore_mem>>
      tpu.wait_indirect_dma semaphore(%dma_wait3A_1130 : memref<!tpu.dma_semaphore, #tpu.memory_space<semaphore_mem>>) src(%dma_wait3A_1128 : memref<10112x64xf32, #tpu.memory_space<vmem_shared>>) dst(%dma_wait3A_1122 : memref<64x64xf32, #tpu.memory_space<vmem>>)
      %dma_start3A_1131 = arith.constant 3 : i32
      %dma_start3A_1132 = arith.constant 1 : i32
      %dma_start3A_1133 = arith.constant 3 : i32
      %dma_start3A_1134 = arith.constant 192 : i32
      %dma_start3A_1135 = arith.constant 0 : i32
      %dma_start3A_1136 = tpu.memref_slice %arg7[%dma_start3A_1134, %dma_start3A_1135] : memref<256x64xf32, #tpu.memory_space<vmem>> -> memref<64x64xf32, #tpu.memory_space<vmem>>
      %dma_start3A_1137 = arith.constant 0 : i32
      %dma_start3A_1138 = tpu.memref_slice %arg6[%dma_start3A_1131, %dma_start3A_1132, %dma_start3A_1137] : memref<4x2x64xi32, #tpu.memory_space<vmem>> -> memref<1x1x64xi32, #tpu.memory_space<vmem>>
      %dma_start3A_1139 = tpu.memref_squeeze %dma_start3A_1138 : memref<1x1x64xi32, #tpu.memory_space<vmem>> -> memref<64xi32, #tpu.memory_space<vmem>>
      %dma_start3A_1140 = arith.constant 0 : i32
      %dma_start3A_1141 = arith.constant 0 : i32
      %dma_start3A_1142 = tpu.memref_slice %arg8[%dma_start3A_1140, %dma_start3A_1141] : memref<10112x64xf32, #tpu.memory_space<vmem_shared>> -> memref<10112x64xf32, #tpu.memory_space<vmem_shared>>
      %dma_start3A_1143 = tpu.memref_slice %arg11[%dma_start3A_1133] : memref<4x!tpu.dma_semaphore, #tpu.memory_space<semaphore_mem>> -> memref<1x!tpu.dma_semaphore, #tpu.memory_space<semaphore_mem>>
      %dma_start3A_1144 = tpu.memref_squeeze %dma_start3A_1143 : memref<1x!tpu.dma_semaphore, #tpu.memory_space<semaphore_mem>> -> memref<!tpu.dma_semaphore, #tpu.memory_space<semaphore_mem>>
      tpu.enqueue_indirect_dma source(%dma_start3A_1136 : memref<64x64xf32, #tpu.memory_space<vmem>>) target(%dma_start3A_1142 : memref<10112x64xf32, #tpu.memory_space<vmem_shared>>) offsets(%dma_start3A_1139 : memref<64xi32, #tpu.memory_space<vmem>>) semaphore(%dma_start3A_1144 : memref<!tpu.dma_semaphore, #tpu.memory_space<semaphore_mem>>) {add = true}
      %dma_wait3A_1145 = arith.constant 2 : i32
      %dma_wait3A_1146 = arith.constant 1 : i32
      %dma_wait3A_1147 = arith.constant 2 : i32
      %dma_wait3A_1148 = arith.constant 128 : i32
      %dma_wait3A_1149 = arith.constant 0 : i32
      %dma_wait3A_1150 = tpu.memref_slice %arg7[%dma_wait3A_1148, %dma_wait3A_1149] : memref<256x64xf32, #tpu.memory_space<vmem>> -> memref<64x64xf32, #tpu.memory_space<vmem>>
      %dma_wait3A_1151 = arith.constant 0 : i32
      %dma_wait3A_1152 = tpu.memref_slice %arg6[%dma_wait3A_1145, %dma_wait3A_1146, %dma_wait3A_1151] : memref<4x2x64xi32, #tpu.memory_space<vmem>> -> memref<1x1x64xi32, #tpu.memory_space<vmem>>
      %dma_wait3A_1153 = tpu.memref_squeeze %dma_wait3A_1152 : memref<1x1x64xi32, #tpu.memory_space<vmem>> -> memref<64xi32, #tpu.memory_space<vmem>>
      %dma_wait3A_1154 = arith.constant 0 : i32
      %dma_wait3A_1155 = arith.constant 0 : i32
      %dma_wait3A_1156 = tpu.memref_slice %arg8[%dma_wait3A_1154, %dma_wait3A_1155] : memref<10112x64xf32, #tpu.memory_space<vmem_shared>> -> memref<10112x64xf32, #tpu.memory_space<vmem_shared>>
      %dma_wait3A_1157 = tpu.memref_slice %arg11[%dma_wait3A_1147] : memref<4x!tpu.dma_semaphore, #tpu.memory_space<semaphore_mem>> -> memref<1x!tpu.dma_semaphore, #tpu.memory_space<semaphore_mem>>
      %dma_wait3A_1158 = tpu.memref_squeeze %dma_wait3A_1157 : memref<1x!tpu.dma_semaphore, #tpu.memory_space<semaphore_mem>> -> memref<!tpu.dma_semaphore, #tpu.memory_space<semaphore_mem>>
      tpu.wait_indirect_dma semaphore(%dma_wait3A_1158 : memref<!tpu.dma_semaphore, #tpu.memory_space<semaphore_mem>>) src(%dma_wait3A_1150 : memref<64x64xf32, #tpu.memory_space<vmem>>) dst(%dma_wait3A_1156 : memref<10112x64xf32, #tpu.memory_space<vmem_shared>>)
      %add3A_1159 = arith.constant 4 : i32
      %add3A_1160 = arith.addi %add3A_1116, %add3A_1159 : i32
      %sub3A_1161 = arith.constant 1 : i32
      %sub3A_1162 = arith.subi %add3A_1160, %sub3A_1161 : i32
      %jit3A_1163 = arith.constant 2 : i32
      %div3A_1164 = arith.divsi %sub3A_1162, %jit3A_1163 : i32
      %sign3A_1165 = arith.constant 0 : i32
      %sign3A_1166 = arith.cmpi sgt, %sub3A_1162, %sign3A_1165 : i32
      %sign3A_1167 = arith.extui %sign3A_1166 : i1 to i32
      %sign3A_1168 = arith.constant 0 : i32
      %sign3A_1169 = arith.cmpi slt, %sub3A_1162, %sign3A_1168 : i32
      %sign3A_1170 = arith.extui %sign3A_1169 : i1 to i32
      %sign3A_1171 = arith.subi %sign3A_1167, %sign3A_1170 : i32
      %sign3A_1172 = arith.constant 0 : i32
      %sign3A_1173 = arith.cmpi sgt, %jit3A_1163, %sign3A_1172 : i32
      %sign3A_1174 = arith.extui %sign3A_1173 : i1 to i32
      %sign3A_1175 = arith.constant 0 : i32
      %sign3A_1176 = arith.cmpi slt, %jit3A_1163, %sign3A_1175 : i32
      %sign3A_1177 = arith.extui %sign3A_1176 : i1 to i32
      %sign3A_1178 = arith.subi %sign3A_1174, %sign3A_1177 : i32
      %ne3A_1179 = arith.cmpi ne, %sign3A_1171, %sign3A_1178 : i32
      %rem3A_1180 = arith.remsi %sub3A_1162, %jit3A_1163 : i32
      %ne3A_1181 = arith.constant 0 : i32
      %ne3A_1182 = arith.cmpi ne, %rem3A_1180, %ne3A_1181 : i32
      %and3A_1183 = arith.andi %ne3A_1179, %ne3A_1182 : i1
      %sub3A_1184 = arith.constant 1 : i32
      %sub3A_1185 = arith.subi %div3A_1164, %sub3A_1184 : i32
      %select_n3A_1186 = arith.select %and3A_1183, %sub3A_1185, %div3A_1164 : i32
      %get3A_1187 = arith.index_cast %select_n3A_1186 : i32 to index
      %get3A_1188 = arith.constant 0 : index
      %get3A_1189 = tpu.vector_load %arg5[%get3A_1187, %get3A_1188] {strides = array<i32>} : memref<160x128xi32, #tpu.memory_space<vmem>>, vector<1x16xi32>,
      %get3A_1190 = vector.shape_cast %get3A_1189 : vector<1x16xi32> to vector<16xi32>
      %and3A_1191 = arith.andi %get3A_1190, %broadcast_in_dim3A_17 : vector<16xi32>
      %swap3A_1192 = arith.constant 2 : i32
      %swap3A_1193 = arith.constant 0 : i32
      %swap3A_1194 = arith.index_cast %swap3A_1192 : i32 to index
      %swap3A_1195 = arith.index_cast %swap3A_1193 : i32 to index
      %swap3A_1196 = arith.constant 0 : index
      %swap3A_1197 = tpu.vector_load %arg6[%swap3A_1194, %swap3A_1195, %swap3A_1196] {strides = array<i32>} : memref<4x2x64xi32, #tpu.memory_space<vmem>>, vector<1x1x16xi32>,
      %swap3A_1198 = vector.shape_cast %swap3A_1197 : vector<1x1x16xi32> to vector<16xi32>
      %swap3A_1199 = vector.shape_cast %and3A_1191 : vector<16xi32> to vector<1x1x16xi32>
      tpu.vector_store %arg6[%swap3A_1194, %swap3A_1195, %swap3A_1196], %swap3A_1199 {strides = array<i32>} : memref<4x2x64xi32, #tpu.memory_space<vmem>>, vector<1x1x16xi32>,
      %shift_right_logical3A_1200 = arith.shrui %get3A_1190, %broadcast_in_dim3A_19 : vector<16xi32>
      %swap3A_1201 = arith.constant 2 : i32
      %swap3A_1202 = arith.constant 1 : i32
      %swap3A_1203 = arith.index_cast %swap3A_1201 : i32 to index
      %swap3A_1204 = arith.index_cast %swap3A_1202 : i32 to index
      %swap3A_1205 = arith.constant 0 : index
      %swap3A_1206 = tpu.vector_load %arg6[%swap3A_1203, %swap3A_1204, %swap3A_1205] {strides = array<i32>} : memref<4x2x64xi32, #tpu.memory_space<vmem>>, vector<1x1x16xi32>,
      %swap3A_1207 = vector.shape_cast %swap3A_1206 : vector<1x1x16xi32> to vector<16xi32>
      %swap3A_1208 = vector.shape_cast %shift_right_logical3A_1200 : vector<16xi32> to vector<1x1x16xi32>
      tpu.vector_store %arg6[%swap3A_1203, %swap3A_1204, %swap3A_1205], %swap3A_1208 {strides = array<i32>} : memref<4x2x64xi32, #tpu.memory_space<vmem>>, vector<1x1x16xi32>,
      %jit3A_1209 = arith.constant 2 : i32
      %div3A_1210 = arith.divsi %sub3A_1162, %jit3A_1209 : i32
      %sign3A_1211 = arith.constant 0 : i32
      %sign3A_1212 = arith.cmpi sgt, %sub3A_1162, %sign3A_1211 : i32
      %sign3A_1213 = arith.extui %sign3A_1212 : i1 to i32
      %sign3A_1214 = arith.constant 0 : i32
      %sign3A_1215 = arith.cmpi slt, %sub3A_1162, %sign3A_1214 : i32
      %sign3A_1216 = arith.extui %sign3A_1215 : i1 to i32
      %sign3A_1217 = arith.subi %sign3A_1213, %sign3A_1216 : i32
      %sign3A_1218 = arith.constant 0 : i32
      %sign3A_1219 = arith.cmpi sgt, %jit3A_1209, %sign3A_1218 : i32
      %sign3A_1220 = arith.extui %sign3A_1219 : i1 to i32
      %sign3A_1221 = arith.constant 0 : i32
      %sign3A_1222 = arith.cmpi slt, %jit3A_1209, %sign3A_1221 : i32
      %sign3A_1223 = arith.extui %sign3A_1222 : i1 to i32
      %sign3A_1224 = arith.subi %sign3A_1220, %sign3A_1223 : i32
      %ne3A_1225 = arith.cmpi ne, %sign3A_1217, %sign3A_1224 : i32
      %rem3A_1226 = arith.remsi %sub3A_1162, %jit3A_1209 : i32
      %ne3A_1227 = arith.constant 0 : i32
      %ne3A_1228 = arith.cmpi ne, %rem3A_1226, %ne3A_1227 : i32
      %and3A_1229 = arith.andi %ne3A_1225, %ne3A_1228 : i1
      %sub3A_1230 = arith.constant 1 : i32
      %sub3A_1231 = arith.subi %div3A_1210, %sub3A_1230 : i32
      %select_n3A_1232 = arith.select %and3A_1229, %sub3A_1231, %div3A_1210 : i32
      %get3A_1233 = arith.index_cast %select_n3A_1232 : i32 to index
      %get3A_1234 = arith.constant 16 : index
      %get3A_1235 = tpu.vector_load %arg5[%get3A_1233, %get3A_1234] {strides = array<i32>} : memref<160x128xi32, #tpu.memory_space<vmem>>, vector<1x16xi32>,
      %get3A_1236 = vector.shape_cast %get3A_1235 : vector<1x16xi32> to vector<16xi32>
      %and3A_1237 = arith.andi %get3A_1236, %broadcast_in_dim3A_17 : vector<16xi32>
      %swap3A_1238 = arith.constant 2 : i32
      %swap3A_1239 = arith.constant 0 : i32
      %swap3A_1240 = arith.index_cast %swap3A_1238 : i32 to index
      %swap3A_1241 = arith.index_cast %swap3A_1239 : i32 to index
      %swap3A_1242 = arith.constant 16 : index
      %swap3A_1243 = tpu.vector_load %arg6[%swap3A_1240, %swap3A_1241, %swap3A_1242] {strides = array<i32>} : memref<4x2x64xi32, #tpu.memory_space<vmem>>, vector<1x1x16xi32>,
      %swap3A_1244 = vector.shape_cast %swap3A_1243 : vector<1x1x16xi32> to vector<16xi32>
      %swap3A_1245 = vector.shape_cast %and3A_1237 : vector<16xi32> to vector<1x1x16xi32>
      tpu.vector_store %arg6[%swap3A_1240, %swap3A_1241, %swap3A_1242], %swap3A_1245 {strides = array<i32>} : memref<4x2x64xi32, #tpu.memory_space<vmem>>, vector<1x1x16xi32>,
      %shift_right_logical3A_1246 = arith.shrui %get3A_1236, %broadcast_in_dim3A_19 : vector<16xi32>
      %swap3A_1247 = arith.constant 2 : i32
      %swap3A_1248 = arith.constant 1 : i32
      %swap3A_1249 = arith.index_cast %swap3A_1247 : i32 to index
      %swap3A_1250 = arith.index_cast %swap3A_1248 : i32 to index
      %swap3A_1251 = arith.constant 16 : index
      %swap3A_1252 = tpu.vector_load %arg6[%swap3A_1249, %swap3A_1250, %swap3A_1251] {strides = array<i32>} : memref<4x2x64xi32, #tpu.memory_space<vmem>>, vector<1x1x16xi32>,
      %swap3A_1253 = vector.shape_cast %swap3A_1252 : vector<1x1x16xi32> to vector<16xi32>
      %swap3A_1254 = vector.shape_cast %shift_right_logical3A_1246 : vector<16xi32> to vector<1x1x16xi32>
      tpu.vector_store %arg6[%swap3A_1249, %swap3A_1250, %swap3A_1251], %swap3A_1254 {strides = array<i32>} : memref<4x2x64xi32, #tpu.memory_space<vmem>>, vector<1x1x16xi32>,
      %jit3A_1255 = arith.constant 2 : i32
      %div3A_1256 = arith.divsi %sub3A_1162, %jit3A_1255 : i32
      %sign3A_1257 = arith.constant 0 : i32
      %sign3A_1258 = arith.cmpi sgt, %sub3A_1162, %sign3A_1257 : i32
      %sign3A_1259 = arith.extui %sign3A_1258 : i1 to i32
      %sign3A_1260 = arith.constant 0 : i32
      %sign3A_1261 = arith.cmpi slt, %sub3A_1162, %sign3A_1260 : i32
      %sign3A_1262 = arith.extui %sign3A_1261 : i1 to i32
      %sign3A_1263 = arith.subi %sign3A_1259, %sign3A_1262 : i32
      %sign3A_1264 = arith.constant 0 : i32
      %sign3A_1265 = arith.cmpi sgt, %jit3A_1255, %sign3A_1264 : i32
      %sign3A_1266 = arith.extui %sign3A_1265 : i1 to i32
      %sign3A_1267 = arith.constant 0 : i32
      %sign3A_1268 = arith.cmpi slt, %jit3A_1255, %sign3A_1267 : i32
      %sign3A_1269 = arith.extui %sign3A_1268 : i1 to i32
      %sign3A_1270 = arith.subi %sign3A_1266, %sign3A_1269 : i32
      %ne3A_1271 = arith.cmpi ne, %sign3A_1263, %sign3A_1270 : i32
      %rem3A_1272 = arith.remsi %sub3A_1162, %jit3A_1255 : i32
      %ne3A_1273 = arith.constant 0 : i32
      %ne3A_1274 = arith.cmpi ne, %rem3A_1272, %ne3A_1273 : i32
      %and3A_1275 = arith.andi %ne3A_1271, %ne3A_1274 : i1
      %sub3A_1276 = arith.constant 1 : i32
      %sub3A_1277 = arith.subi %div3A_1256, %sub3A_1276 : i32
      %select_n3A_1278 = arith.select %and3A_1275, %sub3A_1277, %div3A_1256 : i32
      %get3A_1279 = arith.index_cast %select_n3A_1278 : i32 to index
      %get3A_1280 = arith.constant 32 : index
      %get3A_1281 = tpu.vector_load %arg5[%get3A_1279, %get3A_1280] {strides = array<i32>} : memref<160x128xi32, #tpu.memory_space<vmem>>, vector<1x16xi32>,
      %get3A_1282 = vector.shape_cast %get3A_1281 : vector<1x16xi32> to vector<16xi32>
      %and3A_1283 = arith.andi %get3A_1282, %broadcast_in_dim3A_17 : vector<16xi32>
      %swap3A_1284 = arith.constant 2 : i32
      %swap3A_1285 = arith.constant 0 : i32
      %swap3A_1286 = arith.index_cast %swap3A_1284 : i32 to index
      %swap3A_1287 = arith.index_cast %swap3A_1285 : i32 to index
      %swap3A_1288 = arith.constant 32 : index
      %swap3A_1289 = tpu.vector_load %arg6[%swap3A_1286, %swap3A_1287, %swap3A_1288] {strides = array<i32>} : memref<4x2x64xi32, #tpu.memory_space<vmem>>, vector<1x1x16xi32>,
      %swap3A_1290 = vector.shape_cast %swap3A_1289 : vector<1x1x16xi32> to vector<16xi32>
      %swap3A_1291 = vector.shape_cast %and3A_1283 : vector<16xi32> to vector<1x1x16xi32>
      tpu.vector_store %arg6[%swap3A_1286, %swap3A_1287, %swap3A_1288], %swap3A_1291 {strides = array<i32>} : memref<4x2x64xi32, #tpu.memory_space<vmem>>, vector<1x1x16xi32>,
      %shift_right_logical3A_1292 = arith.shrui %get3A_1282, %broadcast_in_dim3A_19 : vector<16xi32>
      %swap3A_1293 = arith.constant 2 : i32
      %swap3A_1294 = arith.constant 1 : i32
      %swap3A_1295 = arith.index_cast %swap3A_1293 : i32 to index
      %swap3A_1296 = arith.index_cast %swap3A_1294 : i32 to index
      %swap3A_1297 = arith.constant 32 : index
      %swap3A_1298 = tpu.vector_load %arg6[%swap3A_1295, %swap3A_1296, %swap3A_1297] {strides = array<i32>} : memref<4x2x64xi32, #tpu.memory_space<vmem>>, vector<1x1x16xi32>,
      %swap3A_1299 = vector.shape_cast %swap3A_1298 : vector<1x1x16xi32> to vector<16xi32>
      %swap3A_1300 = vector.shape_cast %shift_right_logical3A_1292 : vector<16xi32> to vector<1x1x16xi32>
      tpu.vector_store %arg6[%swap3A_1295, %swap3A_1296, %swap3A_1297], %swap3A_1300 {strides = array<i32>} : memref<4x2x64xi32, #tpu.memory_space<vmem>>, vector<1x1x16xi32>,
      %jit3A_1301 = arith.constant 2 : i32
      %div3A_1302 = arith.divsi %sub3A_1162, %jit3A_1301 : i32
      %sign3A_1303 = arith.constant 0 : i32
      %sign3A_1304 = arith.cmpi sgt, %sub3A_1162, %sign3A_1303 : i32
      %sign3A_1305 = arith.extui %sign3A_1304 : i1 to i32
      %sign3A_1306 = arith.constant 0 : i32
      %sign3A_1307 = arith.cmpi slt, %sub3A_1162, %sign3A_1306 : i32
      %sign3A_1308 = arith.extui %sign3A_1307 : i1 to i32
      %sign3A_1309 = arith.subi %sign3A_1305, %sign3A_1308 : i32
      %sign3A_1310 = arith.constant 0 : i32
      %sign3A_1311 = arith.cmpi sgt, %jit3A_1301, %sign3A_1310 : i32
      %sign3A_1312 = arith.extui %sign3A_1311 : i1 to i32
      %sign3A_1313 = arith.constant 0 : i32
      %sign3A_1314 = arith.cmpi slt, %jit3A_1301, %sign3A_1313 : i32
      %sign3A_1315 = arith.extui %sign3A_1314 : i1 to i32
      %sign3A_1316 = arith.subi %sign3A_1312, %sign3A_1315 : i32
      %ne3A_1317 = arith.cmpi ne, %sign3A_1309, %sign3A_1316 : i32
      %rem3A_1318 = arith.remsi %sub3A_1162, %jit3A_1301 : i32
      %ne3A_1319 = arith.constant 0 : i32
      %ne3A_1320 = arith.cmpi ne, %rem3A_1318, %ne3A_1319 : i32
      %and3A_1321 = arith.andi %ne3A_1317, %ne3A_1320 : i1
      %sub3A_1322 = arith.constant 1 : i32
      %sub3A_1323 = arith.subi %div3A_1302, %sub3A_1322 : i32
      %select_n3A_1324 = arith.select %and3A_1321, %sub3A_1323, %div3A_1302 : i32
      %get3A_1325 = arith.index_cast %select_n3A_1324 : i32 to index
      %get3A_1326 = arith.constant 48 : index
      %get3A_1327 = tpu.vector_load %arg5[%get3A_1325, %get3A_1326] {strides = array<i32>} : memref<160x128xi32, #tpu.memory_space<vmem>>, vector<1x16xi32>,
      %get3A_1328 = vector.shape_cast %get3A_1327 : vector<1x16xi32> to vector<16xi32>
      %and3A_1329 = arith.andi %get3A_1328, %broadcast_in_dim3A_17 : vector<16xi32>
      %swap3A_1330 = arith.constant 2 : i32
      %swap3A_1331 = arith.constant 0 : i32
      %swap3A_1332 = arith.index_cast %swap3A_1330 : i32 to index
      %swap3A_1333 = arith.index_cast %swap3A_1331 : i32 to index
      %swap3A_1334 = arith.constant 48 : index
      %swap3A_1335 = tpu.vector_load %arg6[%swap3A_1332, %swap3A_1333, %swap3A_1334] {strides = array<i32>} : memref<4x2x64xi32, #tpu.memory_space<vmem>>, vector<1x1x16xi32>,
      %swap3A_1336 = vector.shape_cast %swap3A_1335 : vector<1x1x16xi32> to vector<16xi32>
      %swap3A_1337 = vector.shape_cast %and3A_1329 : vector<16xi32> to vector<1x1x16xi32>
      tpu.vector_store %arg6[%swap3A_1332, %swap3A_1333, %swap3A_1334], %swap3A_1337 {strides = array<i32>} : memref<4x2x64xi32, #tpu.memory_space<vmem>>, vector<1x1x16xi32>,
      %shift_right_logical3A_1338 = arith.shrui %get3A_1328, %broadcast_in_dim3A_19 : vector<16xi32>
      %swap3A_1339 = arith.constant 2 : i32
      %swap3A_1340 = arith.constant 1 : i32
      %swap3A_1341 = arith.index_cast %swap3A_1339 : i32 to index
      %swap3A_1342 = arith.index_cast %swap3A_1340 : i32 to index
      %swap3A_1343 = arith.constant 48 : index
      %swap3A_1344 = tpu.vector_load %arg6[%swap3A_1341, %swap3A_1342, %swap3A_1343] {strides = array<i32>} : memref<4x2x64xi32, #tpu.memory_space<vmem>>, vector<1x1x16xi32>,
      %swap3A_1345 = vector.shape_cast %swap3A_1344 : vector<1x1x16xi32> to vector<16xi32>
      %swap3A_1346 = vector.shape_cast %shift_right_logical3A_1338 : vector<16xi32> to vector<1x1x16xi32>
      tpu.vector_store %arg6[%swap3A_1341, %swap3A_1342, %swap3A_1343], %swap3A_1346 {strides = array<i32>} : memref<4x2x64xi32, #tpu.memory_space<vmem>>, vector<1x1x16xi32>,
      %dma_start3A_1347 = arith.constant 2 : i32
      %dma_start3A_1348 = arith.constant 0 : i32
      %dma_start3A_1349 = arith.constant 2 : i32
      %dma_start3A_1350 = arith.constant 128 : i32
      %dma_start3A_1351 = arith.constant 0 : i32
      %dma_start3A_1352 = tpu.memref_slice %arg7[%dma_start3A_1350, %dma_start3A_1351] : memref<256x64xf32, #tpu.memory_space<vmem>> -> memref<64x64xf32, #tpu.memory_space<vmem>>
      %dma_start3A_1353 = arith.constant 0 : i32
      %dma_start3A_1354 = tpu.memref_slice %arg6[%dma_start3A_1347, %dma_start3A_1348, %dma_start3A_1353] : memref<4x2x64xi32, #tpu.memory_space<vmem>> -> memref<1x1x64xi32, #tpu.memory_space<vmem>>
      %dma_start3A_1355 = tpu.memref_squeeze %dma_start3A_1354 : memref<1x1x64xi32, #tpu.memory_space<vmem>> -> memref<64xi32, #tpu.memory_space<vmem>>
      %dma_start3A_1356 = arith.constant 0 : i32
      %dma_start3A_1357 = arith.constant 0 : i32
      %dma_start3A_1358 = tpu.memref_slice %arg9[%dma_start3A_1356, %dma_start3A_1357] : memref<10112x64xf32, #tpu.memory_space<vmem_shared>> -> memref<10112x64xf32, #tpu.memory_space<vmem_shared>>
      %dma_start3A_1359 = tpu.memref_slice %arg10[%dma_start3A_1349] : memref<4x!tpu.dma_semaphore, #tpu.memory_space<semaphore_mem>> -> memref<1x!tpu.dma_semaphore, #tpu.memory_space<semaphore_mem>>
      %dma_start3A_1360 = tpu.memref_squeeze %dma_start3A_1359 : memref<1x!tpu.dma_semaphore, #tpu.memory_space<semaphore_mem>> -> memref<!tpu.dma_semaphore, #tpu.memory_space<semaphore_mem>>
      tpu.enqueue_indirect_dma source(%dma_start3A_1358 : memref<10112x64xf32, #tpu.memory_space<vmem_shared>>) target(%dma_start3A_1352 : memref<64x64xf32, #tpu.memory_space<vmem>>) offsets(%dma_start3A_1355 : memref<64xi32, #tpu.memory_space<vmem>>) semaphore(%dma_start3A_1360 : memref<!tpu.dma_semaphore, #tpu.memory_space<semaphore_mem>>)
      %mul3A_1361 = arith.constant 4 : i32
      %mul3A_1362 = arith.muli %scan3A_617, %mul3A_1361 : i32
      %add3A_1363 = arith.constant 3 : i32
      %add3A_1364 = arith.addi %mul3A_1362, %add3A_1363 : i32
      %add3A_1365 = arith.constant 1 : i32
      %add3A_1366 = arith.addi %add3A_1364, %add3A_1365 : i32
      %dma_wait3A_1367 = arith.constant 0 : i32
      %dma_wait3A_1368 = arith.constant 0 : i32
      %dma_wait3A_1369 = arith.constant 0 : i32
      %dma_wait3A_1370 = arith.constant 0 : i32
      %dma_wait3A_1371 = arith.constant 0 : i32
      %dma_wait3A_1372 = tpu.memref_slice %arg7[%dma_wait3A_1370, %dma_wait3A_1371] : memref<256x64xf32, #tpu.memory_space<vmem>> -> memref<64x64xf32, #tpu.memory_space<vmem>>
      %dma_wait3A_1373 = arith.constant 0 : i32
      %dma_wait3A_1374 = tpu.memref_slice %arg6[%dma_wait3A_1367, %dma_wait3A_1368, %dma_wait3A_1373] : memref<4x2x64xi32, #tpu.memory_space<vmem>> -> memref<1x1x64xi32, #tpu.memory_space<vmem>>
      %dma_wait3A_1375 = tpu.memref_squeeze %dma_wait3A_1374 : memref<1x1x64xi32, #tpu.memory_space<vmem>> -> memref<64xi32, #tpu.memory_space<vmem>>
      %dma_wait3A_1376 = arith.constant 0 : i32
      %dma_wait3A_1377 = arith.constant 0 : i32
      %dma_wait3A_1378 = tpu.memref_slice %arg9[%dma_wait3A_1376, %dma_wait3A_1377] : memref<10112x64xf32, #tpu.memory_space<vmem_shared>> -> memref<10112x64xf32, #tpu.memory_space<vmem_shared>>
      %dma_wait3A_1379 = tpu.memref_slice %arg10[%dma_wait3A_1369] : memref<4x!tpu.dma_semaphore, #tpu.memory_space<semaphore_mem>> -> memref<1x!tpu.dma_semaphore, #tpu.memory_space<semaphore_mem>>
      %dma_wait3A_1380 = tpu.memref_squeeze %dma_wait3A_1379 : memref<1x!tpu.dma_semaphore, #tpu.memory_space<semaphore_mem>> -> memref<!tpu.dma_semaphore, #tpu.memory_space<semaphore_mem>>
      tpu.wait_indirect_dma semaphore(%dma_wait3A_1380 : memref<!tpu.dma_semaphore, #tpu.memory_space<semaphore_mem>>) src(%dma_wait3A_1378 : memref<10112x64xf32, #tpu.memory_space<vmem_shared>>) dst(%dma_wait3A_1372 : memref<64x64xf32, #tpu.memory_space<vmem>>)
      %dma_start3A_1381 = arith.constant 0 : i32
      %dma_start3A_1382 = arith.constant 1 : i32
      %dma_start3A_1383 = arith.constant 0 : i32
      %dma_start3A_1384 = arith.constant 0 : i32
      %dma_start3A_1385 = arith.constant 0 : i32
      %dma_start3A_1386 = tpu.memref_slice %arg7[%dma_start3A_1384, %dma_start3A_1385] : memref<256x64xf32, #tpu.memory_space<vmem>> -> memref<64x64xf32, #tpu.memory_space<vmem>>
      %dma_start3A_1387 = arith.constant 0 : i32
      %dma_start3A_1388 = tpu.memref_slice %arg6[%dma_start3A_1381, %dma_start3A_1382, %dma_start3A_1387] : memref<4x2x64xi32, #tpu.memory_space<vmem>> -> memref<1x1x64xi32, #tpu.memory_space<vmem>>
      %dma_start3A_1389 = tpu.memref_squeeze %dma_start3A_1388 : memref<1x1x64xi32, #tpu.memory_space<vmem>> -> memref<64xi32, #tpu.memory_space<vmem>>
      %dma_start3A_1390 = arith.constant 0 : i32
      %dma_start3A_1391 = arith.constant 0 : i32
      %dma_start3A_1392 = tpu.memref_slice %arg8[%dma_start3A_1390, %dma_start3A_1391] : memref<10112x64xf32, #tpu.memory_space<vmem_shared>> -> memref<10112x64xf32, #tpu.memory_space<vmem_shared>>
      %dma_start3A_1393 = tpu.memref_slice %arg11[%dma_start3A_1383] : memref<4x!tpu.dma_semaphore, #tpu.memory_space<semaphore_mem>> -> memref<1x!tpu.dma_semaphore, #tpu.memory_space<semaphore_mem>>
      %dma_start3A_1394 = tpu.memref_squeeze %dma_start3A_1393 : memref<1x!tpu.dma_semaphore, #tpu.memory_space<semaphore_mem>> -> memref<!tpu.dma_semaphore, #tpu.memory_space<semaphore_mem>>
      tpu.enqueue_indirect_dma source(%dma_start3A_1386 : memref<64x64xf32, #tpu.memory_space<vmem>>) target(%dma_start3A_1392 : memref<10112x64xf32, #tpu.memory_space<vmem_shared>>) offsets(%dma_start3A_1389 : memref<64xi32, #tpu.memory_space<vmem>>) semaphore(%dma_start3A_1394 : memref<!tpu.dma_semaphore, #tpu.memory_space<semaphore_mem>>) {add = true}
      %dma_wait3A_1395 = arith.constant 3 : i32
      %dma_wait3A_1396 = arith.constant 1 : i32
      %dma_wait3A_1397 = arith.constant 3 : i32
      %dma_wait3A_1398 = arith.constant 192 : i32
      %dma_wait3A_1399 = arith.constant 0 : i32
      %dma_wait3A_1400 = tpu.memref_slice %arg7[%dma_wait3A_1398, %dma_wait3A_1399] : memref<256x64xf32, #tpu.memory_space<vmem>> -> memref<64x64xf32, #tpu.memory_space<vmem>>
      %dma_wait3A_1401 = arith.constant 0 : i32
      %dma_wait3A_1402 = tpu.memref_slice %arg6[%dma_wait3A_1395, %dma_wait3A_1396, %dma_wait3A_1401] : memref<4x2x64xi32, #tpu.memory_space<vmem>> -> memref<1x1x64xi32, #tpu.memory_space<vmem>>
      %dma_wait3A_1403 = tpu.memref_squeeze %dma_wait3A_1402 : memref<1x1x64xi32, #tpu.memory_space<vmem>> -> memref<64xi32, #tpu.memory_space<vmem>>
      %dma_wait3A_1404 = arith.constant 0 : i32
      %dma_wait3A_1405 = arith.constant 0 : i32
      %dma_wait3A_1406 = tpu.memref_slice %arg8[%dma_wait3A_1404, %dma_wait3A_1405] : memref<10112x64xf32, #tpu.memory_space<vmem_shared>> -> memref<10112x64xf32, #tpu.memory_space<vmem_shared>>
      %dma_wait3A_1407 = tpu.memref_slice %arg11[%dma_wait3A_1397] : memref<4x!tpu.dma_semaphore, #tpu.memory_space<semaphore_mem>> -> memref<1x!tpu.dma_semaphore, #tpu.memory_space<semaphore_mem>>
      %dma_wait3A_1408 = tpu.memref_squeeze %dma_wait3A_1407 : memref<1x!tpu.dma_semaphore, #tpu.memory_space<semaphore_mem>> -> memref<!tpu.dma_semaphore, #tpu.memory_space<semaphore_mem>>
      tpu.wait_indirect_dma semaphore(%dma_wait3A_1408 : memref<!tpu.dma_semaphore, #tpu.memory_space<semaphore_mem>>) src(%dma_wait3A_1400 : memref<64x64xf32, #tpu.memory_space<vmem>>) dst(%dma_wait3A_1406 : memref<10112x64xf32, #tpu.memory_space<vmem_shared>>)
      %add3A_1409 = arith.constant 4 : i32
      %add3A_1410 = arith.addi %add3A_1366, %add3A_1409 : i32
      %sub3A_1411 = arith.constant 1 : i32
      %sub3A_1412 = arith.subi %add3A_1410, %sub3A_1411 : i32
      %jit3A_1413 = arith.constant 2 : i32
      %div3A_1414 = arith.divsi %sub3A_1412, %jit3A_1413 : i32
      %sign3A_1415 = arith.constant 0 : i32
      %sign3A_1416 = arith.cmpi sgt, %sub3A_1412, %sign3A_1415 : i32
      %sign3A_1417 = arith.extui %sign3A_1416 : i1 to i32
      %sign3A_1418 = arith.constant 0 : i32
      %sign3A_1419 = arith.cmpi slt, %sub3A_1412, %sign3A_1418 : i32
      %sign3A_1420 = arith.extui %sign3A_1419 : i1 to i32
      %sign3A_1421 = arith.subi %sign3A_1417, %sign3A_1420 : i32
      %sign3A_1422 = arith.constant 0 : i32
      %sign3A_1423 = arith.cmpi sgt, %jit3A_1413, %sign3A_1422 : i32
      %sign3A_1424 = arith.extui %sign3A_1423 : i1 to i32
      %sign3A_1425 = arith.constant 0 : i32
      %sign3A_1426 = arith.cmpi slt, %jit3A_1413, %sign3A_1425 : i32
      %sign3A_1427 = arith.extui %sign3A_1426 : i1 to i32
      %sign3A_1428 = arith.subi %sign3A_1424, %sign3A_1427 : i32
      %ne3A_1429 = arith.cmpi ne, %sign3A_1421, %sign3A_1428 : i32
      %rem3A_1430 = arith.remsi %sub3A_1412, %jit3A_1413 : i32
      %ne3A_1431 = arith.constant 0 : i32
      %ne3A_1432 = arith.cmpi ne, %rem3A_1430, %ne3A_1431 : i32
      %and3A_1433 = arith.andi %ne3A_1429, %ne3A_1432 : i1
      %sub3A_1434 = arith.constant 1 : i32
      %sub3A_1435 = arith.subi %div3A_1414, %sub3A_1434 : i32
      %select_n3A_1436 = arith.select %and3A_1433, %sub3A_1435, %div3A_1414 : i32
      %get3A_1437 = arith.index_cast %select_n3A_1436 : i32 to index
      %get3A_1438 = arith.constant 64 : index
      %get3A_1439 = tpu.vector_load %arg5[%get3A_1437, %get3A_1438] {strides = array<i32>} : memref<160x128xi32, #tpu.memory_space<vmem>>, vector<1x16xi32>,
      %get3A_1440 = vector.shape_cast %get3A_1439 : vector<1x16xi32> to vector<16xi32>
      %and3A_1441 = arith.andi %get3A_1440, %broadcast_in_dim3A_17 : vector<16xi32>
      %swap3A_1442 = arith.constant 3 : i32
      %swap3A_1443 = arith.constant 0 : i32
      %swap3A_1444 = arith.index_cast %swap3A_1442 : i32 to index
      %swap3A_1445 = arith.index_cast %swap3A_1443 : i32 to index
      %swap3A_1446 = arith.constant 0 : index
      %swap3A_1447 = tpu.vector_load %arg6[%swap3A_1444, %swap3A_1445, %swap3A_1446] {strides = array<i32>} : memref<4x2x64xi32, #tpu.memory_space<vmem>>, vector<1x1x16xi32>,
      %swap3A_1448 = vector.shape_cast %swap3A_1447 : vector<1x1x16xi32> to vector<16xi32>
      %swap3A_1449 = vector.shape_cast %and3A_1441 : vector<16xi32> to vector<1x1x16xi32>
      tpu.vector_store %arg6[%swap3A_1444, %swap3A_1445, %swap3A_1446], %swap3A_1449 {strides = array<i32>} : memref<4x2x64xi32, #tpu.memory_space<vmem>>, vector<1x1x16xi32>,
      %shift_right_logical3A_1450 = arith.shrui %get3A_1440, %broadcast_in_dim3A_19 : vector<16xi32>
      %swap3A_1451 = arith.constant 3 : i32
      %swap3A_1452 = arith.constant 1 : i32
      %swap3A_1453 = arith.index_cast %swap3A_1451 : i32 to index
      %swap3A_1454 = arith.index_cast %swap3A_1452 : i32 to index
      %swap3A_1455 = arith.constant 0 : index
      %swap3A_1456 = tpu.vector_load %arg6[%swap3A_1453, %swap3A_1454, %swap3A_1455] {strides = array<i32>} : memref<4x2x64xi32, #tpu.memory_space<vmem>>, vector<1x1x16xi32>,
      %swap3A_1457 = vector.shape_cast %swap3A_1456 : vector<1x1x16xi32> to vector<16xi32>
      %swap3A_1458 = vector.shape_cast %shift_right_logical3A_1450 : vector<16xi32> to vector<1x1x16xi32>
      tpu.vector_store %arg6[%swap3A_1453, %swap3A_1454, %swap3A_1455], %swap3A_1458 {strides = array<i32>} : memref<4x2x64xi32, #tpu.memory_space<vmem>>, vector<1x1x16xi32>,
      %jit3A_1459 = arith.constant 2 : i32
      %div3A_1460 = arith.divsi %sub3A_1412, %jit3A_1459 : i32
      %sign3A_1461 = arith.constant 0 : i32
      %sign3A_1462 = arith.cmpi sgt, %sub3A_1412, %sign3A_1461 : i32
      %sign3A_1463 = arith.extui %sign3A_1462 : i1 to i32
      %sign3A_1464 = arith.constant 0 : i32
      %sign3A_1465 = arith.cmpi slt, %sub3A_1412, %sign3A_1464 : i32
      %sign3A_1466 = arith.extui %sign3A_1465 : i1 to i32
      %sign3A_1467 = arith.subi %sign3A_1463, %sign3A_1466 : i32
      %sign3A_1468 = arith.constant 0 : i32
      %sign3A_1469 = arith.cmpi sgt, %jit3A_1459, %sign3A_1468 : i32
      %sign3A_1470 = arith.extui %sign3A_1469 : i1 to i32
      %sign3A_1471 = arith.constant 0 : i32
      %sign3A_1472 = arith.cmpi slt, %jit3A_1459, %sign3A_1471 : i32
      %sign3A_1473 = arith.extui %sign3A_1472 : i1 to i32
      %sign3A_1474 = arith.subi %sign3A_1470, %sign3A_1473 : i32
      %ne3A_1475 = arith.cmpi ne, %sign3A_1467, %sign3A_1474 : i32
      %rem3A_1476 = arith.remsi %sub3A_1412, %jit3A_1459 : i32
      %ne3A_1477 = arith.constant 0 : i32
      %ne3A_1478 = arith.cmpi ne, %rem3A_1476, %ne3A_1477 : i32
      %and3A_1479 = arith.andi %ne3A_1475, %ne3A_1478 : i1
      %sub3A_1480 = arith.constant 1 : i32
      %sub3A_1481 = arith.subi %div3A_1460, %sub3A_1480 : i32
      %select_n3A_1482 = arith.select %and3A_1479, %sub3A_1481, %div3A_1460 : i32
      %get3A_1483 = arith.index_cast %select_n3A_1482 : i32 to index
      %get3A_1484 = arith.constant 80 : index
      %get3A_1485 = tpu.vector_load %arg5[%get3A_1483, %get3A_1484] {strides = array<i32>} : memref<160x128xi32, #tpu.memory_space<vmem>>, vector<1x16xi32>,
      %get3A_1486 = vector.shape_cast %get3A_1485 : vector<1x16xi32> to vector<16xi32>
      %and3A_1487 = arith.andi %get3A_1486, %broadcast_in_dim3A_17 : vector<16xi32>
      %swap3A_1488 = arith.constant 3 : i32
      %swap3A_1489 = arith.constant 0 : i32
      %swap3A_1490 = arith.index_cast %swap3A_1488 : i32 to index
      %swap3A_1491 = arith.index_cast %swap3A_1489 : i32 to index
      %swap3A_1492 = arith.constant 16 : index
      %swap3A_1493 = tpu.vector_load %arg6[%swap3A_1490, %swap3A_1491, %swap3A_1492] {strides = array<i32>} : memref<4x2x64xi32, #tpu.memory_space<vmem>>, vector<1x1x16xi32>,
      %swap3A_1494 = vector.shape_cast %swap3A_1493 : vector<1x1x16xi32> to vector<16xi32>
      %swap3A_1495 = vector.shape_cast %and3A_1487 : vector<16xi32> to vector<1x1x16xi32>
      tpu.vector_store %arg6[%swap3A_1490, %swap3A_1491, %swap3A_1492], %swap3A_1495 {strides = array<i32>} : memref<4x2x64xi32, #tpu.memory_space<vmem>>, vector<1x1x16xi32>,
      %shift_right_logical3A_1496 = arith.shrui %get3A_1486, %broadcast_in_dim3A_19 : vector<16xi32>
      %swap3A_1497 = arith.constant 3 : i32
      %swap3A_1498 = arith.constant 1 : i32
      %swap3A_1499 = arith.index_cast %swap3A_1497 : i32 to index
      %swap3A_1500 = arith.index_cast %swap3A_1498 : i32 to index
      %swap3A_1501 = arith.constant 16 : index
      %swap3A_1502 = tpu.vector_load %arg6[%swap3A_1499, %swap3A_1500, %swap3A_1501] {strides = array<i32>} : memref<4x2x64xi32, #tpu.memory_space<vmem>>, vector<1x1x16xi32>,
      %swap3A_1503 = vector.shape_cast %swap3A_1502 : vector<1x1x16xi32> to vector<16xi32>
      %swap3A_1504 = vector.shape_cast %shift_right_logical3A_1496 : vector<16xi32> to vector<1x1x16xi32>
      tpu.vector_store %arg6[%swap3A_1499, %swap3A_1500, %swap3A_1501], %swap3A_1504 {strides = array<i32>} : memref<4x2x64xi32, #tpu.memory_space<vmem>>, vector<1x1x16xi32>,
      %jit3A_1505 = arith.constant 2 : i32
      %div3A_1506 = arith.divsi %sub3A_1412, %jit3A_1505 : i32
      %sign3A_1507 = arith.constant 0 : i32
      %sign3A_1508 = arith.cmpi sgt, %sub3A_1412, %sign3A_1507 : i32
      %sign3A_1509 = arith.extui %sign3A_1508 : i1 to i32
      %sign3A_1510 = arith.constant 0 : i32
      %sign3A_1511 = arith.cmpi slt, %sub3A_1412, %sign3A_1510 : i32
      %sign3A_1512 = arith.extui %sign3A_1511 : i1 to i32
      %sign3A_1513 = arith.subi %sign3A_1509, %sign3A_1512 : i32
      %sign3A_1514 = arith.constant 0 : i32
      %sign3A_1515 = arith.cmpi sgt, %jit3A_1505, %sign3A_1514 : i32
      %sign3A_1516 = arith.extui %sign3A_1515 : i1 to i32
      %sign3A_1517 = arith.constant 0 : i32
      %sign3A_1518 = arith.cmpi slt, %jit3A_1505, %sign3A_1517 : i32
      %sign3A_1519 = arith.extui %sign3A_1518 : i1 to i32
      %sign3A_1520 = arith.subi %sign3A_1516, %sign3A_1519 : i32
      %ne3A_1521 = arith.cmpi ne, %sign3A_1513, %sign3A_1520 : i32
      %rem3A_1522 = arith.remsi %sub3A_1412, %jit3A_1505 : i32
      %ne3A_1523 = arith.constant 0 : i32
      %ne3A_1524 = arith.cmpi ne, %rem3A_1522, %ne3A_1523 : i32
      %and3A_1525 = arith.andi %ne3A_1521, %ne3A_1524 : i1
      %sub3A_1526 = arith.constant 1 : i32
      %sub3A_1527 = arith.subi %div3A_1506, %sub3A_1526 : i32
      %select_n3A_1528 = arith.select %and3A_1525, %sub3A_1527, %div3A_1506 : i32
      %get3A_1529 = arith.index_cast %select_n3A_1528 : i32 to index
      %get3A_1530 = arith.constant 96 : index
      %get3A_1531 = tpu.vector_load %arg5[%get3A_1529, %get3A_1530] {strides = array<i32>} : memref<160x128xi32, #tpu.memory_space<vmem>>, vector<1x16xi32>,
      %get3A_1532 = vector.shape_cast %get3A_1531 : vector<1x16xi32> to vector<16xi32>
      %and3A_1533 = arith.andi %get3A_1532, %broadcast_in_dim3A_17 : vector<16xi32>
      %swap3A_1534 = arith.constant 3 : i32
      %swap3A_1535 = arith.constant 0 : i32
      %swap3A_1536 = arith.index_cast %swap3A_1534 : i32 to index
      %swap3A_1537 = arith.index_cast %swap3A_1535 : i32 to index
      %swap3A_1538 = arith.constant 32 : index
      %swap3A_1539 = tpu.vector_load %arg6[%swap3A_1536, %swap3A_1537, %swap3A_1538] {strides = array<i32>} : memref<4x2x64xi32, #tpu.memory_space<vmem>>, vector<1x1x16xi32>,
      %swap3A_1540 = vector.shape_cast %swap3A_1539 : vector<1x1x16xi32> to vector<16xi32>
      %swap3A_1541 = vector.shape_cast %and3A_1533 : vector<16xi32> to vector<1x1x16xi32>
      tpu.vector_store %arg6[%swap3A_1536, %swap3A_1537, %swap3A_1538], %swap3A_1541 {strides = array<i32>} : memref<4x2x64xi32, #tpu.memory_space<vmem>>, vector<1x1x16xi32>,
      %shift_right_logical3A_1542 = arith.shrui %get3A_1532, %broadcast_in_dim3A_19 : vector<16xi32>
      %swap3A_1543 = arith.constant 3 : i32
      %swap3A_1544 = arith.constant 1 : i32
      %swap3A_1545 = arith.index_cast %swap3A_1543 : i32 to index
      %swap3A_1546 = arith.index_cast %swap3A_1544 : i32 to index
      %swap3A_1547 = arith.constant 32 : index
      %swap3A_1548 = tpu.vector_load %arg6[%swap3A_1545, %swap3A_1546, %swap3A_1547] {strides = array<i32>} : memref<4x2x64xi32, #tpu.memory_space<vmem>>, vector<1x1x16xi32>,
      %swap3A_1549 = vector.shape_cast %swap3A_1548 : vector<1x1x16xi32> to vector<16xi32>
      %swap3A_1550 = vector.shape_cast %shift_right_logical3A_1542 : vector<16xi32> to vector<1x1x16xi32>
      tpu.vector_store %arg6[%swap3A_1545, %swap3A_1546, %swap3A_1547], %swap3A_1550 {strides = array<i32>} : memref<4x2x64xi32, #tpu.memory_space<vmem>>, vector<1x1x16xi32>,
      %jit3A_1551 = arith.constant 2 : i32
      %div3A_1552 = arith.divsi %sub3A_1412, %jit3A_1551 : i32
      %sign3A_1553 = arith.constant 0 : i32
      %sign3A_1554 = arith.cmpi sgt, %sub3A_1412, %sign3A_1553 : i32
      %sign3A_1555 = arith.extui %sign3A_1554 : i1 to i32
      %sign3A_1556 = arith.constant 0 : i32
      %sign3A_1557 = arith.cmpi slt, %sub3A_1412, %sign3A_1556 : i32
      %sign3A_1558 = arith.extui %sign3A_1557 : i1 to i32
      %sign3A_1559 = arith.subi %sign3A_1555, %sign3A_1558 : i32
      %sign3A_1560 = arith.constant 0 : i32
      %sign3A_1561 = arith.cmpi sgt, %jit3A_1551, %sign3A_1560 : i32
      %sign3A_1562 = arith.extui %sign3A_1561 : i1 to i32
      %sign3A_1563 = arith.constant 0 : i32
      %sign3A_1564 = arith.cmpi slt, %jit3A_1551, %sign3A_1563 : i32
      %sign3A_1565 = arith.extui %sign3A_1564 : i1 to i32
      %sign3A_1566 = arith.subi %sign3A_1562, %sign3A_1565 : i32
      %ne3A_1567 = arith.cmpi ne, %sign3A_1559, %sign3A_1566 : i32
      %rem3A_1568 = arith.remsi %sub3A_1412, %jit3A_1551 : i32
      %ne3A_1569 = arith.constant 0 : i32
      %ne3A_1570 = arith.cmpi ne, %rem3A_1568, %ne3A_1569 : i32
      %and3A_1571 = arith.andi %ne3A_1567, %ne3A_1570 : i1
      %sub3A_1572 = arith.constant 1 : i32
      %sub3A_1573 = arith.subi %div3A_1552, %sub3A_1572 : i32
      %select_n3A_1574 = arith.select %and3A_1571, %sub3A_1573, %div3A_1552 : i32
      %get3A_1575 = arith.index_cast %select_n3A_1574 : i32 to index
      %get3A_1576 = arith.constant 112 : index
      %get3A_1577 = tpu.vector_load %arg5[%get3A_1575, %get3A_1576] {strides = array<i32>} : memref<160x128xi32, #tpu.memory_space<vmem>>, vector<1x16xi32>,
      %get3A_1578 = vector.shape_cast %get3A_1577 : vector<1x16xi32> to vector<16xi32>
      %and3A_1579 = arith.andi %get3A_1578, %broadcast_in_dim3A_17 : vector<16xi32>
      %swap3A_1580 = arith.constant 3 : i32
      %swap3A_1581 = arith.constant 0 : i32
      %swap3A_1582 = arith.index_cast %swap3A_1580 : i32 to index
      %swap3A_1583 = arith.index_cast %swap3A_1581 : i32 to index
      %swap3A_1584 = arith.constant 48 : index
      %swap3A_1585 = tpu.vector_load %arg6[%swap3A_1582, %swap3A_1583, %swap3A_1584] {strides = array<i32>} : memref<4x2x64xi32, #tpu.memory_space<vmem>>, vector<1x1x16xi32>,
      %swap3A_1586 = vector.shape_cast %swap3A_1585 : vector<1x1x16xi32> to vector<16xi32>
      %swap3A_1587 = vector.shape_cast %and3A_1579 : vector<16xi32> to vector<1x1x16xi32>
      tpu.vector_store %arg6[%swap3A_1582, %swap3A_1583, %swap3A_1584], %swap3A_1587 {strides = array<i32>} : memref<4x2x64xi32, #tpu.memory_space<vmem>>, vector<1x1x16xi32>,
      %shift_right_logical3A_1588 = arith.shrui %get3A_1578, %broadcast_in_dim3A_19 : vector<16xi32>
      %swap3A_1589 = arith.constant 3 : i32
      %swap3A_1590 = arith.constant 1 : i32
      %swap3A_1591 = arith.index_cast %swap3A_1589 : i32 to index
      %swap3A_1592 = arith.index_cast %swap3A_1590 : i32 to index
      %swap3A_1593 = arith.constant 48 : index
      %swap3A_1594 = tpu.vector_load %arg6[%swap3A_1591, %swap3A_1592, %swap3A_1593] {strides = array<i32>} : memref<4x2x64xi32, #tpu.memory_space<vmem>>, vector<1x1x16xi32>,
      %swap3A_1595 = vector.shape_cast %swap3A_1594 : vector<1x1x16xi32> to vector<16xi32>
      %swap3A_1596 = vector.shape_cast %shift_right_logical3A_1588 : vector<16xi32> to vector<1x1x16xi32>
      tpu.vector_store %arg6[%swap3A_1591, %swap3A_1592, %swap3A_1593], %swap3A_1596 {strides = array<i32>} : memref<4x2x64xi32, #tpu.memory_space<vmem>>, vector<1x1x16xi32>,
      %dma_start3A_1597 = arith.constant 3 : i32
      %dma_start3A_1598 = arith.constant 0 : i32
      %dma_start3A_1599 = arith.constant 3 : i32
      %dma_start3A_1600 = arith.constant 192 : i32
      %dma_start3A_1601 = arith.constant 0 : i32
      %dma_start3A_1602 = tpu.memref_slice %arg7[%dma_start3A_1600, %dma_start3A_1601] : memref<256x64xf32, #tpu.memory_space<vmem>> -> memref<64x64xf32, #tpu.memory_space<vmem>>
      %dma_start3A_1603 = arith.constant 0 : i32
      %dma_start3A_1604 = tpu.memref_slice %arg6[%dma_start3A_1597, %dma_start3A_1598, %dma_start3A_1603] : memref<4x2x64xi32, #tpu.memory_space<vmem>> -> memref<1x1x64xi32, #tpu.memory_space<vmem>>
      %dma_start3A_1605 = tpu.memref_squeeze %dma_start3A_1604 : memref<1x1x64xi32, #tpu.memory_space<vmem>> -> memref<64xi32, #tpu.memory_space<vmem>>
      %dma_start3A_1606 = arith.constant 0 : i32
      %dma_start3A_1607 = arith.constant 0 : i32
      %dma_start3A_1608 = tpu.memref_slice %arg9[%dma_start3A_1606, %dma_start3A_1607] : memref<10112x64xf32, #tpu.memory_space<vmem_shared>> -> memref<10112x64xf32, #tpu.memory_space<vmem_shared>>
      %dma_start3A_1609 = tpu.memref_slice %arg10[%dma_start3A_1599] : memref<4x!tpu.dma_semaphore, #tpu.memory_space<semaphore_mem>> -> memref<1x!tpu.dma_semaphore, #tpu.memory_space<semaphore_mem>>
      %dma_start3A_1610 = tpu.memref_squeeze %dma_start3A_1609 : memref<1x!tpu.dma_semaphore, #tpu.memory_space<semaphore_mem>> -> memref<!tpu.dma_semaphore, #tpu.memory_space<semaphore_mem>>
      tpu.enqueue_indirect_dma source(%dma_start3A_1608 : memref<10112x64xf32, #tpu.memory_space<vmem_shared>>) target(%dma_start3A_1602 : memref<64x64xf32, #tpu.memory_space<vmem>>) offsets(%dma_start3A_1605 : memref<64xi32, #tpu.memory_space<vmem>>) semaphore(%dma_start3A_1610 : memref<!tpu.dma_semaphore, #tpu.memory_space<semaphore_mem>>)
    }
    %scan3A_471 = arith.constant 79 : i32
    %dma_wait3A_472 = arith.constant 1 : i32
    %dma_wait3A_473 = arith.constant 0 : i32
    %dma_wait3A_474 = arith.constant 1 : i32
    %dma_wait3A_475 = arith.constant 64 : i32
    %dma_wait3A_476 = arith.constant 0 : i32
    %dma_wait3A_477 = tpu.memref_slice %arg7[%dma_wait3A_475, %dma_wait3A_476] : memref<256x64xf32, #tpu.memory_space<vmem>> -> memref<64x64xf32, #tpu.memory_space<vmem>>
    %dma_wait3A_478 = arith.constant 0 : i32
    %dma_wait3A_479 = tpu.memref_slice %arg6[%dma_wait3A_472, %dma_wait3A_473, %dma_wait3A_478] : memref<4x2x64xi32, #tpu.memory_space<vmem>> -> memref<1x1x64xi32, #tpu.memory_space<vmem>>
    %dma_wait3A_480 = tpu.memref_squeeze %dma_wait3A_479 : memref<1x1x64xi32, #tpu.memory_space<vmem>> -> memref<64xi32, #tpu.memory_space<vmem>>
    %dma_wait3A_481 = arith.constant 0 : i32
    %dma_wait3A_482 = arith.constant 0 : i32
    %dma_wait3A_483 = tpu.memref_slice %arg9[%dma_wait3A_481, %dma_wait3A_482] : memref<10112x64xf32, #tpu.memory_space<vmem_shared>> -> memref<10112x64xf32, #tpu.memory_space<vmem_shared>>
    %dma_wait3A_484 = tpu.memref_slice %arg10[%dma_wait3A_474] : memref<4x!tpu.dma_semaphore, #tpu.memory_space<semaphore_mem>> -> memref<1x!tpu.dma_semaphore, #tpu.memory_space<semaphore_mem>>
    %dma_wait3A_485 = tpu.memref_squeeze %dma_wait3A_484 : memref<1x!tpu.dma_semaphore, #tpu.memory_space<semaphore_mem>> -> memref<!tpu.dma_semaphore, #tpu.memory_space<semaphore_mem>>
    tpu.wait_indirect_dma semaphore(%dma_wait3A_485 : memref<!tpu.dma_semaphore, #tpu.memory_space<semaphore_mem>>) src(%dma_wait3A_483 : memref<10112x64xf32, #tpu.memory_space<vmem_shared>>) dst(%dma_wait3A_477 : memref<64x64xf32, #tpu.memory_space<vmem>>)
    %dma_start3A_486 = arith.constant 1 : i32
    %dma_start3A_487 = arith.constant 1 : i32
    %dma_start3A_488 = arith.constant 1 : i32
    %dma_start3A_489 = arith.constant 64 : i32
    %dma_start3A_490 = arith.constant 0 : i32
    %dma_start3A_491 = tpu.memref_slice %arg7[%dma_start3A_489, %dma_start3A_490] : memref<256x64xf32, #tpu.memory_space<vmem>> -> memref<64x64xf32, #tpu.memory_space<vmem>>
    %dma_start3A_492 = arith.constant 0 : i32
    %dma_start3A_493 = tpu.memref_slice %arg6[%dma_start3A_486, %dma_start3A_487, %dma_start3A_492] : memref<4x2x64xi32, #tpu.memory_space<vmem>> -> memref<1x1x64xi32, #tpu.memory_space<vmem>>
    %dma_start3A_494 = tpu.memref_squeeze %dma_start3A_493 : memref<1x1x64xi32, #tpu.memory_space<vmem>> -> memref<64xi32, #tpu.memory_space<vmem>>
    %dma_start3A_495 = arith.constant 0 : i32
    %dma_start3A_496 = arith.constant 0 : i32
    %dma_start3A_497 = tpu.memref_slice %arg8[%dma_start3A_495, %dma_start3A_496] : memref<10112x64xf32, #tpu.memory_space<vmem_shared>> -> memref<10112x64xf32, #tpu.memory_space<vmem_shared>>
    %dma_start3A_498 = tpu.memref_slice %arg11[%dma_start3A_488] : memref<4x!tpu.dma_semaphore, #tpu.memory_space<semaphore_mem>> -> memref<1x!tpu.dma_semaphore, #tpu.memory_space<semaphore_mem>>
    %dma_start3A_499 = tpu.memref_squeeze %dma_start3A_498 : memref<1x!tpu.dma_semaphore, #tpu.memory_space<semaphore_mem>> -> memref<!tpu.dma_semaphore, #tpu.memory_space<semaphore_mem>>
    tpu.enqueue_indirect_dma source(%dma_start3A_491 : memref<64x64xf32, #tpu.memory_space<vmem>>) target(%dma_start3A_497 : memref<10112x64xf32, #tpu.memory_space<vmem_shared>>) offsets(%dma_start3A_494 : memref<64xi32, #tpu.memory_space<vmem>>) semaphore(%dma_start3A_499 : memref<!tpu.dma_semaphore, #tpu.memory_space<semaphore_mem>>) {add = true}
    %dma_wait3A_500 = arith.constant 0 : i32
    %dma_wait3A_501 = arith.constant 1 : i32
    %dma_wait3A_502 = arith.constant 0 : i32
    %dma_wait3A_503 = arith.constant 0 : i32
    %dma_wait3A_504 = arith.constant 0 : i32
    %dma_wait3A_505 = tpu.memref_slice %arg7[%dma_wait3A_503, %dma_wait3A_504] : memref<256x64xf32, #tpu.memory_space<vmem>> -> memref<64x64xf32, #tpu.memory_space<vmem>>
    %dma_wait3A_506 = arith.constant 0 : i32
    %dma_wait3A_507 = tpu.memref_slice %arg6[%dma_wait3A_500, %dma_wait3A_501, %dma_wait3A_506] : memref<4x2x64xi32, #tpu.memory_space<vmem>> -> memref<1x1x64xi32, #tpu.memory_space<vmem>>
    %dma_wait3A_508 = tpu.memref_squeeze %dma_wait3A_507 : memref<1x1x64xi32, #tpu.memory_space<vmem>> -> memref<64xi32, #tpu.memory_space<vmem>>
    %dma_wait3A_509 = arith.constant 0 : i32
    %dma_wait3A_510 = arith.constant 0 : i32
    %dma_wait3A_511 = tpu.memref_slice %arg8[%dma_wait3A_509, %dma_wait3A_510] : memref<10112x64xf32, #tpu.memory_space<vmem_shared>> -> memref<10112x64xf32, #tpu.memory_space<vmem_shared>>
    %dma_wait3A_512 = tpu.memref_slice %arg11[%dma_wait3A_502] : memref<4x!tpu.dma_semaphore, #tpu.memory_space<semaphore_mem>> -> memref<1x!tpu.dma_semaphore, #tpu.memory_space<semaphore_mem>>
    %dma_wait3A_513 = tpu.memref_squeeze %dma_wait3A_512 : memref<1x!tpu.dma_semaphore, #tpu.memory_space<semaphore_mem>> -> memref<!tpu.dma_semaphore, #tpu.memory_space<semaphore_mem>>
    tpu.wait_indirect_dma semaphore(%dma_wait3A_513 : memref<!tpu.dma_semaphore, #tpu.memory_space<semaphore_mem>>) src(%dma_wait3A_505 : memref<64x64xf32, #tpu.memory_space<vmem>>) dst(%dma_wait3A_511 : memref<10112x64xf32, #tpu.memory_space<vmem_shared>>)
    %dma_wait3A_514 = arith.constant 2 : i32
    %dma_wait3A_515 = arith.constant 0 : i32
    %dma_wait3A_516 = arith.constant 2 : i32
    %dma_wait3A_517 = arith.constant 128 : i32
    %dma_wait3A_518 = arith.constant 0 : i32
    %dma_wait3A_519 = tpu.memref_slice %arg7[%dma_wait3A_517, %dma_wait3A_518] : memref<256x64xf32, #tpu.memory_space<vmem>> -> memref<64x64xf32, #tpu.memory_space<vmem>>
    %dma_wait3A_520 = arith.constant 0 : i32
    %dma_wait3A_521 = tpu.memref_slice %arg6[%dma_wait3A_514, %dma_wait3A_515, %dma_wait3A_520] : memref<4x2x64xi32, #tpu.memory_space<vmem>> -> memref<1x1x64xi32, #tpu.memory_space<vmem>>
    %dma_wait3A_522 = tpu.memref_squeeze %dma_wait3A_521 : memref<1x1x64xi32, #tpu.memory_space<vmem>> -> memref<64xi32, #tpu.memory_space<vmem>>
    %dma_wait3A_523 = arith.constant 0 : i32
    %dma_wait3A_524 = arith.constant 0 : i32
    %dma_wait3A_525 = tpu.memref_slice %arg9[%dma_wait3A_523, %dma_wait3A_524] : memref<10112x64xf32, #tpu.memory_space<vmem_shared>> -> memref<10112x64xf32, #tpu.memory_space<vmem_shared>>
    %dma_wait3A_526 = tpu.memref_slice %arg10[%dma_wait3A_516] : memref<4x!tpu.dma_semaphore, #tpu.memory_space<semaphore_mem>> -> memref<1x!tpu.dma_semaphore, #tpu.memory_space<semaphore_mem>>
    %dma_wait3A_527 = tpu.memref_squeeze %dma_wait3A_526 : memref<1x!tpu.dma_semaphore, #tpu.memory_space<semaphore_mem>> -> memref<!tpu.dma_semaphore, #tpu.memory_space<semaphore_mem>>
    tpu.wait_indirect_dma semaphore(%dma_wait3A_527 : memref<!tpu.dma_semaphore, #tpu.memory_space<semaphore_mem>>) src(%dma_wait3A_525 : memref<10112x64xf32, #tpu.memory_space<vmem_shared>>) dst(%dma_wait3A_519 : memref<64x64xf32, #tpu.memory_space<vmem>>)
    %dma_start3A_528 = arith.constant 2 : i32
    %dma_start3A_529 = arith.constant 1 : i32
    %dma_start3A_530 = arith.constant 2 : i32
    %dma_start3A_531 = arith.constant 128 : i32
    %dma_start3A_532 = arith.constant 0 : i32
    %dma_start3A_533 = tpu.memref_slice %arg7[%dma_start3A_531, %dma_start3A_532] : memref<256x64xf32, #tpu.memory_space<vmem>> -> memref<64x64xf32, #tpu.memory_space<vmem>>
    %dma_start3A_534 = arith.constant 0 : i32
    %dma_start3A_535 = tpu.memref_slice %arg6[%dma_start3A_528, %dma_start3A_529, %dma_start3A_534] : memref<4x2x64xi32, #tpu.memory_space<vmem>> -> memref<1x1x64xi32, #tpu.memory_space<vmem>>
    %dma_start3A_536 = tpu.memref_squeeze %dma_start3A_535 : memref<1x1x64xi32, #tpu.memory_space<vmem>> -> memref<64xi32, #tpu.memory_space<vmem>>
    %dma_start3A_537 = arith.constant 0 : i32
    %dma_start3A_538 = arith.constant 0 : i32
    %dma_start3A_539 = tpu.memref_slice %arg8[%dma_start3A_537, %dma_start3A_538] : memref<10112x64xf32, #tpu.memory_space<vmem_shared>> -> memref<10112x64xf32, #tpu.memory_space<vmem_shared>>
    %dma_start3A_540 = tpu.memref_slice %arg11[%dma_start3A_530] : memref<4x!tpu.dma_semaphore, #tpu.memory_space<semaphore_mem>> -> memref<1x!tpu.dma_semaphore, #tpu.memory_space<semaphore_mem>>
    %dma_start3A_541 = tpu.memref_squeeze %dma_start3A_540 : memref<1x!tpu.dma_semaphore, #tpu.memory_space<semaphore_mem>> -> memref<!tpu.dma_semaphore, #tpu.memory_space<semaphore_mem>>
    tpu.enqueue_indirect_dma source(%dma_start3A_533 : memref<64x64xf32, #tpu.memory_space<vmem>>) target(%dma_start3A_539 : memref<10112x64xf32, #tpu.memory_space<vmem_shared>>) offsets(%dma_start3A_536 : memref<64xi32, #tpu.memory_space<vmem>>) semaphore(%dma_start3A_541 : memref<!tpu.dma_semaphore, #tpu.memory_space<semaphore_mem>>) {add = true}
    %dma_wait3A_542 = arith.constant 1 : i32
    %dma_wait3A_543 = arith.constant 1 : i32
    %dma_wait3A_544 = arith.constant 1 : i32
    %dma_wait3A_545 = arith.constant 64 : i32
    %dma_wait3A_546 = arith.constant 0 : i32
    %dma_wait3A_547 = tpu.memref_slice %arg7[%dma_wait3A_545, %dma_wait3A_546] : memref<256x64xf32, #tpu.memory_space<vmem>> -> memref<64x64xf32, #tpu.memory_space<vmem>>
    %dma_wait3A_548 = arith.constant 0 : i32
    %dma_wait3A_549 = tpu.memref_slice %arg6[%dma_wait3A_542, %dma_wait3A_543, %dma_wait3A_548] : memref<4x2x64xi32, #tpu.memory_space<vmem>> -> memref<1x1x64xi32, #tpu.memory_space<vmem>>
    %dma_wait3A_550 = tpu.memref_squeeze %dma_wait3A_549 : memref<1x1x64xi32, #tpu.memory_space<vmem>> -> memref<64xi32, #tpu.memory_space<vmem>>
    %dma_wait3A_551 = arith.constant 0 : i32
    %dma_wait3A_552 = arith.constant 0 : i32
    %dma_wait3A_553 = tpu.memref_slice %arg8[%dma_wait3A_551, %dma_wait3A_552] : memref<10112x64xf32, #tpu.memory_space<vmem_shared>> -> memref<10112x64xf32, #tpu.memory_space<vmem_shared>>
    %dma_wait3A_554 = tpu.memref_slice %arg11[%dma_wait3A_544] : memref<4x!tpu.dma_semaphore, #tpu.memory_space<semaphore_mem>> -> memref<1x!tpu.dma_semaphore, #tpu.memory_space<semaphore_mem>>
    %dma_wait3A_555 = tpu.memref_squeeze %dma_wait3A_554 : memref<1x!tpu.dma_semaphore, #tpu.memory_space<semaphore_mem>> -> memref<!tpu.dma_semaphore, #tpu.memory_space<semaphore_mem>>
    tpu.wait_indirect_dma semaphore(%dma_wait3A_555 : memref<!tpu.dma_semaphore, #tpu.memory_space<semaphore_mem>>) src(%dma_wait3A_547 : memref<64x64xf32, #tpu.memory_space<vmem>>) dst(%dma_wait3A_553 : memref<10112x64xf32, #tpu.memory_space<vmem_shared>>)
    %dma_wait3A_556 = arith.constant 3 : i32
    %dma_wait3A_557 = arith.constant 0 : i32
    %dma_wait3A_558 = arith.constant 3 : i32
    %dma_wait3A_559 = arith.constant 192 : i32
    %dma_wait3A_560 = arith.constant 0 : i32
    %dma_wait3A_561 = tpu.memref_slice %arg7[%dma_wait3A_559, %dma_wait3A_560] : memref<256x64xf32, #tpu.memory_space<vmem>> -> memref<64x64xf32, #tpu.memory_space<vmem>>
    %dma_wait3A_562 = arith.constant 0 : i32
    %dma_wait3A_563 = tpu.memref_slice %arg6[%dma_wait3A_556, %dma_wait3A_557, %dma_wait3A_562] : memref<4x2x64xi32, #tpu.memory_space<vmem>> -> memref<1x1x64xi32, #tpu.memory_space<vmem>>
    %dma_wait3A_564 = tpu.memref_squeeze %dma_wait3A_563 : memref<1x1x64xi32, #tpu.memory_space<vmem>> -> memref<64xi32, #tpu.memory_space<vmem>>
    %dma_wait3A_565 = arith.constant 0 : i32
    %dma_wait3A_566 = arith.constant 0 : i32
    %dma_wait3A_567 = tpu.memref_slice %arg9[%dma_wait3A_565, %dma_wait3A_566] : memref<10112x64xf32, #tpu.memory_space<vmem_shared>> -> memref<10112x64xf32, #tpu.memory_space<vmem_shared>>
    %dma_wait3A_568 = tpu.memref_slice %arg10[%dma_wait3A_558] : memref<4x!tpu.dma_semaphore, #tpu.memory_space<semaphore_mem>> -> memref<1x!tpu.dma_semaphore, #tpu.memory_space<semaphore_mem>>
    %dma_wait3A_569 = tpu.memref_squeeze %dma_wait3A_568 : memref<1x!tpu.dma_semaphore, #tpu.memory_space<semaphore_mem>> -> memref<!tpu.dma_semaphore, #tpu.memory_space<semaphore_mem>>
    tpu.wait_indirect_dma semaphore(%dma_wait3A_569 : memref<!tpu.dma_semaphore, #tpu.memory_space<semaphore_mem>>) src(%dma_wait3A_567 : memref<10112x64xf32, #tpu.memory_space<vmem_shared>>) dst(%dma_wait3A_561 : memref<64x64xf32, #tpu.memory_space<vmem>>)
    %dma_start3A_570 = arith.constant 3 : i32
    %dma_start3A_571 = arith.constant 1 : i32
    %dma_start3A_572 = arith.constant 3 : i32
    %dma_start3A_573 = arith.constant 192 : i32
    %dma_start3A_574 = arith.constant 0 : i32
    %dma_start3A_575 = tpu.memref_slice %arg7[%dma_start3A_573, %dma_start3A_574] : memref<256x64xf32, #tpu.memory_space<vmem>> -> memref<64x64xf32, #tpu.memory_space<vmem>>
    %dma_start3A_576 = arith.constant 0 : i32
    %dma_start3A_577 = tpu.memref_slice %arg6[%dma_start3A_570, %dma_start3A_571, %dma_start3A_576] : memref<4x2x64xi32, #tpu.memory_space<vmem>> -> memref<1x1x64xi32, #tpu.memory_space<vmem>>
    %dma_start3A_578 = tpu.memref_squeeze %dma_start3A_577 : memref<1x1x64xi32, #tpu.memory_space<vmem>> -> memref<64xi32, #tpu.memory_space<vmem>>
    %dma_start3A_579 = arith.constant 0 : i32
    %dma_start3A_580 = arith.constant 0 : i32
    %dma_start3A_581 = tpu.memref_slice %arg8[%dma_start3A_579, %dma_start3A_580] : memref<10112x64xf32, #tpu.memory_space<vmem_shared>> -> memref<10112x64xf32, #tpu.memory_space<vmem_shared>>
    %dma_start3A_582 = tpu.memref_slice %arg11[%dma_start3A_572] : memref<4x!tpu.dma_semaphore, #tpu.memory_space<semaphore_mem>> -> memref<1x!tpu.dma_semaphore, #tpu.memory_space<semaphore_mem>>
    %dma_start3A_583 = tpu.memref_squeeze %dma_start3A_582 : memref<1x!tpu.dma_semaphore, #tpu.memory_space<semaphore_mem>> -> memref<!tpu.dma_semaphore, #tpu.memory_space<semaphore_mem>>
    tpu.enqueue_indirect_dma source(%dma_start3A_575 : memref<64x64xf32, #tpu.memory_space<vmem>>) target(%dma_start3A_581 : memref<10112x64xf32, #tpu.memory_space<vmem_shared>>) offsets(%dma_start3A_578 : memref<64xi32, #tpu.memory_space<vmem>>) semaphore(%dma_start3A_583 : memref<!tpu.dma_semaphore, #tpu.memory_space<semaphore_mem>>) {add = true}
    %dma_wait3A_584 = arith.constant 2 : i32
    %dma_wait3A_585 = arith.constant 1 : i32
    %dma_wait3A_586 = arith.constant 2 : i32
    %dma_wait3A_587 = arith.constant 128 : i32
    %dma_wait3A_588 = arith.constant 0 : i32
    %dma_wait3A_589 = tpu.memref_slice %arg7[%dma_wait3A_587, %dma_wait3A_588] : memref<256x64xf32, #tpu.memory_space<vmem>> -> memref<64x64xf32, #tpu.memory_space<vmem>>
    %dma_wait3A_590 = arith.constant 0 : i32
    %dma_wait3A_591 = tpu.memref_slice %arg6[%dma_wait3A_584, %dma_wait3A_585, %dma_wait3A_590] : memref<4x2x64xi32, #tpu.memory_space<vmem>> -> memref<1x1x64xi32, #tpu.memory_space<vmem>>
    %dma_wait3A_592 = tpu.memref_squeeze %dma_wait3A_591 : memref<1x1x64xi32, #tpu.memory_space<vmem>> -> memref<64xi32, #tpu.memory_space<vmem>>
    %dma_wait3A_593 = arith.constant 0 : i32
    %dma_wait3A_594 = arith.constant 0 : i32
    %dma_wait3A_595 = tpu.memref_slice %arg8[%dma_wait3A_593, %dma_wait3A_594] : memref<10112x64xf32, #tpu.memory_space<vmem_shared>> -> memref<10112x64xf32, #tpu.memory_space<vmem_shared>>
    %dma_wait3A_596 = tpu.memref_slice %arg11[%dma_wait3A_586] : memref<4x!tpu.dma_semaphore, #tpu.memory_space<semaphore_mem>> -> memref<1x!tpu.dma_semaphore, #tpu.memory_space<semaphore_mem>>
    %dma_wait3A_597 = tpu.memref_squeeze %dma_wait3A_596 : memref<1x!tpu.dma_semaphore, #tpu.memory_space<semaphore_mem>> -> memref<!tpu.dma_semaphore, #tpu.memory_space<semaphore_mem>>
    tpu.wait_indirect_dma semaphore(%dma_wait3A_597 : memref<!tpu.dma_semaphore, #tpu.memory_space<semaphore_mem>>) src(%dma_wait3A_589 : memref<64x64xf32, #tpu.memory_space<vmem>>) dst(%dma_wait3A_595 : memref<10112x64xf32, #tpu.memory_space<vmem_shared>>)
    %dma_wait3A_598 = arith.constant 3 : i32
    %dma_wait3A_599 = arith.constant 1 : i32
    %dma_wait3A_600 = arith.constant 3 : i32
    %dma_wait3A_601 = arith.constant 192 : i32
    %dma_wait3A_602 = arith.constant 0 : i32
    %dma_wait3A_603 = tpu.memref_slice %arg7[%dma_wait3A_601, %dma_wait3A_602] : memref<256x64xf32, #tpu.memory_space<vmem>> -> memref<64x64xf32, #tpu.memory_space<vmem>>
    %dma_wait3A_604 = arith.constant 0 : i32
    %dma_wait3A_605 = tpu.memref_slice %arg6[%dma_wait3A_598, %dma_wait3A_599, %dma_wait3A_604] : memref<4x2x64xi32, #tpu.memory_space<vmem>> -> memref<1x1x64xi32, #tpu.memory_space<vmem>>
    %dma_wait3A_606 = tpu.memref_squeeze %dma_wait3A_605 : memref<1x1x64xi32, #tpu.memory_space<vmem>> -> memref<64xi32, #tpu.memory_space<vmem>>
    %dma_wait3A_607 = arith.constant 0 : i32
    %dma_wait3A_608 = arith.constant 0 : i32
    %dma_wait3A_609 = tpu.memref_slice %arg8[%dma_wait3A_607, %dma_wait3A_608] : memref<10112x64xf32, #tpu.memory_space<vmem_shared>> -> memref<10112x64xf32, #tpu.memory_space<vmem_shared>>
    %dma_wait3A_610 = tpu.memref_slice %arg11[%dma_wait3A_600] : memref<4x!tpu.dma_semaphore, #tpu.memory_space<semaphore_mem>> -> memref<1x!tpu.dma_semaphore, #tpu.memory_space<semaphore_mem>>
    %dma_wait3A_611 = tpu.memref_squeeze %dma_wait3A_610 : memref<1x!tpu.dma_semaphore, #tpu.memory_space<semaphore_mem>> -> memref<!tpu.dma_semaphore, #tpu.memory_space<semaphore_mem>>
    tpu.wait_indirect_dma semaphore(%dma_wait3A_611 : memref<!tpu.dma_semaphore, #tpu.memory_space<semaphore_mem>>) src(%dma_wait3A_603 : memref<64x64xf32, #tpu.memory_space<vmem>>) dst(%dma_wait3A_609 : memref<10112x64xf32, #tpu.memory_space<vmem_shared>>)
    %barrier3A_612 = arith.constant 0 : index
    tpu.barrier barrier_id(%barrier3A_612)
    %mul3A_613 = arith.constant 632 : i32
    %mul3A_614 = arith.muli %arg1, %mul3A_613 : i32
    %mul3A_615 = arith.constant 632 : i32
    %mul3A_616 = arith.muli %arg1, %mul3A_615 : i32
    "tpu.region"() ({
      %run_scoped3A = tpu.sem_alloc : memref<!tpu.dma_semaphore, #tpu.memory_space<semaphore_mem>>
      %dma_start3A_617 = arith.constant 0 : i32
      %dma_start3A_618 = arith.constant 0 : i32
      %dma_start3A_619 = tpu.memref_slice %arg4[%arg0, %dma_start3A_617, %dma_start3A_618] : memref<2x10112x64xf32, #tpu.memory_space<hbm>> -> memref<1x10112x64xf32, #tpu.memory_space<hbm>>
      %dma_start3A_620 = tpu.memref_squeeze %dma_start3A_619 : memref<1x10112x64xf32, #tpu.memory_space<hbm>> -> memref<10112x64xf32, #tpu.memory_space<hbm>>
      %dma_start3A_621 = arith.constant 0 : i32
      %dma_start3A_622 = tpu.memref_slice %dma_start3A_620[%mul3A_616, %dma_start3A_621] : memref<10112x64xf32, #tpu.memory_space<hbm>> -> memref<632x64xf32, #tpu.memory_space<hbm>>
      %dma_start3A_623 = arith.constant 0 : i32
      %dma_start3A_624 = tpu.memref_slice %arg8[%mul3A_614, %dma_start3A_623] : memref<10112x64xf32, #tpu.memory_space<vmem_shared>> -> memref<632x64xf32, #tpu.memory_space<vmem_shared>>
      tpu.enqueue_dma source(%dma_start3A_624 : memref<632x64xf32, #tpu.memory_space<vmem_shared>>) target(%dma_start3A_622 : memref<632x64xf32, #tpu.memory_space<hbm>>) target_semaphore(%run_scoped3A : memref<!tpu.dma_semaphore, #tpu.memory_space<semaphore_mem>>)
      %dma_wait3A_625 = arith.constant 0 : i32
      %dma_wait3A_626 = arith.constant 0 : i32
      %dma_wait3A_627 = tpu.memref_slice %arg4[%arg0, %dma_wait3A_625, %dma_wait3A_626] : memref<2x10112x64xf32, #tpu.memory_space<hbm>> -> memref<1x10112x64xf32, #tpu.memory_space<hbm>>
      %dma_wait3A_628 = tpu.memref_squeeze %dma_wait3A_627 : memref<1x10112x64xf32, #tpu.memory_space<hbm>> -> memref<10112x64xf32, #tpu.memory_space<hbm>>
      %dma_wait3A_629 = arith.constant 0 : i32
      %dma_wait3A_630 = tpu.memref_slice %dma_wait3A_628[%mul3A_616, %dma_wait3A_629] : memref<10112x64xf32, #tpu.memory_space<hbm>> -> memref<632x64xf32, #tpu.memory_space<hbm>>
      %dma_wait3A_631 = arith.constant 0 : i32
      %dma_wait3A_632 = tpu.memref_slice %arg8[%mul3A_614, %dma_wait3A_631] : memref<10112x64xf32, #tpu.memory_space<vmem_shared>> -> memref<632x64xf32, #tpu.memory_space<vmem_shared>>
      tpu.wait_dma2 semaphore(%run_scoped3A : memref<!tpu.dma_semaphore, #tpu.memory_space<semaphore_mem>>) src(%dma_wait3A_632 : memref<632x64xf32, #tpu.memory_space<vmem_shared>>) dst(%dma_wait3A_630 : memref<632x64xf32, #tpu.memory_space<hbm>>)
      tpu.yield
    }) : () -> ()
    return
  }
}

#map = affine_map<(d0, d1) -> (0, 0)>
module attributes {stable_mosaic.version = 14 : i64} {
  func.func @_deg_kernel(%arg0: i32, %arg1: i32, %arg2: memref<32x10000xi32, #tpu.memory_space<hbm>>, %arg3: memref<32x10000xf32, #tpu.memory_space<hbm>>, %arg4: memref<10000xi32, #tpu.memory_space<vmem>>, %arg5: memref<10000xf32, #tpu.memory_space<vmem>>) attributes {dimension_semantics = [#tpu.dimension_semantics<core_parallel>, #tpu.dimension_semantics<subcore_parallel>], iteration_bounds = array<i64: 2, 16>, scalar_prefetch = 0 : i64, scratch_operands = 2 : i64, tpu.core_type = #tpu.core_type<sc_vector_subcore>, window_params = [{transform_indices = #map}, {transform_indices = #map}]} {
    %mul3A = arith.constant 16 : i32
    %mul3A_0 = arith.muli %arg0, %mul3A : i32
    %add3A = arith.addi %mul3A_0, %arg1 : i32
    "tpu.region"() ({
      %run_scoped3A = tpu.sem_alloc : memref<!tpu.dma_semaphore, #tpu.memory_space<semaphore_mem>>
      %dma_start3A = arith.constant 0 : i32
      %dma_start3A_13 = tpu.memref_slice %arg2[%add3A, %dma_start3A] : memref<32x10000xi32, #tpu.memory_space<hbm>> -> memref<1x10000xi32, #tpu.memory_space<hbm>>
      %dma_start3A_14 = tpu.memref_squeeze %dma_start3A_13 : memref<1x10000xi32, #tpu.memory_space<hbm>> -> memref<10000xi32, #tpu.memory_space<hbm>>
      %dma_start3A_15 = arith.constant 0 : i32
      %dma_start3A_16 = tpu.memref_slice %arg2[%add3A, %dma_start3A_15] : memref<32x10000xi32, #tpu.memory_space<hbm>> -> memref<1x10000xi32, #tpu.memory_space<hbm>>
      %dma_start3A_17 = tpu.memref_squeeze %dma_start3A_16 : memref<1x10000xi32, #tpu.memory_space<hbm>> -> memref<10000xi32, #tpu.memory_space<hbm>>
      tpu.enqueue_dma source(%dma_start3A_17 : memref<10000xi32, #tpu.memory_space<hbm>>) target(%arg4 : memref<10000xi32, #tpu.memory_space<vmem>>) target_semaphore(%run_scoped3A : memref<!tpu.dma_semaphore, #tpu.memory_space<semaphore_mem>>)
      %dma_wait3A = arith.constant 0 : i32
      %dma_wait3A_18 = tpu.memref_slice %arg2[%add3A, %dma_wait3A] : memref<32x10000xi32, #tpu.memory_space<hbm>> -> memref<1x10000xi32, #tpu.memory_space<hbm>>
      %dma_wait3A_19 = tpu.memref_squeeze %dma_wait3A_18 : memref<1x10000xi32, #tpu.memory_space<hbm>> -> memref<10000xi32, #tpu.memory_space<hbm>>
      %dma_wait3A_20 = arith.constant 0 : i32
      %dma_wait3A_21 = tpu.memref_slice %arg2[%add3A, %dma_wait3A_20] : memref<32x10000xi32, #tpu.memory_space<hbm>> -> memref<1x10000xi32, #tpu.memory_space<hbm>>
      %dma_wait3A_22 = tpu.memref_squeeze %dma_wait3A_21 : memref<1x10000xi32, #tpu.memory_space<hbm>> -> memref<10000xi32, #tpu.memory_space<hbm>>
      tpu.wait_dma2 semaphore(%run_scoped3A : memref<!tpu.dma_semaphore, #tpu.memory_space<semaphore_mem>>) src(%dma_wait3A_22 : memref<10000xi32, #tpu.memory_space<hbm>>) dst(%arg4 : memref<10000xi32, #tpu.memory_space<vmem>>)
      tpu.yield
    }) : () -> ()
    %scan3A = arith.constant 0 : i32
    %scan3A_1 = arith.constant 0 : i32
    %scan3A_2 = arith.constant 625 : i32
    %scan3A_3 = arith.addi %scan3A_1, %scan3A_2 : i32
    %scan3A_4 = arith.constant 1 : i32
    scf.for %scan3A_13 = %scan3A_1 to %scan3A_3 step %scan3A_4  : i32 {
      %broadcast_in_dim3A_14 = arith.constant 0.000000e+00 : f32
      %broadcast_in_dim3A_15 = vector.broadcast %broadcast_in_dim3A_14 : f32 to vector<16xf32>
      %mul3A_16 = arith.constant 16 : i32
      %mul3A_17 = arith.muli %scan3A_13, %mul3A_16 : i32
      %swap3A = arith.index_cast %mul3A_17 : i32 to index
      %swap3A_18 = tpu.vector_load %arg5[%swap3A] {strides = array<i32>} : memref<10000xf32, #tpu.memory_space<vmem>>, vector<16xf32>,
      tpu.vector_store %arg5[%swap3A], %broadcast_in_dim3A_15 {strides = array<i32>} : memref<10000xf32, #tpu.memory_space<vmem>>, vector<16xf32>,
    }
    %scan3A_5 = arith.constant 625 : i32
    %broadcast_in_dim3A = arith.constant 1.000000e+00 : f32
    %broadcast_in_dim3A_6 = vector.broadcast %broadcast_in_dim3A : f32 to vector<16xf32>
    %scan3A_7 = arith.constant 0 : i32
    %scan3A_8 = arith.constant 0 : i32
    %scan3A_9 = arith.constant 625 : i32
    %scan3A_10 = arith.addi %scan3A_8, %scan3A_9 : i32
    %scan3A_11 = arith.constant 1 : i32
    scf.for %scan3A_13 = %scan3A_8 to %scan3A_10 step %scan3A_11  : i32 {
      %mul3A_14 = arith.constant 16 : i32
      %mul3A_15 = arith.muli %scan3A_13, %mul3A_14 : i32
      %get3A = arith.index_cast %mul3A_15 : i32 to index
      %get3A_16 = tpu.vector_load %arg4[%get3A] {strides = array<i32>} : memref<10000xi32, #tpu.memory_space<vmem>>, vector<16xi32>,
      tpu.vector_store_idx %arg5[%get3A_16], %broadcast_in_dim3A_6 {add = true} : memref<10000xf32, #tpu.memory_space<vmem>>[vector<16xi32>], vector<16xf32>,
    }
    %scan3A_12 = arith.constant 625 : i32
    "tpu.region"() ({
      %run_scoped3A = tpu.sem_alloc : memref<!tpu.dma_semaphore, #tpu.memory_space<semaphore_mem>>
      %dma_start3A = arith.constant 0 : i32
      %dma_start3A_13 = tpu.memref_slice %arg3[%add3A, %dma_start3A] : memref<32x10000xf32, #tpu.memory_space<hbm>> -> memref<1x10000xf32, #tpu.memory_space<hbm>>
      %dma_start3A_14 = tpu.memref_squeeze %dma_start3A_13 : memref<1x10000xf32, #tpu.memory_space<hbm>> -> memref<10000xf32, #tpu.memory_space<hbm>>
      %dma_start3A_15 = arith.constant 0 : i32
      %dma_start3A_16 = tpu.memref_slice %arg3[%add3A, %dma_start3A_15] : memref<32x10000xf32, #tpu.memory_space<hbm>> -> memref<1x10000xf32, #tpu.memory_space<hbm>>
      %dma_start3A_17 = tpu.memref_squeeze %dma_start3A_16 : memref<1x10000xf32, #tpu.memory_space<hbm>> -> memref<10000xf32, #tpu.memory_space<hbm>>
      tpu.enqueue_dma source(%arg5 : memref<10000xf32, #tpu.memory_space<vmem>>) target(%dma_start3A_17 : memref<10000xf32, #tpu.memory_space<hbm>>) target_semaphore(%run_scoped3A : memref<!tpu.dma_semaphore, #tpu.memory_space<semaphore_mem>>)
      %dma_wait3A = arith.constant 0 : i32
      %dma_wait3A_18 = tpu.memref_slice %arg3[%add3A, %dma_wait3A] : memref<32x10000xf32, #tpu.memory_space<hbm>> -> memref<1x10000xf32, #tpu.memory_space<hbm>>
      %dma_wait3A_19 = tpu.memref_squeeze %dma_wait3A_18 : memref<1x10000xf32, #tpu.memory_space<hbm>> -> memref<10000xf32, #tpu.memory_space<hbm>>
      %dma_wait3A_20 = arith.constant 0 : i32
      %dma_wait3A_21 = tpu.memref_slice %arg3[%add3A, %dma_wait3A_20] : memref<32x10000xf32, #tpu.memory_space<hbm>> -> memref<1x10000xf32, #tpu.memory_space<hbm>>
      %dma_wait3A_22 = tpu.memref_squeeze %dma_wait3A_21 : memref<1x10000xf32, #tpu.memory_space<hbm>> -> memref<10000xf32, #tpu.memory_space<hbm>>
      tpu.wait_dma2 semaphore(%run_scoped3A : memref<!tpu.dma_semaphore, #tpu.memory_space<semaphore_mem>>) src(%arg5 : memref<10000xf32, #tpu.memory_space<vmem>>) dst(%dma_wait3A_22 : memref<10000xf32, #tpu.memory_space<hbm>>)
      tpu.yield
    }) : () -> ()
    return
  }
}

module attributes {stable_mosaic.version = 14 : i64} {
  func.func @_prep_body(%arg0: memref<32x10000xf32, #tpu.memory_space<vmem>>, %arg1: memref<10000x128xf32, #tpu.memory_space<vmem>>, %arg2: memref<2x10112x64xf32, #tpu.memory_space<vmem>>, %arg3: memref<10000x1xf32, #tpu.memory_space<vmem>>, %arg4: memref<10000x1xf32, #tpu.memory_space<vmem>>) attributes {dimension_semantics = [], scalar_prefetch = 0 : i64, scratch_operands = 0 : i64, tpu.core_type = #tpu.core_type<tc>} {
    %get3A = arith.constant 0 : index
    %get3A_0 = arith.constant 0 : index
    %get3A_1 = vector.load %arg0[%get3A, %get3A_0] : memref<32x10000xf32, #tpu.memory_space<vmem>>, vector<32x10000xf32>
    %broadcast_in_dim3A = arith.constant 1.000000e+00 : f32
    %broadcast_in_dim3A_2 = vector.broadcast %broadcast_in_dim3A : f32 to vector<32x1xf32>
    %dot_general3A = arith.constant dense<0.000000e+00> : vector<10000x1xf32>
    %dot_general3A_3 = tpu.matmul %get3A_1, %broadcast_in_dim3A_2, %dot_general3A {dimension_numbers = #tpu.dot_dimension_numbers<[0], [0], [1], [1], [0, 1, 1, 1], [], []>, transpose_lhs_hint = false} : vector<32x10000xf32>, vector<32x1xf32>, vector<10000x1xf32> -> vector<10000x1xf32>
    %add3A = arith.constant 1.000000e+00 : f32
    %add3A_4 = vector.broadcast %add3A : f32 to vector<10000x1xf32>
    %add3A_5 = arith.addf %dot_general3A_3, %add3A_4 : vector<10000x1xf32>
    %rsqrt3A = math.rsqrt %add3A_5 : vector<10000x1xf32>
    %get3A_6 = arith.constant 0 : index
    %get3A_7 = arith.constant 0 : index
    %get3A_8 = vector.load %arg1[%get3A_6, %get3A_7] : memref<10000x128xf32, #tpu.memory_space<vmem>>, vector<10000x128xf32>
    %mul3A = vector.broadcast %rsqrt3A : vector<10000x1xf32> to vector<10000x128xf32>
    %mul3A_9 = arith.mulf %mul3A, %get3A_8 : vector<10000x128xf32>
    %slice3A = vector.extract_strided_slice %mul3A_9 {offsets = [0, 0], sizes = [10000, 64], strides = [1, 1]} : vector<10000x128xf32> to vector<10000x64xf32>
    %swap3A = arith.constant 0 : index
    %swap3A_10 = arith.constant 0 : index
    %swap3A_11 = arith.constant 0 : index
    %swap3A_12 = vector.load %arg2[%swap3A, %swap3A_10, %swap3A_11] : memref<2x10112x64xf32, #tpu.memory_space<vmem>>, vector<1x10000x64xf32>
    %swap3A_13 = vector.shape_cast %swap3A_12 : vector<1x10000x64xf32> to vector<10000x64xf32>
    %swap3A_14 = vector.shape_cast %slice3A : vector<10000x64xf32> to vector<1x10000x64xf32>
    tpu.vector_store %arg2[%swap3A, %swap3A_10, %swap3A_11], %swap3A_14 {strides = array<i32>} : memref<2x10112x64xf32, #tpu.memory_space<vmem>>, vector<1x10000x64xf32>,
    %slice3A_15 = vector.extract_strided_slice %mul3A_9 {offsets = [0, 64], sizes = [10000, 64], strides = [1, 1]} : vector<10000x128xf32> to vector<10000x64xf32>
    %swap3A_16 = arith.constant 1 : index
    %swap3A_17 = arith.constant 0 : index
    %swap3A_18 = arith.constant 0 : index
    %swap3A_19 = vector.load %arg2[%swap3A_16, %swap3A_17, %swap3A_18] : memref<2x10112x64xf32, #tpu.memory_space<vmem>>, vector<1x10000x64xf32>
    %swap3A_20 = vector.shape_cast %swap3A_19 : vector<1x10000x64xf32> to vector<10000x64xf32>
    %swap3A_21 = vector.shape_cast %slice3A_15 : vector<10000x64xf32> to vector<1x10000x64xf32>
    tpu.vector_store %arg2[%swap3A_16, %swap3A_17, %swap3A_18], %swap3A_21 {strides = array<i32>} : memref<2x10112x64xf32, #tpu.memory_space<vmem>>, vector<1x10000x64xf32>,
    %swap3A_22 = arith.constant 0 : index
    %swap3A_23 = arith.constant 0 : index
    %swap3A_24 = vector.load %arg3[%swap3A_22, %swap3A_23] : memref<10000x1xf32, #tpu.memory_space<vmem>>, vector<10000x1xf32>
    tpu.vector_store %arg3[%swap3A_22, %swap3A_23], %rsqrt3A {strides = array<i32>} : memref<10000x1xf32, #tpu.memory_space<vmem>>, vector<10000x1xf32>,
    %div3A = arith.constant 1.000000e+00 : f32
    %div3A_25 = vector.broadcast %div3A : f32 to vector<10000x1xf32>
    %div3A_26 = arith.divf %div3A_25, %add3A_5 : vector<10000x1xf32>
    %swap3A_27 = arith.constant 0 : index
    %swap3A_28 = arith.constant 0 : index
    %swap3A_29 = vector.load %arg4[%swap3A_27, %swap3A_28] : memref<10000x1xf32, #tpu.memory_space<vmem>>, vector<10000x1xf32>
    tpu.vector_store %arg4[%swap3A_27, %swap3A_28], %div3A_26 {strides = array<i32>} : memref<10000x1xf32, #tpu.memory_space<vmem>>, vector<10000x1xf32>,
    return
  }
}

module attributes {stable_mosaic.version = 14 : i64} {
  func.func @_out_body(%arg0: i32, %arg1: memref<1000x64xf32, #tpu.memory_space<vmem>>, %arg2: memref<1000x64xf32, #tpu.memory_space<vmem>>, %arg3: memref<1000x128xf32, #tpu.memory_space<vmem>>, %arg4: memref<1000x1xf32, #tpu.memory_space<vmem>>, %arg5: memref<1000x1xf32, #tpu.memory_space<vmem>>, %arg6: memref<128x128xf32, #tpu.memory_space<vmem>>, %arg7: memref<1x128xf32, #tpu.memory_space<vmem>>, %arg8: memref<128x128xf32, #tpu.memory_space<vmem>>, %arg9: memref<1x128xf32, #tpu.memory_space<vmem>>, %arg10: memref<1000x128xf32, #tpu.memory_space<vmem>>, %arg11: memref<1000x128xf32, #tpu.memory_space<vmem>>) attributes {dimension_semantics = [#tpu.dimension_semantics<arbitrary>], iteration_bounds = array<i64: 10>, scalar_prefetch = 0 : i64, scratch_operands = 0 : i64, tpu.core_type = #tpu.core_type<tc>, window_params = [{transform_indices = @transform_0, window_bounds = array<i64: 1000, 64>}, {transform_indices = @transform_1, window_bounds = array<i64: 1000, 64>}, {transform_indices = @transform_2, window_bounds = array<i64: 1000, 128>}, {transform_indices = @transform_3, window_bounds = array<i64: 1000, 1>}, {transform_indices = @transform_4, window_bounds = array<i64: 1000, 1>}, {pipeline_mode = #tpu.pipeline_mode<synchronous>, transform_indices = @transform_5, window_bounds = array<i64: 128, 128>}, {pipeline_mode = #tpu.pipeline_mode<synchronous>, transform_indices = @transform_6, window_bounds = array<i64: 1, 128>}, {pipeline_mode = #tpu.pipeline_mode<synchronous>, transform_indices = @transform_7, window_bounds = array<i64: 128, 128>}, {pipeline_mode = #tpu.pipeline_mode<synchronous>, transform_indices = @transform_8, window_bounds = array<i64: 1, 128>}, {transform_indices = @transform_9, window_bounds = array<i64: 1000, 128>}, {transform_indices = @transform_10, window_bounds = array<i64: 1000, 128>}]} {
    %get3A = arith.constant 0 : index
    %get3A_0 = arith.constant 0 : index
    %get3A_1 = vector.load %arg1[%get3A, %get3A_0] : memref<1000x64xf32, #tpu.memory_space<vmem>>, vector<1000x64xf32>
    %get3A_2 = arith.constant 0 : index
    %get3A_3 = arith.constant 0 : index
    %get3A_4 = vector.load %arg2[%get3A_2, %get3A_3] : memref<1000x64xf32, #tpu.memory_space<vmem>>, vector<1000x64xf32>
    %concatenate3A = tpu.concatenate %get3A_1, %get3A_4 in 1 : vector<1000x64xf32>, vector<1000x64xf32> -> vector<1000x128xf32>
    %get3A_5 = arith.constant 0 : index
    %get3A_6 = arith.constant 0 : index
    %get3A_7 = vector.load %arg4[%get3A_5, %get3A_6] : memref<1000x1xf32, #tpu.memory_space<vmem>>, vector<1000x1xf32>
    %mul3A = vector.broadcast %get3A_7 : vector<1000x1xf32> to vector<1000x128xf32>
    %mul3A_8 = arith.mulf %mul3A, %concatenate3A : vector<1000x128xf32>
    %get3A_9 = arith.constant 0 : index
    %get3A_10 = arith.constant 0 : index
    %get3A_11 = vector.load %arg5[%get3A_9, %get3A_10] : memref<1000x1xf32, #tpu.memory_space<vmem>>, vector<1000x1xf32>
    %get3A_12 = arith.constant 0 : index
    %get3A_13 = arith.constant 0 : index
    %get3A_14 = vector.load %arg3[%get3A_12, %get3A_13] : memref<1000x128xf32, #tpu.memory_space<vmem>>, vector<1000x128xf32>
    %mul3A_15 = vector.broadcast %get3A_11 : vector<1000x1xf32> to vector<1000x128xf32>
    %mul3A_16 = arith.mulf %mul3A_15, %get3A_14 : vector<1000x128xf32>
    %add3A = arith.addf %mul3A_8, %mul3A_16 : vector<1000x128xf32>
    %get3A_17 = arith.constant 0 : index
    %get3A_18 = arith.constant 0 : index
    %get3A_19 = vector.load %arg6[%get3A_17, %get3A_18] : memref<128x128xf32, #tpu.memory_space<vmem>>, vector<128x128xf32>
    %dot_general3A = arith.constant dense<0.000000e+00> : vector<1000x128xf32>
    %dot_general3A_20 = tpu.matmul %add3A, %get3A_19, %dot_general3A {dimension_numbers = #tpu.dot_dimension_numbers<[1], [0], [0], [1], [0, 0, 1, 1], [], []>, transpose_lhs_hint = false} : vector<1000x128xf32>, vector<128x128xf32>, vector<1000x128xf32> -> vector<1000x128xf32>
    %get3A_21 = arith.constant 0 : index
    %get3A_22 = arith.constant 0 : index
    %get3A_23 = vector.load %arg7[%get3A_21, %get3A_22] : memref<1x128xf32, #tpu.memory_space<vmem>>, vector<1x128xf32>
    %add3A_24 = vector.broadcast %get3A_23 : vector<1x128xf32> to vector<1000x128xf32>
    %add3A_25 = arith.addf %dot_general3A_20, %add3A_24 : vector<1000x128xf32>
    %swap3A = arith.constant 0 : index
    %swap3A_26 = arith.constant 0 : index
    %swap3A_27 = vector.load %arg10[%swap3A, %swap3A_26] : memref<1000x128xf32, #tpu.memory_space<vmem>>, vector<1000x128xf32>
    tpu.vector_store %arg10[%swap3A, %swap3A_26], %add3A_25 {strides = array<i32>} : memref<1000x128xf32, #tpu.memory_space<vmem>>, vector<1000x128xf32>,
    %get3A_28 = arith.constant 0 : index
    %get3A_29 = arith.constant 0 : index
    %get3A_30 = vector.load %arg8[%get3A_28, %get3A_29] : memref<128x128xf32, #tpu.memory_space<vmem>>, vector<128x128xf32>
    %dot_general3A_31 = arith.constant dense<0.000000e+00> : vector<1000x128xf32>
    %dot_general3A_32 = tpu.matmul %add3A, %get3A_30, %dot_general3A_31 {dimension_numbers = #tpu.dot_dimension_numbers<[1], [0], [0], [1], [0, 0, 1, 1], [], []>, transpose_lhs_hint = false} : vector<1000x128xf32>, vector<128x128xf32>, vector<1000x128xf32> -> vector<1000x128xf32>
    %get3A_33 = arith.constant 0 : index
    %get3A_34 = arith.constant 0 : index
    %get3A_35 = vector.load %arg9[%get3A_33, %get3A_34] : memref<1x128xf32, #tpu.memory_space<vmem>>, vector<1x128xf32>
    %add3A_36 = vector.broadcast %get3A_35 : vector<1x128xf32> to vector<1000x128xf32>
    %add3A_37 = arith.addf %dot_general3A_32, %add3A_36 : vector<1000x128xf32>
    %swap3A_38 = arith.constant 0 : index
    %swap3A_39 = arith.constant 0 : index
    %swap3A_40 = vector.load %arg11[%swap3A_38, %swap3A_39] : memref<1000x128xf32, #tpu.memory_space<vmem>>, vector<1000x128xf32>
    tpu.vector_store %arg11[%swap3A_38, %swap3A_39], %add3A_37 {strides = array<i32>} : memref<1000x128xf32, #tpu.memory_space<vmem>>, vector<1000x128xf32>,
    return
  }
  func.func @transform_0(%arg0: i32) -> (i32, i32) {
    %c0_i32 = arith.constant 0 : i32
    %c0_i32_0 = arith.constant 0 : i32
    return %arg0, %c0_i32 : i32, i32
  }
  func.func @transform_1(%arg0: i32) -> (i32, i32) {
    %c0_i32 = arith.constant 0 : i32
    %c0_i32_0 = arith.constant 0 : i32
    return %arg0, %c0_i32 : i32, i32
  }
  func.func @transform_2(%arg0: i32) -> (i32, i32) {
    %c0_i32 = arith.constant 0 : i32
    %c0_i32_0 = arith.constant 0 : i32
    return %arg0, %c0_i32 : i32, i32
  }
  func.func @transform_3(%arg0: i32) -> (i32, i32) {
    %c0_i32 = arith.constant 0 : i32
    %c0_i32_0 = arith.constant 0 : i32
    return %arg0, %c0_i32 : i32, i32
  }
  func.func @transform_4(%arg0: i32) -> (i32, i32) {
    %c0_i32 = arith.constant 0 : i32
    %c0_i32_0 = arith.constant 0 : i32
    return %arg0, %c0_i32 : i32, i32
  }
  func.func @transform_5(%arg0: i32) -> (i32, i32) {
    %c0_i32 = arith.constant 0 : i32
    %c0_i32_0 = arith.constant 0 : i32
    %c0_i32_1 = arith.constant 0 : i32
    return %c0_i32, %c0_i32_0 : i32, i32
  }
  func.func @transform_6(%arg0: i32) -> (i32, i32) {
    %c0_i32 = arith.constant 0 : i32
    %c0_i32_0 = arith.constant 0 : i32
    %c0_i32_1 = arith.constant 0 : i32
    return %c0_i32, %c0_i32_0 : i32, i32
  }
  func.func @transform_7(%arg0: i32) -> (i32, i32) {
    %c0_i32 = arith.constant 0 : i32
    %c0_i32_0 = arith.constant 0 : i32
    %c0_i32_1 = arith.constant 0 : i32
    return %c0_i32, %c0_i32_0 : i32, i32
  }
  func.func @transform_8(%arg0: i32) -> (i32, i32) {
    %c0_i32 = arith.constant 0 : i32
    %c0_i32_0 = arith.constant 0 : i32
    %c0_i32_1 = arith.constant 0 : i32
    return %c0_i32, %c0_i32_0 : i32, i32
  }
  func.func @transform_9(%arg0: i32) -> (i32, i32) {
    %c0_i32 = arith.constant 0 : i32
    %c0_i32_0 = arith.constant 0 : i32
    return %arg0, %c0_i32 : i32, i32
  }
  func.func @transform_10(%arg0: i32) -> (i32, i32) {
    %c0_i32 = arith.constant 0 : i32
    %c0_i32_0 = arith.constant 0 : i32
    return %arg0, %c0_i32 : i32, i32
  }
}

</mosaic_0001>

<sc_bundles>
// kernel: kernel.6.cloned.1.call-start
scs
__scs_entry_jumppad:
0x0: {  	(pc) =	sbr.rel $0x88, $3  }
0x1: {  	(tag) =	ssettag $0x0;
	lr =	simm.s32 $0x1  }
0x2: {  	[smem:$0x3F9B] =	sst lr;
	_ =	strace $0xD0000000  }
0x3: {  	_ = 	snop  }
0x4: {  	_ = 	snop  }
0x5: {  	_ = 	snop  }
0x6: {  	_ = 	snop  }
0x7: {  	_ = 	snop  }
__scs_overlays_trampoline_lowered:
0x8: {  	[smem:$0x3FAA] =	sst s0  }
0x9: {  	[smem:$0x3FAB] =	sst s1  }
0xa: {  	[smem:$0x3FAC] =	sst s2  }
0xb: {  	[smem:$0x3FAD] =	sst s3  }
0xc: {  	[smem:$0x3FAE] =	sst s4  }
0xd: {  	[smem:$0x3FAF] =	sst s5  }
0xe: {  	[smem:$0x3FB0] =	sst s6  }
0xf: {  	[smem:$0x3FB1] =	sst s7  }
0x10: {  	[smem:$0x3FB2] =	sst s8  }
0x11: {  	[smem:$0x3FB3] =	sst s9;
	s0 =	simm.s32 @!p0 $0x0  }
0x12: {  	s1 =	sld [smem:$0x3F99];
	s0 =	simm.s32 @p0 $0x1  }
0x13: {  	[smem:$0x3FB4] =	sst s0;
	s0 =	simm.s32 @!p1 $0x0  }
0x14: {  	s2 =	sld [smem:$0x3F98];
	s0 =	simm.s32 @p1 $0x1  }
0x15: {  	[smem:$0x3FB5] =	sst s0;
	s0 =	simm.s32 @!p2 $0x0  }
0x16: {  	s3 =	sld [smem:$0x3FDB];
	s0 =	simm.s32 @p2 $0x1  }
0x17: {  	s4 =	simm.s32 $0x1BF5;
	[smem:$0x3FB7] =	sst s0  }
0x18: {  	s0 =	sld [smem:$0x3F9A];
	_ =	swait.ge [sflag:s4], $0x0  }
0x19: {  	s7 =	sld [smem:$0x3F9B]  }
0x1a: {  	s8 =	sadd.s32 $0xFFFFE003, lr  }
0x1b: {  	s9 =	sadd.s32 $0xFFFFFEF7, lr;
	s5 =	simm.s32 $0xFFFFFFFF;
	p2 =	slt.u32 s8, $0xFFFFF086  }
0x1c: {  	p1 =	slt.u32 s9, $0xF7A;
	s5 =	simm.s32 @!p2 $0x0  }
0x1d: {  	s5 =	simm.s32 @p1 $0x1;
	p0 =	seq.s32 s7, s2  }
0x1e: {  	s7 =	smul.u32 @!p0 $0xF7A, s2;
	p2 =	seq.s32 @!p0 s5, $0x0  }
0x1f: {  	s9 =	smul.u32 $0xF7A, s1;
	s8 =	simm.s32 @!p0 $0x1BF5;
	p2 =	por !p2, p0  }
0x20: {  	[sflag:s8] =	ssyncset.s32 @!p0 $0xFFFFF086;
	s6 =	sadd.s32 @!p0 s3, s7;
	s7 =	simm.s32 @!p0 $0x108  }
0x21: {  	s3 =	sadd.s32 s3, s9;
	s6 =	sadd.s32 @!p0 $0x88, s6;
	s7 =	simm.s32 @p2 $0x1082  }
0x22: {  	[simem:s7], [sflag:s8] =	dma.local @!p0 [hbm:s6], $0xF7A  }
0x23: {  	s9 =	sor.u32 $0xD0000000, s2;
	s6 =	simm.s32 $0x108;
	_ =	swait.ge @!p0 [sflag:s8], $0x0  }
0x24: {  	s3 =	sadd.s32 $0x88, s3;
	s6 =	simm.s32 @!p1 $0x1082;
	[sflag:s4] =	ssyncset.s32 $0xFFFFF086  }
0x25: {  	[simem:s6], [sflag:s4] =	dma.local [hbm:s3], $0xF7A  }
0x26: {  	[smem:$0x3F9B] =	sst s1;
	(tag) =	ssettag s2;
	_ =	strace s9  }
0x27: {  	s1 =	sld [smem:$0x3FAB]  }
0x28: {  	s2 =	sld [smem:$0x3FAC]  }
0x29: {  	s4 =	sld [smem:$0x3FAE]  }
0x2a: {  	p0 =	seq.s32 s5, $0x0;
	s5 =	sld [smem:$0x3FAF]  }
0x2b: {  	s6 =	sld [smem:$0x3FB0]  }
0x2c: {  	s7 =	sld [smem:$0x3FB1]  }
0x2d: {  	s3 =	simm.s32 $0x108;
	s8 =	sld [smem:$0x3FB2]  }
0x2e: {  	s3 =	simm.s32 @!p0 $0x1082;
	s9 =	sld [smem:$0x3FB3]  }
0x2f: {  	lr =	sadd.s32 s0, s3;
	s0 =	sld [smem:$0x3FAA]  }
0x30: {  	s3 =	sld [smem:$0x3FAD]  }
0x31: {  	[smem:$0x3FB6] =	sst s10  }
0x32: {  	s10 =	sld [smem:$0x3FB4];
	_ =	sdelay $0x3  }
0x33: {  	p0 =	seq.s32 s10, $0x1;
	s10 =	sld [smem:$0x3FB6];
	_ =	sdelay $0x3  }
0x34: {  	[smem:$0x3FB6] =	sst s10  }
0x35: {  	s10 =	sld [smem:$0x3FB5];
	_ =	sdelay $0x3  }
0x36: {  	p1 =	seq.s32 s10, $0x1;
	s10 =	sld [smem:$0x3FB6];
	_ =	sdelay $0x3  }
0x37: {  	[smem:$0x3FB6] =	sst s10  }
0x38: {  	s10 =	sld [smem:$0x3FB7]  }
0x39: {  	_ = 	snop;
	(pc) =	sbr.ind lr, $3  }
0x3a: {  	_ = 	snop  }
0x3b: {  	_ = 	snop  }
0x3c: {  	p2 =	seq.s32 s10, $0x1;
	s10 =	sld [smem:$0x3FB6]  }
0x3d: {  	_ =	shalt  }
0x3e: {  	_ =	shalt  }
0x3f: {  	_ =	shalt  }
0x40: {  	_ =	shalt  }
0x41: {  	_ =	shalt  }
0x42: {  	_ =	shalt  }
0x43: {  	_ =	shalt  }
0x44: {  	_ =	shalt  }
0x45: {  	_ =	shalt  }
0x46: {  	_ =	shalt  }
0x47: {  	_ =	shalt  }
0x48: {  	_ =	shalt  }
0x49: {  	_ =	shalt  }
0x4a: {  	_ =	shalt  }
0x4b: {  	_ =	shalt  }
0x4c: {  	_ =	shalt  }
0x4d: {  	_ =	shalt  }
0x4e: {  	_ =	shalt  }
0x4f: {  	_ =	shalt  }
0x50: {  	_ =	shalt  }
0x51: {  	_ =	shalt  }
0x52: {  	_ =	shalt  }
0x53: {  	_ =	shalt  }
0x54: {  	_ =	shalt  }
0x55: {  	_ =	shalt  }
0x56: {  	_ =	shalt  }
0x57: {  	_ =	shalt  }
0x58: {  	_ =	shalt  }
0x59: {  	_ =	shalt  }
0x5a: {  	_ =	shalt  }
0x5b: {  	_ =	shalt  }
0x5c: {  	_ =	shalt  }
0x5d: {  	_ =	shalt  }
0x5e: {  	_ =	shalt  }
0x5f: {  	_ =	shalt  }
0x60: {  	_ =	shalt  }
0x61: {  	_ =	shalt  }
0x62: {  	_ =	shalt  }
0x63: {  	_ =	shalt  }
0x64: {  	_ =	shalt  }
0x65: {  	_ =	shalt  }
0x66: {  	_ =	shalt  }
0x67: {  	_ =	shalt  }
0x68: {  	_ =	shalt  }
0x69: {  	_ =	shalt  }
0x6a: {  	_ =	shalt  }
0x6b: {  	_ =	shalt  }
0x6c: {  	_ =	shalt  }
0x6d: {  	_ =	shalt  }
0x6e: {  	_ =	shalt  }
0x6f: {  	_ =	shalt  }
0x70: {  	_ =	shalt  }
0x71: {  	_ =	shalt  }
0x72: {  	_ =	shalt  }
0x73: {  	_ =	shalt  }
0x74: {  	_ =	shalt  }
0x75: {  	_ =	shalt  }
0x76: {  	_ =	shalt  }
0x77: {  	_ =	shalt  }
0x78: {  	_ =	shalt  }
0x79: {  	_ =	shalt  }
0x7a: {  	_ =	shalt  }
0x7b: {  	_ =	shalt  }
0x7c: {  	_ =	shalt  }
0x7d: {  	_ =	shalt  }
0x7e: {  	_ =	shalt  }
0x7f: {  	_ =	shalt  }
0x80: {  	_ =	shalt  }
0x81: {  	_ =	shalt  }
0x82: {  	_ =	shalt  }
0x83: {  	_ =	shalt  }
0x84: {  	_ =	shalt  }
0x85: {  	_ =	shalt  }
0x86: {  	_ =	shalt  }
0x87: {  	_ =	shalt  }
.Lfunc_end0:
.L_simem_size_0:
called_computation_lowered:
.L_overlay_start_0:
0x88: {  	s2 =	sld [smem:$0x3FD9]  }
0x89: {  	s3 =	sld [smem:$0x3FFE];
	_ =	sdelay $0x1  }
0x8a: {  	s1 =	srdreg.scid  }
0x8b: {  	s0 =	sand.u32 $0x1, s1  }
0x8c: {  	s14 =	sshll.u32 s0, $0xA;
	s2 =	sadd.s32 s3, s2  }
0x8d: {  	s2 =	sadd.s32 s2, s14  }
0x8e: {  	[smem:$0x3FC2] =	sst s2  }
0x8f: {  	_ = 	snop  }
0x90: {  	s2 =	sld [smem:$0x3FD0];
	_ =	sdelay $0x2  }
0x91: {  	s15 =	simm.s32 $0xA;
	s4 =	simm.s32 $0x10  }
0x92: {  	[smem:s4], [sflag:s15] =	dma.local [hbm:s2], $0x1  }
0x93: {  	_ =	swait.eq [sflag:s15], $0x1  }
0x94: {  	[sflag:s15] =	ssyncset.done $0x0  }
0x95: {  	[sflag:s15] =	ssyncadd.s32 $0xFFFFFFFF  }
0x96: {  	s16 =	sld [smem:$0x10];
	(tm) =	ssettm $0x1  }
0x97: {  	s17 =	sld [smem:$0x3FFB];
	_ =	sdelay $0x3  }
0x98: {  	_ =	strace s17  }
0x99: {  	s3 =	sld [smem:$0x3FFC];
	_ =	sdelay $0x3  }
0x9a: {  	_ =	strace s3  }
0x9b: {  	s3 =	sld [smem:$0x3FFD];
	_ =	sdelay $0x3  }
0x9c: {  	_ =	strace s3  }
0x9d: {  	_ =	strace $0x8FFFFFFF  }
0x9e: {  	s18 =	sld [smem:$0x3FDB];
	_ =	sdelay $0x1  }
0x9f: {  	s19 =	simm.s32 $_scs_section_size  }
0xa0: {  	s5 =	simm.s32 $_size__tile_overlayer_lowered;
	s6 =	simm.s32 $_tile_overlayer_lowered  }
0xa1: {  	s22 =	simm.s32 $0x1BFF;
	s21 =	sshll.u32 s6, $0x1;
	s3 =	sadd.s32 s19, s18  }
0xa2: {  	s7 =	simm.s32 $0x0;
	s20 =	sshll.u32 s5, $0x1;
	s5 =	sadd.s32 s21, s3  }
0xa3: {  	[timem:s7], [sflag:s22] =	dma.local [hbm:s5], s20  }
0xa4: {  	_ =	swait.ge [sflag:s22], s20  }
0xa5: {  	s4 =	ssub.s32 $0x0, s20;
	[sflag:s22] =	ssyncset.done $0x0  }
0xa6: {  	[sflag:s22] =	ssyncadd.s32 s4;
	_ =	sdelay $0x1  }
0xa7: {  	s23 =	simm.s32 $0x1B8B  }
0xa8: {  	_ =	swait.ge [sflag:s23], $0x1  }
0xa9: {  	[sflag:s23] =	ssyncset.done $0x0  }
0xaa: {  	s25 =	simm.s32 $0x1B8E;
	s24 =	sld [smem:$0x3FFE];
	[sflag:s23] =	ssyncadd.s32 $0xFFFFFFFF  }
0xab: {  	s26 =	simm.s32 $execute0_lowered;
	[smem:$0x3FD2] =	sst s25  }
0xac: {  	s5 =	sshll.u32 s26, $0x1;
	_ =	strace $0x80000046;
	[dreg:$0x1] =	wrdreg $0xFFFFFFFF  }
0xad: {  	s28 =	simm.s32 $_size_execute0_lowered;
	s3 =	sadd.s32 s3, s5;
	[dreg:$0x0] =	wrdreg $0x0  }
0xae: {  	s5 =	sshll.u32 s28, $0x1;
	[dreg:$0x2] =	wrdreg s3  }
0xaf: {  	[dreg:$0x3] =	wrdreg s5  }
0xb0: {  	[dreg:$0x4] =	wrdreg $0xC0  }
0xb1: {  	_ =	task [dreg:s7], $0x5FFFF  }
0xb2: {  	[dreg:$0x1] =	wrdreg $0xFFFFFFFF  }
0xb3: {  	[dreg:$0x0] =	wrdreg $0x60  }
0xb4: {  	[dreg:$0x2] =	wrdreg s16  }
0xb5: {  	[dreg:$0x3] =	wrdreg s24  }
0xb6: {  	[dreg:$0x4] =	wrdreg $0x9  }
0xb7: {  	_ =	task.clear_ibuf [dreg:s7], $0x5FFFF;
	_ =	strace $0x90000046  }
0xb8: {  	s29 =	simm.s32 $0x9;
	_ =	strace $0x80000048  }
0xb9: {  	_ =	swait.ge [sflag:s29], $0x1  }
0xba: {  	[sflag:s29] =	ssyncadd.s32 $0xFFFFFFFF  }
0xbb: {  	_ =	strace $0x90000048  }
0xbc: {  	_ =	sfence  }
0xbd: {  	s30 =	sld [smem:$0x0];
	_ =	sdelay $0x2  }
0xbe: {  	s31 =	sshll.u32 s1, $0xD;
	s1 =	sshrl.u32 s1, $0x2  }
0xbf: {  	s3 =	sand.u32 $0x4000, s31;
	s1 =	sadd.s32 s1, s30  }
0xc0: {  	s0 =	sor.u32 s3, s0;
	s1 =	sshll.u32 s1, $0x11  }
0xc1: {  	s0 =	sor.u32 s1, s0  }
0xc2: {  	s0 =	sadd.s32 $0x8F2B, s0  }
0xc3: {  	[sflag:s0] =	ssyncadd.remote.s32 $0x1  }
0xc4: {  	_ =	sfence.sel $0xFFFF  }
0xc5: {  	[dreg:$0x0] =	wrdreg $0xFFFFFFFF;
	(pc) =	sbr.abs _section_cstart, $3  }
0xc6: {  	[dreg:$0x1] =	wrdreg $0xFFFFFFFF  }
0xc7: {  	_ =	task.clear_ibuf [dreg:s7], $0x2FFFF;
	_ =	strace $0x9FFFFFFF  }
0xc8: {  	(tm) =	ssettm $0x7FFFFFFF  }
0xc9: {  	_ =	shalt  }
tec
execute0_lowered:
.L_overlay_start_1:
0x0: {  	(tag) =	ssettag $0x1  }
0x1: {  	s0 =	srdreg.scid  }
0x2: {  	s3 =	sand.u32 $0x1, s0  }
0x3: {  	s4 =	rddreg [dreg:$0x0];
	s0 =	stileid.u32;
	s1 =	sshll.u32 s3, $0x4  }
0x4: {  	s6 =	rddreg [dreg:$0x1];
	s2 =	simm.s32 $0x0;
	s1 =	sor.u32 s0, s1  }
0x5: {  	s8 =	simm.s32 $0x1;
	s9 =	simm.s32 $0x2780;
	s1 =	sshrl.u32 s1, $0x3  }
0x6: {  	s10 =	simm.s32 $0x0;
	s30 =	sshll.u32 s0, $0x7;
	s5 =	smul.u32 $0x13C00, s1  }
0x7: {  	[smem:$0x7FF] =	sst s2;
	s3 =	ssub.s32 $0x2, s3;
	s7 =	sand.u32 $0x380, s30  }
0x8: {  	s31 =	sshrl.u32 s3, $0x1;
	s1 =	rddreg [dreg:$0x2];
	s5 =	sor.u32 s7, s5  }
0x9: {  	_ =	strace $0x80000047;
	s7 =	ssub.s32 s3, s31;
	s5 =	sshrl.u32 s5, $0x3  }
0xa: {  	s6 =	sadd.s32 s5, s6;
	s3 =	sadd.s32 s4, s5;
	s5 =	smax.u32 s7, $0x1  }
0xb: {  	v0 =	vimm.f32 $0.0e+00;
	v1 =	vimm.f32 $1.000000000e+00;
	s7 =	simm.s32 $0x400;
	s4 =	sadd.s32 $0x1600, s6;
	s6 =	simm.s32 $0x80  }
.LBB2_1:
0xc: {  	[tilespmem:s2], [sflag:$0x1] =	stream.strided.gather [hbm4b:s3+s6], $0x2780, s7, s6, $0x38;
	[tilespmem:$0x4F00] =	vst v63  }
0xd: {  	_ =	swait.ge [sflag:s8], $0x2780  }
0xe: {  	[sflag:s8] =	ssyncset.done $0x0  }
0xf: {  	s11 =	simm.s32 $0x0;
	[sflag:s8] =	ssyncadd.s32 $0xFFFFD880  }
.LBB2_2:
0x10: {  	p0 =	sne.s32 s11, $0x9C00  }
.Ltmp0:
0x11: {  	_ = 	snop;
	(pc) =	sbr.rel @p0 .LBB2_2-.Ltmp0, $3  }
0x12: {  	_ =	sdelay $0x1  }
0x13: {  	s12 =	sshra.s32 s11, $0x2  }
0x14: {  	s11 =	sadd.s32 $0x40, s11;
	[tilespmem:s12+$0x2780] =	vst v0  }
0x15: {  	s12 =	simm.s32 $0x0;
	s11 =	simm.s32 $0x40  }
.LBB2_4:
0x16: {  	p0 =	sne.s32 s11, $0x9C00;
	v2 =	vld [tilespmem:s12+$0x0];
	_ =	sdelay $0x3  }
.Ltmp1:
0x17: {  	(pc) =	sbr.rel @p0 .LBB2_4-.Ltmp1, $2  }
0x18: {  	_ =	sdelay $0x2  }
0x19: {  	s12 =	sshra.s32 s11, $0x2;
	s11 =	sadd.s32 $0x40, s11;
	[tilespmem:v2+s9+$0x0] =	vst.idx.add.f32.msk $0xffff, v1  }
0x1a: {  	v2 =	vld [tilespmem:s12+$0x0];
	_ =	sdelay $0x5  }
0x1b: {  	s10 =	sadd.s32 $0x1, s10  }
0x1c: {  	p0 =	sne.s32 s10, s5  }
.Ltmp2:
0x1d: {  	[tilespmem:v2+s9+$0x0] =	vst.idx.add.f32.msk $0xffff, v1;
	(pc) =	sbr.rel @p0 .LBB2_1-.Ltmp2, $4  }
0x1e: {  	[hbm4b:s4+s6] =	stream.strided.scatter [tilespmem:s9], [sflag:$0x1], $0x2780, s7, s6, $0x38;
	[tilespmem:$0x4F00] =	vst v63  }
0x1f: {  	_ =	swait.ge [sflag:s8], $0x2780  }
0x20: {  	[sflag:s8] =	ssyncset.done $0x0  }
0x21: {  	[sflag:s8] =	ssyncadd.s32 $0xFFFFD880  }
0x22: {  	_ =	sfence.sel $0x180000  }
0x23: {  	[bflag:$0x0] =	sbarrier.arrive $0xFFFF  }
0x24: {  	p0 =	sne.s32 s0, $0x0;
	_ =	strace $0x90000047  }
0x25: {  	s0 =	sadd.s32 @!p0 $0x100000, s1;
	[bflag:$0x2] =	sbarrier.arrive $0xFFFF  }
0x26: {  	[sflag:s0] =	ssyncadd.tile.s32 @!p0 $0x1;
	_ =	shalt  }
.Lfunc_end2:
_tile_overlayer_lowered:
.L_overlay_start_2:
0x27: {  	(tag) =	ssettag $0x2  }
0x28: {  	s0 =	rddreg [dreg:$0x0];
	s2 =	stileid.u32  }
0x29: {  	s1 =	rddreg [dreg:$0x1];
	p0 =	sne.s32 s2, $0x0  }
0x2a: {  	s3 =	rddreg [dreg:$0x2];
	[bflag:$0x3] =	sbarrier.arrive $0xFFFF;
	s2 =	simm.s32 @!p0 $0x1C01  }
0x2b: {  	[timem:s3], [sflag:s2] =	dma.local @!p0 [hbm:s0], s1  }
0x2c: {  	s0 =	simm.s32 @!p0 $0x1  }
0x2d: {  	_ =	swait.ge @!p0 [sflag:s0], s1  }
0x2e: {  	s1 =	ssub.s32 @!p0 $0x0, s1;
	[sflag:s0] =	ssyncset.done @!p0 $0x0  }
0x2f: {  	[sflag:s0] =	ssyncadd.s32 @!p0 s1  }
0x30: {  	[bflag:$0x3] =	sbarrier.arrive $0xFFFF  }
0x31: {  	_ =	shalt  }

// kernel: kernel.9.cloned.1.call-start
scs
__scs_entry_jumppad:
0x0: {  	(pc) =	sbr.rel $0x88, $3  }
0x1: {  	(tag) =	ssettag $0x0;
	lr =	simm.s32 $0x1  }
0x2: {  	[smem:$0x3F9B] =	sst lr;
	_ =	strace $0xD0000000  }
0x3: {  	_ = 	snop  }
0x4: {  	_ = 	snop  }
0x5: {  	_ = 	snop  }
0x6: {  	_ = 	snop  }
0x7: {  	_ = 	snop  }
__scs_overlays_trampoline_lowered:
0x8: {  	[smem:$0x3FAA] =	sst s0  }
0x9: {  	[smem:$0x3FAB] =	sst s1  }
0xa: {  	[smem:$0x3FAC] =	sst s2  }
0xb: {  	[smem:$0x3FAD] =	sst s3  }
0xc: {  	[smem:$0x3FAE] =	sst s4  }
0xd: {  	[smem:$0x3FAF] =	sst s5  }
0xe: {  	[smem:$0x3FB0] =	sst s6  }
0xf: {  	[smem:$0x3FB1] =	sst s7  }
0x10: {  	[smem:$0x3FB2] =	sst s8  }
0x11: {  	[smem:$0x3FB3] =	sst s9;
	s0 =	simm.s32 @!p0 $0x0  }
0x12: {  	s1 =	sld [smem:$0x3F99];
	s0 =	simm.s32 @p0 $0x1  }
0x13: {  	[smem:$0x3FB4] =	sst s0;
	s0 =	simm.s32 @!p1 $0x0  }
0x14: {  	s2 =	sld [smem:$0x3F98];
	s0 =	simm.s32 @p1 $0x1  }
0x15: {  	[smem:$0x3FB5] =	sst s0;
	s0 =	simm.s32 @!p2 $0x0  }
0x16: {  	s3 =	sld [smem:$0x3FDB];
	s0 =	simm.s32 @p2 $0x1  }
0x17: {  	s4 =	simm.s32 $0x1BF5;
	[smem:$0x3FB7] =	sst s0  }
0x18: {  	s0 =	sld [smem:$0x3F9A];
	_ =	swait.ge [sflag:s4], $0x0  }
0x19: {  	s7 =	sld [smem:$0x3F9B]  }
0x1a: {  	s8 =	sadd.s32 $0xFFFFE003, lr  }
0x1b: {  	s9 =	sadd.s32 $0xFFFFFEF7, lr;
	s5 =	simm.s32 $0xFFFFFFFF;
	p2 =	slt.u32 s8, $0xFFFFF086  }
0x1c: {  	p1 =	slt.u32 s9, $0xF7A;
	s5 =	simm.s32 @!p2 $0x0  }
0x1d: {  	s5 =	simm.s32 @p1 $0x1;
	p0 =	seq.s32 s7, s2  }
0x1e: {  	s7 =	smul.u32 @!p0 $0xF7A, s2;
	p2 =	seq.s32 @!p0 s5, $0x0  }
0x1f: {  	s9 =	smul.u32 $0xF7A, s1;
	s8 =	simm.s32 @!p0 $0x1BF5;
	p2 =	por !p2, p0  }
0x20: {  	[sflag:s8] =	ssyncset.s32 @!p0 $0xFFFFF086;
	s6 =	sadd.s32 @!p0 s3, s7;
	s7 =	simm.s32 @!p0 $0x108  }
0x21: {  	s3 =	sadd.s32 s3, s9;
	s6 =	sadd.s32 @!p0 $0x88, s6;
	s7 =	simm.s32 @p2 $0x1082  }
0x22: {  	[simem:s7], [sflag:s8] =	dma.local @!p0 [hbm:s6], $0xF7A  }
0x23: {  	s9 =	sor.u32 $0xD0000000, s2;
	s6 =	simm.s32 $0x108;
	_ =	swait.ge @!p0 [sflag:s8], $0x0  }
0x24: {  	s3 =	sadd.s32 $0x88, s3;
	s6 =	simm.s32 @!p1 $0x1082;
	[sflag:s4] =	ssyncset.s32 $0xFFFFF086  }
0x25: {  	[simem:s6], [sflag:s4] =	dma.local [hbm:s3], $0xF7A  }
0x26: {  	[smem:$0x3F9B] =	sst s1;
	(tag) =	ssettag s2;
	_ =	strace s9  }
0x27: {  	s1 =	sld [smem:$0x3FAB]  }
0x28: {  	s2 =	sld [smem:$0x3FAC]  }
0x29: {  	s4 =	sld [smem:$0x3FAE]  }
0x2a: {  	p0 =	seq.s32 s5, $0x0;
	s5 =	sld [smem:$0x3FAF]  }
0x2b: {  	s6 =	sld [smem:$0x3FB0]  }
0x2c: {  	s7 =	sld [smem:$0x3FB1]  }
0x2d: {  	s3 =	simm.s32 $0x108;
	s8 =	sld [smem:$0x3FB2]  }
0x2e: {  	s3 =	simm.s32 @!p0 $0x1082;
	s9 =	sld [smem:$0x3FB3]  }
0x2f: {  	lr =	sadd.s32 s0, s3;
	s0 =	sld [smem:$0x3FAA]  }
0x30: {  	s3 =	sld [smem:$0x3FAD]  }
0x31: {  	[smem:$0x3FB6] =	sst s10  }
0x32: {  	s10 =	sld [smem:$0x3FB4];
	_ =	sdelay $0x3  }
0x33: {  	p0 =	seq.s32 s10, $0x1;
	s10 =	sld [smem:$0x3FB6];
	_ =	sdelay $0x3  }
0x34: {  	[smem:$0x3FB6] =	sst s10  }
0x35: {  	s10 =	sld [smem:$0x3FB5];
	_ =	sdelay $0x3  }
0x36: {  	p1 =	seq.s32 s10, $0x1;
	s10 =	sld [smem:$0x3FB6];
	_ =	sdelay $0x3  }
0x37: {  	[smem:$0x3FB6] =	sst s10  }
0x38: {  	s10 =	sld [smem:$0x3FB7]  }
0x39: {  	_ = 	snop;
	(pc) =	sbr.ind lr, $3  }
0x3a: {  	_ = 	snop  }
0x3b: {  	_ = 	snop  }
0x3c: {  	p2 =	seq.s32 s10, $0x1;
	s10 =	sld [smem:$0x3FB6]  }
0x3d: {  	_ =	shalt  }
0x3e: {  	_ =	shalt  }
0x3f: {  	_ =	shalt  }
0x40: {  	_ =	shalt  }
0x41: {  	_ =	shalt  }
0x42: {  	_ =	shalt  }
0x43: {  	_ =	shalt  }
0x44: {  	_ =	shalt  }
0x45: {  	_ =	shalt  }
0x46: {  	_ =	shalt  }
0x47: {  	_ =	shalt  }
0x48: {  	_ =	shalt  }
0x49: {  	_ =	shalt  }
0x4a: {  	_ =	shalt  }
0x4b: {  	_ =	shalt  }
0x4c: {  	_ =	shalt  }
0x4d: {  	_ =	shalt  }
0x4e: {  	_ =	shalt  }
0x4f: {  	_ =	shalt  }
0x50: {  	_ =	shalt  }
0x51: {  	_ =	shalt  }
0x52: {  	_ =	shalt  }
0x53: {  	_ =	shalt  }
0x54: {  	_ =	shalt  }
0x55: {  	_ =	shalt  }
0x56: {  	_ =	shalt  }
0x57: {  	_ =	shalt  }
0x58: {  	_ =	shalt  }
0x59: {  	_ =	shalt  }
0x5a: {  	_ =	shalt  }
0x5b: {  	_ =	shalt  }
0x5c: {  	_ =	shalt  }
0x5d: {  	_ =	shalt  }
0x5e: {  	_ =	shalt  }
0x5f: {  	_ =	shalt  }
0x60: {  	_ =	shalt  }
0x61: {  	_ =	shalt  }
0x62: {  	_ =	shalt  }
0x63: {  	_ =	shalt  }
0x64: {  	_ =	shalt  }
0x65: {  	_ =	shalt  }
0x66: {  	_ =	shalt  }
0x67: {  	_ =	shalt  }
0x68: {  	_ =	shalt  }
0x69: {  	_ =	shalt  }
0x6a: {  	_ =	shalt  }
0x6b: {  	_ =	shalt  }
0x6c: {  	_ =	shalt  }
0x6d: {  	_ =	shalt  }
0x6e: {  	_ =	shalt  }
0x6f: {  	_ =	shalt  }
0x70: {  	_ =	shalt  }
0x71: {  	_ =	shalt  }
0x72: {  	_ =	shalt  }
0x73: {  	_ =	shalt  }
0x74: {  	_ =	shalt  }
0x75: {  	_ =	shalt  }
0x76: {  	_ =	shalt  }
0x77: {  	_ =	shalt  }
0x78: {  	_ =	shalt  }
0x79: {  	_ =	shalt  }
0x7a: {  	_ =	shalt  }
0x7b: {  	_ =	shalt  }
0x7c: {  	_ =	shalt  }
0x7d: {  	_ =	shalt  }
0x7e: {  	_ =	shalt  }
0x7f: {  	_ =	shalt  }
0x80: {  	_ =	shalt  }
0x81: {  	_ =	shalt  }
0x82: {  	_ =	shalt  }
0x83: {  	_ =	shalt  }
0x84: {  	_ =	shalt  }
0x85: {  	_ =	shalt  }
0x86: {  	_ =	shalt  }
0x87: {  	_ =	shalt  }
.Lfunc_end0:
.L_simem_size_0:
called_computation.1_lowered:
.L_overlay_start_0:
0x88: {  	s2 =	sld [smem:$0x3FD9]  }
0x89: {  	s3 =	sld [smem:$0x3FFE];
	_ =	sdelay $0x1  }
0x8a: {  	s1 =	srdreg.scid  }
0x8b: {  	s0 =	sand.u32 $0x1, s1  }
0x8c: {  	s14 =	sshll.u32 s0, $0xA;
	s2 =	sadd.s32 s3, s2  }
0x8d: {  	s2 =	sadd.s32 s2, s14  }
0x8e: {  	[smem:$0x3FC2] =	sst s2  }
0x8f: {  	_ = 	snop  }
0x90: {  	s2 =	sld [smem:$0x3FD0];
	_ =	sdelay $0x2  }
0x91: {  	s15 =	simm.s32 $0xA;
	s4 =	simm.s32 $0x10  }
0x92: {  	[smem:s4], [sflag:s15] =	dma.local [hbm:s2], $0x1  }
0x93: {  	_ =	swait.eq [sflag:s15], $0x1  }
0x94: {  	[sflag:s15] =	ssyncset.done $0x0  }
0x95: {  	[sflag:s15] =	ssyncadd.s32 $0xFFFFFFFF  }
0x96: {  	s16 =	sld [smem:$0x11];
	(tm) =	ssettm $0x1  }
0x97: {  	s17 =	sld [smem:$0x3FFB];
	_ =	sdelay $0x3  }
0x98: {  	_ =	strace s17  }
0x99: {  	s3 =	sld [smem:$0x3FFC];
	_ =	sdelay $0x3  }
0x9a: {  	_ =	strace s3  }
0x9b: {  	s3 =	sld [smem:$0x3FFD];
	_ =	sdelay $0x3  }
0x9c: {  	_ =	strace s3  }
0x9d: {  	_ =	strace $0x8FFFFFFF  }
0x9e: {  	s18 =	sld [smem:$0x3FDB];
	_ =	sdelay $0x1  }
0x9f: {  	s19 =	simm.s32 $_scs_section_size  }
0xa0: {  	s5 =	simm.s32 $_size__tile_overlayer_lowered;
	s6 =	simm.s32 $_tile_overlayer_lowered  }
0xa1: {  	s22 =	simm.s32 $0x1BFF;
	s21 =	sshll.u32 s6, $0x1;
	s3 =	sadd.s32 s19, s18  }
0xa2: {  	s7 =	simm.s32 $0x0;
	s20 =	sshll.u32 s5, $0x1;
	s5 =	sadd.s32 s21, s3  }
0xa3: {  	[timem:s7], [sflag:s22] =	dma.local [hbm:s5], s20  }
0xa4: {  	_ =	swait.ge [sflag:s22], s20  }
0xa5: {  	s4 =	ssub.s32 $0x0, s20;
	[sflag:s22] =	ssyncset.done $0x0  }
0xa6: {  	[sflag:s22] =	ssyncadd.s32 s4;
	_ =	sdelay $0x1  }
0xa7: {  	s23 =	simm.s32 $0x1B8B  }
0xa8: {  	_ =	swait.ge [sflag:s23], $0x1  }
0xa9: {  	[sflag:s23] =	ssyncset.done $0x0  }
0xaa: {  	s25 =	simm.s32 $0x1B8E;
	s24 =	sld [smem:$0x3FFE];
	[sflag:s23] =	ssyncadd.s32 $0xFFFFFFFF  }
0xab: {  	s26 =	simm.s32 $execute0_lowered;
	[smem:$0x3FD2] =	sst s25  }
0xac: {  	s5 =	sshll.u32 s26, $0x1;
	_ =	strace $0x80000049;
	[dreg:$0x1] =	wrdreg $0xFFFFFFFF  }
0xad: {  	s28 =	simm.s32 $_size_execute0_lowered;
	s3 =	sadd.s32 s3, s5;
	[dreg:$0x0] =	wrdreg $0x0  }
0xae: {  	s5 =	sshll.u32 s28, $0x1;
	[dreg:$0x2] =	wrdreg s3  }
0xaf: {  	[dreg:$0x3] =	wrdreg s5  }
0xb0: {  	[dreg:$0x4] =	wrdreg $0xC0  }
0xb1: {  	_ =	task [dreg:s7], $0x5FFFF  }
0xb2: {  	[dreg:$0x1] =	wrdreg $0xFFFFFFFF  }
0xb3: {  	[dreg:$0x0] =	wrdreg $0x60  }
0xb4: {  	[dreg:$0x2] =	wrdreg s16  }
0xb5: {  	[dreg:$0x3] =	wrdreg s24  }
0xb6: {  	[dreg:$0x4] =	wrdreg $0x92000  }
0xb7: {  	[dreg:$0x5] =	wrdreg $0x130000  }
0xb8: {  	[dreg:$0x6] =	wrdreg $0x9  }
0xb9: {  	_ =	task.clear_ibuf [dreg:s7], $0x7FFFF;
	_ =	strace $0x90000049  }
0xba: {  	s29 =	simm.s32 $0x9;
	_ =	strace $0x8000004B  }
0xbb: {  	_ =	swait.ge [sflag:s29], $0x1  }
0xbc: {  	[sflag:s29] =	ssyncadd.s32 $0xFFFFFFFF  }
0xbd: {  	_ =	strace $0x9000004B  }
0xbe: {  	_ =	sfence  }
0xbf: {  	s30 =	sld [smem:$0x0];
	_ =	sdelay $0x2  }
0xc0: {  	s31 =	sshll.u32 s1, $0xD;
	s1 =	sshrl.u32 s1, $0x2  }
0xc1: {  	s3 =	sand.u32 $0x4000, s31;
	s1 =	sadd.s32 s1, s30  }
0xc2: {  	s0 =	sor.u32 s3, s0;
	s1 =	sshll.u32 s1, $0x11  }
0xc3: {  	s0 =	sor.u32 s1, s0  }
0xc4: {  	s0 =	sadd.s32 $0x8F2B, s0  }
0xc5: {  	[sflag:s0] =	ssyncadd.remote.s32 $0x1  }
0xc6: {  	_ =	sfence.sel $0xFFFF  }
0xc7: {  	[dreg:$0x0] =	wrdreg $0xFFFFFFFF;
	(pc) =	sbr.abs _section_cstart, $3  }
0xc8: {  	[dreg:$0x1] =	wrdreg $0xFFFFFFFF  }
0xc9: {  	_ =	task.clear_ibuf [dreg:s7], $0x2FFFF;
	_ =	strace $0x9FFFFFFF  }
0xca: {  	(tm) =	ssettm $0x7FFFFFFF  }
0xcb: {  	_ =	shalt  }
tec
execute0_lowered:
.L_overlay_start_1:
0x0: {  	(tag) =	ssettag $0x1  }
0x1: {  	s0 =	rddreg [dreg:$0x0]  }
0x2: {  	s3 =	rddreg [dreg:$0x1]  }
0x3: {  	s1 =	rddreg [dreg:$0x2]  }
0x4: {  	s2 =	rddreg [dreg:$0x3]  }
0x5: {  	s4 =	srdreg.scid;
	s9 =	stileid.u32  }
0x6: {  	s28 =	simm.s32 $0x5100;
	s29 =	simm.s32 $0x7200;
	s30 =	simm.s32 $0x1  }
0x7: {  	s5 =	sand.u32 $0x1, s4;
	s4 =	simm.s32 $0x0;
	s7 =	smul.u32 $0x27800, s9  }
0x8: {  	s31 =	simm.s32 $0x5040;
	s12 =	smul.u32 $0xA00, s9;
	[smem:$0x7FF] =	sst s4  }
0x9: {  	s6 =	smul.u32 $0x13C00, s5;
	s26 =	ssub.s32 $0x2, s5;
	_ =	strace $0x8000004A  }
0xa: {  	s8 =	sshrl.u32 s7, $0x2;
	s10 =	sshrl.u32 s26, $0x1;
	s0 =	sadd.s32 s0, s12  }
0xb: {  	s7 =	simm.s32 $0x50C0;
	s3 =	sadd.s32 s6, s3;
	s5 =	sadd.s32 s8, s1  }
0xc: {  	s6 =	ssub.s32 s26, s10;
	[dreg:$0x6] =	wrdreg s0;
	s11 =	sadd.s32 $0x9000, s5  }
0xd: {  	s12 =	simm.s32 $0x4;
	s6 =	smax.u32 s6, $0x1;
	[dreg:$0x5] =	wrdreg s11  }
0xe: {  	s8 =	smul.u32 $0x9E00, s9;
	s16 =	sadd.s32 $0x1000, s5;
	[dreg:$0x7] =	wrdreg s6  }
0xf: {  	s9 =	simm.s32 $0x3;
	s17 =	sadd.s32 $0x2000, s5;
	[dreg:$0x8] =	wrdreg s16  }
0x10: {  	s10 =	sadd.s32 $0x50600, s3;
	s18 =	sadd.s32 $0x3000, s5;
	[dreg:$0x9] =	wrdreg s17  }
0x11: {  	s14 =	sadd.s32 $0x1600, s3;
	s19 =	sadd.s32 $0x4000, s5;
	[dreg:$0xa] =	wrdreg s18  }
0x12: {  	s20 =	sadd.s32 $0x5000, s5;
	s21 =	sadd.s32 $0x6000, s5;
	[dreg:$0xb] =	wrdreg s19  }
0x13: {  	s22 =	sadd.s32 $0x7000, s5;
	s23 =	sadd.s32 $0x8000, s5;
	[dreg:$0xc] =	wrdreg s20  }
0x14: {  	s3 =	simm.s32 $0x8200;
	s13 =	sadd.s32 s8, s2;
	[dreg:$0xd] =	wrdreg s21  }
0x15: {  	s11 =	sshrl.u32 s8, $0x3;
	s15 =	sadd.s32 s8, s1;
	[dreg:$0xe] =	wrdreg s22  }
0x16: {  	[dreg:$0xf] =	wrdreg s23;
	s17 =	simm.s32 $0x5200;
	s18 =	simm.s32 $0x9  }
0x17: {  	s21 =	simm.s32 $0x40;
	s22 =	simm.s32 $0x5000;
	s6 =	simm.s32 $0x2  }
0x18: {  	s8 =	simm.s32 $0x5;
	s16 =	simm.s32 $0x0;
	s24 =	sadd.s32 s11, s10  }
0x19: {  	s25 =	sshrl.u32 s13, $0x3;
	s0 =	sadd.s32 s11, s14;
	s26 =	sshrl.u32 s15, $0x3  }
0x1a: {  	s10 =	simm.s32 $0x5140;
	s11 =	simm.s32 $0x6;
	[dreg:$0x10] =	wrdreg s24  }
0x1b: {  	s13 =	simm.s32 $0x51C0;
	s14 =	simm.s32 $0x7;
	[dreg:$0x11] =	wrdreg s25  }
0x1c: {  	s15 =	simm.s32 $0x8;
	[dreg:$0x12] =	wrdreg s0;
	s24 =	simm.s32 $0x5080  }
0x1d: {  	v0 =	vimm.f32 $0.0e+00;
	[dreg:$0x13] =	wrdreg s26;
	s26 =	simm.s32 $0x6200;
	s0 =	simm.s32 $0x5180  }
.LBB2_1:
0x1e: {  	s19 =	sand.u32 $0x3F00, s4  }
0x1f: {  	s20 =	sand.u32 $0x30, s4;
	s23 =	sshrl.u32 s19, $0x2  }
0x20: {  	s19 =	simm.s32 $0x40;
	s23 =	sor.u32 s20, s23;
	s20 =	simm.s32 $0x0  }
.LBB2_2:
0x21: {  	p0 =	sne.s32 s19, $0x3FC0  }
0x22: {  	[tilespmem:s23+$0x5200] =	vst v0;
	s20 =	sadd.s32 $0x10, s20;
	s23 =	smov.u32 s19;
	s19 =	sadd.s32 $0x40, s19  }
.Ltmp0:
0x23: {  	(pc) =	sbr.rel @p0 .LBB2_2-.Ltmp0, $4  }
0x24: {  	_ = 	snop  }
0x25: {  	s23 =	sand.u32 $0x3F00, s23  }
0x26: {  	s25 =	sand.u32 $0x30, s20;
	s23 =	sshrl.u32 s23, $0x2  }
0x27: {  	s23 =	sor.u32 s25, s23  }
0x28: {  	[tilespmem:s23+$0x5200] =	vst v0  }
0x29: {  	[spmem:s5] =	stream.linear.scatter [tilespmem:s17], [sflag:$0x9], $0x1000, $0x38;
	[tilespmem:$0x1CE00] =	vst v63  }
0x2a: {  	_ =	swait.ge [sflag:s18], $0x1000  }
0x2b: {  	[sflag:s18] =	ssyncset.done $0x0  }
0x2c: {  	s19 =	rddreg [dreg:$0x8];
	[sflag:s18] =	ssyncadd.s32 $0xFFFFF000  }
0x2d: {  	[spmem:s19] =	stream.linear.scatter [tilespmem:s17], [sflag:$0x9], $0x1000, $0x38;
	[tilespmem:$0x1CE00] =	vst v63  }
0x2e: {  	_ =	swait.ge [sflag:s18], $0x1000  }
0x2f: {  	[sflag:s18] =	ssyncset.done $0x0  }
0x30: {  	s25 =	rddreg [dreg:$0x9];
	[sflag:s18] =	ssyncadd.s32 $0xFFFFF000  }
0x31: {  	[spmem:s25] =	stream.linear.scatter [tilespmem:s17], [sflag:$0x9], $0x1000, $0x38;
	[tilespmem:$0x1CE00] =	vst v63  }
0x32: {  	_ =	swait.ge [sflag:s18], $0x1000  }
0x33: {  	[sflag:s18] =	ssyncset.done $0x0  }
0x34: {  	s20 =	rddreg [dreg:$0xa];
	[sflag:s18] =	ssyncadd.s32 $0xFFFFF000  }
0x35: {  	[spmem:s20] =	stream.linear.scatter [tilespmem:s17], [sflag:$0x9], $0x1000, $0x38;
	[tilespmem:$0x1CE00] =	vst v63  }
0x36: {  	_ =	swait.ge [sflag:s18], $0x1000  }
0x37: {  	[sflag:s18] =	ssyncset.done $0x0  }
0x38: {  	s23 =	rddreg [dreg:$0xb];
	[sflag:s18] =	ssyncadd.s32 $0xFFFFF000  }
0x39: {  	[spmem:s23] =	stream.linear.scatter [tilespmem:s17], [sflag:$0x9], $0x1000, $0x38;
	[tilespmem:$0x1CE00] =	vst v63  }
0x3a: {  	_ =	swait.ge [sflag:s18], $0x1000  }
0x3b: {  	[sflag:s18] =	ssyncset.done $0x0  }
0x3c: {  	s25 =	rddreg [dreg:$0xc];
	[sflag:s18] =	ssyncadd.s32 $0xFFFFF000  }
0x3d: {  	[spmem:s25] =	stream.linear.scatter [tilespmem:s17], [sflag:$0x9], $0x1000, $0x38;
	[tilespmem:$0x1CE00] =	vst v63  }
0x3e: {  	_ =	swait.ge [sflag:s18], $0x1000  }
0x3f: {  	[sflag:s18] =	ssyncset.done $0x0  }
0x40: {  	s20 =	rddreg [dreg:$0xd];
	[sflag:s18] =	ssyncadd.s32 $0xFFFFF000  }
0x41: {  	[spmem:s20] =	stream.linear.scatter [tilespmem:s17], [sflag:$0x9], $0x1000, $0x38;
	[tilespmem:$0x1CE00] =	vst v63  }
0x42: {  	_ =	swait.ge [sflag:s18], $0x1000  }
0x43: {  	[sflag:s18] =	ssyncset.done $0x0  }
0x44: {  	s23 =	rddreg [dreg:$0xe];
	[sflag:s18] =	ssyncadd.s32 $0xFFFFF000  }
0x45: {  	[spmem:s23] =	stream.linear.scatter [tilespmem:s17], [sflag:$0x9], $0x1000, $0x38;
	[tilespmem:$0x1CE00] =	vst v63  }
0x46: {  	_ =	swait.ge [sflag:s18], $0x1000  }
0x47: {  	[sflag:s18] =	ssyncset.done $0x0  }
0x48: {  	s25 =	rddreg [dreg:$0xf];
	[sflag:s18] =	ssyncadd.s32 $0xFFFFF000  }
0x49: {  	[spmem:s25] =	stream.linear.scatter [tilespmem:s17], [sflag:$0x9], $0x1000, $0x38;
	[tilespmem:$0x1CE00] =	vst v63  }
0x4a: {  	_ =	swait.ge [sflag:s18], $0x1000  }
0x4b: {  	[sflag:s18] =	ssyncset.done $0x0  }
0x4c: {  	s20 =	rddreg [dreg:$0x5];
	[sflag:s18] =	ssyncadd.s32 $0xFFFFF000  }
0x4d: {  	[spmem:s20] =	stream.linear.scatter [tilespmem:s17], [sflag:$0x9], $0xE00, $0x38;
	[tilespmem:$0x1CE00] =	vst v63  }
0x4e: {  	s23 =	stileid.u32;
	_ =	swait.ge [sflag:s18], $0xE00  }
0x4f: {  	s19 =	sshll.u32 s23, $0x6;
	[sflag:s18] =	ssyncset.done $0x0;
	s20 =	rddreg [dreg:$0x10]  }
0x50: {  	s19 =	sor.u32 $0x1C09, s19;
	s25 =	rddreg [dreg:$0x11];
	[sflag:s18] =	ssyncadd.s32 $0xFFFFF200  }
0x51: {  	[spmem:s25], [sflag:s19] =	dma.local [hbm:s20], $0x13C0  }
0x52: {  	_ =	swait.ge [sflag:s18], $0x13C0  }
0x53: {  	[sflag:s18] =	ssyncset.done $0x0  }
0x54: {  	[sflag:s18] =	ssyncadd.s32 $0xFFFFEC40  }
0x55: {  	[bflag:$0x0] =	sbarrier.arrive $0xFFFF  }
0x56: {  	s25 =	rddreg [dreg:$0x6]  }
0x57: {  	[tilespmem:s4], [sflag:$0x9] =	stream.linear.gather [hbm4b:s25+s4], $0x5000, $0x38;
	[tilespmem:$0x1CE00] =	vst v63  }
0x58: {  	_ =	swait.ge [sflag:s18], $0x5000  }
0x59: {  	[sflag:s18] =	ssyncset.done $0x0  }
0x5a: {  	[sflag:s18] =	ssyncadd.s32 $0xFFFFB000  }
0x5b: {  	v1 =	vld [tilespmem:$0x0];
	_ =	sdelay $0x1  }
0x5c: {  	v2 =	vld [tilespmem:$0x10];
	_ =	sdelay $0x1  }
0x5d: {  	v3 =	vld [tilespmem:$0x20]  }
0x5e: {  	v4 =	vand.u32 $0x3FFF, v1  }
0x5f: {  	v57 =	vld [tilespmem:$0x30];
	v1 =	vshrl.u32 v1, $0xE;
	[tilespmem:$0x5000] =	vst v4  }
0x60: {  	[tilespmem:$0x5040] =	vst v1;
	v1 =	vand.u32 $0x3FFF, v2  }
0x61: {  	[tilespmem:$0x5010] =	vst v1;
	v1 =	vshrl.u32 v2, $0xE  }
0x62: {  	[tilespmem:$0x5050] =	vst v1;
	v1 =	vand.u32 $0x3FFF, v3  }
0x63: {  	[tilespmem:$0x5020] =	vst v1;
	v1 =	vshrl.u32 v3, $0xE  }
0x64: {  	[tilespmem:$0x5060] =	vst v1;
	v1 =	vand.u32 $0x3FFF, v57  }
0x65: {  	[tilespmem:$0x5030] =	vst v1;
	v1 =	vshrl.u32 v57, $0xE  }
0x66: {  	[tilespmem:$0x5070] =	vst v1  }
0x67: {  	[tilespmem:s17], [sflag:$0x1] =	stream.indirect.gather [spmem:s2], $0x40, s22, s21, $0xb8;
	[tilespmem:$0x1CE00] =	vst v63  }
0x68: {  	v1 =	vld [tilespmem:$0x40];
	_ =	sdelay $0x1  }
0x69: {  	v2 =	vld [tilespmem:$0x50];
	_ =	sdelay $0x1  }
0x6a: {  	v3 =	vld [tilespmem:$0x60]  }
0x6b: {  	v58 =	vand.u32 $0x3FFF, v1  }
0x6c: {  	v59 =	vld [tilespmem:$0x70];
	v1 =	vshrl.u32 v1, $0xE;
	[tilespmem:$0x5080] =	vst v58  }
0x6d: {  	[tilespmem:$0x50C0] =	vst v1;
	v1 =	vand.u32 $0x3FFF, v2  }
0x6e: {  	[tilespmem:$0x5090] =	vst v1;
	v1 =	vshrl.u32 v2, $0xE  }
0x6f: {  	[tilespmem:$0x50D0] =	vst v1;
	v1 =	vand.u32 $0x3FFF, v3  }
0x70: {  	[tilespmem:$0x50A0] =	vst v1;
	v1 =	vshrl.u32 v3, $0xE  }
0x71: {  	[tilespmem:$0x50E0] =	vst v1;
	v1 =	vand.u32 $0x3FFF, v59  }
0x72: {  	[tilespmem:$0x50B0] =	vst v1;
	v1 =	vshrl.u32 v59, $0xE  }
0x73: {  	[tilespmem:$0x50F0] =	vst v1  }
0x74: {  	[tilespmem:s26], [sflag:$0x2] =	stream.indirect.gather [spmem:s2], $0x40, s24, s21, $0xb8;
	[tilespmem:$0x1CE00] =	vst v63  }
0x75: {  	v1 =	vld [tilespmem:$0x80];
	_ =	sdelay $0x1  }
0x76: {  	v2 =	vld [tilespmem:$0x90];
	_ =	sdelay $0x1  }
0x77: {  	v3 =	vld [tilespmem:$0xA0]  }
0x78: {  	v60 =	vand.u32 $0x3FFF, v1  }
0x79: {  	v61 =	vld [tilespmem:$0xB0];
	v1 =	vshrl.u32 v1, $0xE;
	[tilespmem:$0x5100] =	vst v60  }
0x7a: {  	[tilespmem:$0x5140] =	vst v1;
	v1 =	vand.u32 $0x3FFF, v2  }
0x7b: {  	[tilespmem:$0x5110] =	vst v1;
	v1 =	vshrl.u32 v2, $0xE  }
0x7c: {  	[tilespmem:$0x5150] =	vst v1;
	v1 =	vand.u32 $0x3FFF, v3  }
0x7d: {  	[tilespmem:$0x5120] =	vst v1;
	v1 =	vshrl.u32 v3, $0xE  }
0x7e: {  	[tilespmem:$0x5160] =	vst v1;
	v1 =	vand.u32 $0x3FFF, v61  }
0x7f: {  	[tilespmem:$0x5130] =	vst v1;
	v1 =	vshrl.u32 v61, $0xE  }
0x80: {  	[tilespmem:$0x5170] =	vst v1  }
0x81: {  	[tilespmem:s29], [sflag:$0x3] =	stream.indirect.gather [spmem:s2], $0x40, s28, s21, $0xb8;
	[tilespmem:$0x1CE00] =	vst v63  }
0x82: {  	_ =	swait.ge [sflag:s30], $0x1000  }
0x83: {  	[sflag:s30] =	ssyncset.done $0x0  }
0x84: {  	[sflag:s30] =	ssyncadd.s32 $0xFFFFF000  }
0x85: {  	[spmem:s1] =	stream.indirect.scatter.add.f32 [tilespmem:s17], [sflag:$0x5], $0x40, s31, s21, $0xb8;
	[tilespmem:$0x1CE00] =	vst v63  }
0x86: {  	v1 =	vld [tilespmem:$0xC0];
	_ =	sdelay $0x1  }
0x87: {  	v2 =	vld [tilespmem:$0xD0];
	_ =	sdelay $0x1  }
0x88: {  	v3 =	vld [tilespmem:$0xE0]  }
0x89: {  	v62 =	vand.u32 $0x3FFF, v1  }
0x8a: {  	v63 =	vld [tilespmem:$0xF0];
	v1 =	vshrl.u32 v1, $0xE;
	[tilespmem:$0x5180] =	vst v62  }
0x8b: {  	[tilespmem:$0x51C0] =	vst v1;
	v1 =	vand.u32 $0x3FFF, v2  }
0x8c: {  	[tilespmem:$0x5190] =	vst v1;
	v1 =	vshrl.u32 v2, $0xE  }
0x8d: {  	[tilespmem:$0x51D0] =	vst v1;
	v1 =	vand.u32 $0x3FFF, v3  }
0x8e: {  	[tilespmem:$0x51A0] =	vst v1;
	v1 =	vshrl.u32 v3, $0xE  }
0x8f: {  	[tilespmem:$0x51E0] =	vst v1;
	v1 =	vand.u32 $0x3FFF, v63  }
0x90: {  	[tilespmem:$0x51B0] =	vst v1;
	v1 =	vshrl.u32 v63, $0xE  }
0x91: {  	[tilespmem:$0x51F0] =	vst v1  }
0x92: {  	[tilespmem:s3], [sflag:$0x4] =	stream.indirect.gather [spmem:s2], $0x40, s0, s21, $0xb8;
	[tilespmem:$0x1CE00] =	vst v63  }
0x93: {  	_ =	swait.ge [sflag:s6], $0x1000  }
0x94: {  	[sflag:s6] =	ssyncset.done $0x0  }
0x95: {  	[sflag:s6] =	ssyncadd.s32 $0xFFFFF000  }
0x96: {  	[spmem:s1] =	stream.indirect.scatter.add.f32 [tilespmem:s26], [sflag:$0x6], $0x40, s7, s21, $0xb8;
	[tilespmem:$0x1CE00] =	vst v63  }
0x97: {  	_ =	swait.ge [sflag:s8], $0x1000  }
0x98: {  	[sflag:s8] =	ssyncset.done $0x0  }
0x99: {  	s20 =	simm.s32 $0x1F0;
	[sflag:s8] =	ssyncadd.s32 $0xFFFFF000  }
0x9a: {  	v1 =	vld [tilespmem:s20+$0xFFFFFF10];
	_ =	sdelay $0x4  }
0x9b: {  	v2 =	vand.u32 $0x3FFF, v1  }
0x9c: {  	v1 =	vshrl.u32 v1, $0xE;
	[tilespmem:$0x5000] =	vst v2  }
0x9d: {  	[tilespmem:$0x5040] =	vst v1  }
0x9e: {  	v1 =	vld [tilespmem:s20+$0xFFFFFF20];
	_ =	sdelay $0x4  }
0x9f: {  	v2 =	vand.u32 $0x3FFF, v1  }
0xa0: {  	v1 =	vshrl.u32 v1, $0xE;
	[tilespmem:$0x5010] =	vst v2  }
0xa1: {  	[tilespmem:$0x5050] =	vst v1  }
0xa2: {  	v1 =	vld [tilespmem:s20+$0xFFFFFF30];
	_ =	sdelay $0x4  }
0xa3: {  	v2 =	vand.u32 $0x3FFF, v1  }
0xa4: {  	v1 =	vshrl.u32 v1, $0xE;
	[tilespmem:$0x5020] =	vst v2  }
0xa5: {  	[tilespmem:$0x5060] =	vst v1  }
0xa6: {  	v1 =	vld [tilespmem:s20+$0xFFFFFF40];
	_ =	sdelay $0x4  }
0xa7: {  	v2 =	vand.u32 $0x3FFF, v1  }
0xa8: {  	v1 =	vshrl.u32 v1, $0xE;
	[tilespmem:$0x5030] =	vst v2  }
0xa9: {  	[tilespmem:$0x5070] =	vst v1  }
0xaa: {  	[tilespmem:s17], [sflag:$0x1] =	stream.indirect.gather [spmem:s2], $0x40, s22, s21, $0xb8;
	[tilespmem:$0x1CE00] =	vst v63  }
0xab: {  	_ =	swait.ge [sflag:s9], $0x1000  }
0xac: {  	[sflag:s9] =	ssyncset.done $0x0  }
0xad: {  	[sflag:s9] =	ssyncadd.s32 $0xFFFFF000  }
0xae: {  	[spmem:s1] =	stream.indirect.scatter.add.f32 [tilespmem:s29], [sflag:$0x7], $0x40, s10, s21, $0xb8;
	[tilespmem:$0x1CE00] =	vst v63  }
0xaf: {  	_ =	swait.ge [sflag:s11], $0x1000  }
0xb0: {  	[sflag:s11] =	ssyncset.done $0x0  }
0xb1: {  	[sflag:s11] =	ssyncadd.s32 $0xFFFFF000  }
0xb2: {  	v1 =	vld [tilespmem:s20+$0xFFFFFF50];
	_ =	sdelay $0x4  }
0xb3: {  	v2 =	vand.u32 $0x3FFF, v1  }
0xb4: {  	v1 =	vshrl.u32 v1, $0xE;
	[tilespmem:$0x5080] =	vst v2  }
0xb5: {  	[tilespmem:$0x50C0] =	vst v1  }
0xb6: {  	v1 =	vld [tilespmem:s20+$0xFFFFFF60];
	_ =	sdelay $0x4  }
0xb7: {  	v2 =	vand.u32 $0x3FFF, v1  }
0xb8: {  	v1 =	vshrl.u32 v1, $0xE;
	[tilespmem:$0x5090] =	vst v2  }
0xb9: {  	[tilespmem:$0x50D0] =	vst v1  }
0xba: {  	v1 =	vld [tilespmem:s20+$0xFFFFFF70];
	_ =	sdelay $0x4  }
0xbb: {  	v2 =	vand.u32 $0x3FFF, v1  }
0xbc: {  	v1 =	vshrl.u32 v1, $0xE;
	[tilespmem:$0x50A0] =	vst v2  }
0xbd: {  	[tilespmem:$0x50E0] =	vst v1  }
0xbe: {  	v1 =	vld [tilespmem:s20+$0xFFFFFF80];
	_ =	sdelay $0x4  }
0xbf: {  	v2 =	vand.u32 $0x3FFF, v1  }
0xc0: {  	v1 =	vshrl.u32 v1, $0xE;
	[tilespmem:$0x50B0] =	vst v2  }
0xc1: {  	[tilespmem:$0x50F0] =	vst v1  }
0xc2: {  	[tilespmem:s26], [sflag:$0x2] =	stream.indirect.gather [spmem:s2], $0x40, s24, s21, $0xb8;
	[tilespmem:$0x1CE00] =	vst v63  }
0xc3: {  	_ =	swait.ge [sflag:s12], $0x1000  }
0xc4: {  	[sflag:s12] =	ssyncset.done $0x0  }
0xc5: {  	[sflag:s12] =	ssyncadd.s32 $0xFFFFF000  }
0xc6: {  	[spmem:s1] =	stream.indirect.scatter.add.f32 [tilespmem:s3], [sflag:$0x8], $0x40, s13, s21, $0xb8;
	[tilespmem:$0x1CE00] =	vst v63  }
0xc7: {  	_ =	swait.ge [sflag:s14], $0x1000  }
0xc8: {  	[sflag:s14] =	ssyncset.done $0x0  }
0xc9: {  	[sflag:s14] =	ssyncadd.s32 $0xFFFFF000  }
0xca: {  	v1 =	vld [tilespmem:s20+$0xFFFFFF90];
	_ =	sdelay $0x4  }
0xcb: {  	v2 =	vand.u32 $0x3FFF, v1  }
0xcc: {  	v1 =	vshrl.u32 v1, $0xE;
	[tilespmem:$0x5100] =	vst v2  }
0xcd: {  	[tilespmem:$0x5140] =	vst v1  }
0xce: {  	v1 =	vld [tilespmem:s20+$0xFFFFFFA0];
	_ =	sdelay $0x4  }
0xcf: {  	v2 =	vand.u32 $0x3FFF, v1  }
0xd0: {  	v1 =	vshrl.u32 v1, $0xE;
	[tilespmem:$0x5110] =	vst v2  }
0xd1: {  	[tilespmem:$0x5150] =	vst v1  }
0xd2: {  	v1 =	vld [tilespmem:s20+$0xFFFFFFB0];
	_ =	sdelay $0x4  }
0xd3: {  	v2 =	vand.u32 $0x3FFF, v1  }
0xd4: {  	v1 =	vshrl.u32 v1, $0xE;
	[tilespmem:$0x5120] =	vst v2  }
0xd5: {  	[tilespmem:$0x5160] =	vst v1  }
0xd6: {  	v1 =	vld [tilespmem:s20+$0xFFFFFFC0];
	_ =	sdelay $0x4  }
0xd7: {  	v2 =	vand.u32 $0x3FFF, v1  }
0xd8: {  	v1 =	vshrl.u32 v1, $0xE;
	[tilespmem:$0x5130] =	vst v2  }
0xd9: {  	[tilespmem:$0x5170] =	vst v1  }
0xda: {  	[tilespmem:s29], [sflag:$0x3] =	stream.indirect.gather [spmem:s2], $0x40, s28, s21, $0xb8;
	[tilespmem:$0x1CE00] =	vst v63  }
0xdb: {  	_ =	swait.ge [sflag:s30], $0x1000  }
0xdc: {  	[sflag:s30] =	ssyncset.done $0x0  }
0xdd: {  	[sflag:s30] =	ssyncadd.s32 $0xFFFFF000  }
0xde: {  	[spmem:s1] =	stream.indirect.scatter.add.f32 [tilespmem:s17], [sflag:$0x5], $0x40, s31, s21, $0xb8;
	[tilespmem:$0x1CE00] =	vst v63  }
0xdf: {  	_ =	swait.ge [sflag:s15], $0x1000  }
0xe0: {  	[sflag:s15] =	ssyncset.done $0x0  }
0xe1: {  	[sflag:s15] =	ssyncadd.s32 $0xFFFFF000  }
0xe2: {  	v1 =	vld [tilespmem:s20+$0xFFFFFFD0];
	_ =	sdelay $0x4  }
0xe3: {  	v2 =	vand.u32 $0x3FFF, v1  }
0xe4: {  	v1 =	vshrl.u32 v1, $0xE;
	[tilespmem:$0x5180] =	vst v2  }
0xe5: {  	[tilespmem:$0x51C0] =	vst v1  }
0xe6: {  	v1 =	vld [tilespmem:s20+$0xFFFFFFE0];
	_ =	sdelay $0x4  }
0xe7: {  	v2 =	vand.u32 $0x3FFF, v1  }
0xe8: {  	v1 =	vshrl.u32 v1, $0xE;
	[tilespmem:$0x5190] =	vst v2  }
0xe9: {  	s23 =	simm.s32 $0xBC0;
	[tilespmem:$0x51D0] =	vst v1  }
.LBB2_4:
0xea: {  	p0 =	sne.s32 s23, $0x13FC0;
	v1 =	vld [tilespmem:s20+$0xFFFFFFF0];
	s25 =	smov.u32 s23;
	s23 =	sadd.s32 $0x400, s23  }
0xeb: {  	_ =	sdelay $0x3  }
0xec: {  	v2 =	vand.u32 $0x3FFF, v1;
	v1 =	vshrl.u32 v1, $0xE  }
0xed: {  	[tilespmem:$0x51A0] =	vst v2  }
0xee: {  	[tilespmem:$0x51E0] =	vst v1  }
0xef: {  	v1 =	vld [tilespmem:s20+$0x0];
	_ =	sdelay $0x4  }
0xf0: {  	v2 =	vand.u32 $0x3FFF, v1;
	v1 =	vshrl.u32 v1, $0xE  }
0xf1: {  	[tilespmem:$0x51B0] =	vst v2  }
0xf2: {  	[tilespmem:$0x51F0] =	vst v1  }
0xf3: {  	[tilespmem:s3], [sflag:$0x4] =	stream.indirect.gather [spmem:s2], $0x40, s0, s21, $0xb8;
	[tilespmem:$0x1CE00] =	vst v63  }
0xf4: {  	_ =	swait.ge [sflag:s6], $0x1000  }
0xf5: {  	[sflag:s6] =	ssyncset.done $0x0  }
0xf6: {  	[sflag:s6] =	ssyncadd.s32 $0xFFFFF000  }
0xf7: {  	[spmem:s1] =	stream.indirect.scatter.add.f32 [tilespmem:s26], [sflag:$0x6], $0x40, s7, s21, $0xb8;
	[tilespmem:$0x1CE00] =	vst v63  }
0xf8: {  	_ =	swait.ge [sflag:s8], $0x1000  }
0xf9: {  	[sflag:s8] =	ssyncset.done $0x0  }
0xfa: {  	s20 =	sshra.s32 s25, $0x2;
	[sflag:s8] =	ssyncadd.s32 $0xFFFFF000  }
0xfb: {  	v1 =	vld [tilespmem:s20+$0xFFFFFF10];
	_ =	sdelay $0x4  }
0xfc: {  	v2 =	vand.u32 $0x3FFF, v1;
	v1 =	vshrl.u32 v1, $0xE  }
0xfd: {  	[tilespmem:$0x5000] =	vst v2  }
0xfe: {  	[tilespmem:$0x5040] =	vst v1  }
0xff: {  	v1 =	vld [tilespmem:s20+$0xFFFFFF20];
	_ =	sdelay $0x4  }
0x100: {  	v2 =	vand.u32 $0x3FFF, v1;
	v1 =	vshrl.u32 v1, $0xE  }
0x101: {  	[tilespmem:$0x5010] =	vst v2  }
0x102: {  	[tilespmem:$0x5050] =	vst v1  }
0x103: {  	v1 =	vld [tilespmem:s20+$0xFFFFFF30];
	_ =	sdelay $0x4  }
0x104: {  	v2 =	vand.u32 $0x3FFF, v1;
	v1 =	vshrl.u32 v1, $0xE  }
0x105: {  	[tilespmem:$0x5020] =	vst v2  }
0x106: {  	[tilespmem:$0x5060] =	vst v1  }
0x107: {  	v1 =	vld [tilespmem:s20+$0xFFFFFF40];
	_ =	sdelay $0x4  }
0x108: {  	v2 =	vand.u32 $0x3FFF, v1;
	v1 =	vshrl.u32 v1, $0xE  }
0x109: {  	[tilespmem:$0x5030] =	vst v2  }
0x10a: {  	[tilespmem:$0x5070] =	vst v1  }
0x10b: {  	[tilespmem:s17], [sflag:$0x1] =	stream.indirect.gather [spmem:s2], $0x40, s22, s21, $0xb8;
	[tilespmem:$0x1CE00] =	vst v63  }
0x10c: {  	_ =	swait.ge [sflag:s9], $0x1000  }
0x10d: {  	[sflag:s9] =	ssyncset.done $0x0  }
0x10e: {  	[sflag:s9] =	ssyncadd.s32 $0xFFFFF000  }
0x10f: {  	[spmem:s1] =	stream.indirect.scatter.add.f32 [tilespmem:s29], [sflag:$0x7], $0x40, s10, s21, $0xb8;
	[tilespmem:$0x1CE00] =	vst v63  }
0x110: {  	_ =	swait.ge [sflag:s11], $0x1000  }
0x111: {  	[sflag:s11] =	ssyncset.done $0x0  }
0x112: {  	[sflag:s11] =	ssyncadd.s32 $0xFFFFF000  }
0x113: {  	v1 =	vld [tilespmem:s20+$0xFFFFFF50];
	_ =	sdelay $0x4  }
0x114: {  	v2 =	vand.u32 $0x3FFF, v1;
	v1 =	vshrl.u32 v1, $0xE  }
0x115: {  	[tilespmem:$0x5080] =	vst v2  }
0x116: {  	[tilespmem:$0x50C0] =	vst v1  }
0x117: {  	v1 =	vld [tilespmem:s20+$0xFFFFFF60];
	_ =	sdelay $0x4  }
0x118: {  	v2 =	vand.u32 $0x3FFF, v1;
	v1 =	vshrl.u32 v1, $0xE  }
0x119: {  	[tilespmem:$0x5090] =	vst v2  }
0x11a: {  	[tilespmem:$0x50D0] =	vst v1  }
0x11b: {  	v1 =	vld [tilespmem:s20+$0xFFFFFF70];
	_ =	sdelay $0x4  }
0x11c: {  	v2 =	vand.u32 $0x3FFF, v1;
	v1 =	vshrl.u32 v1, $0xE  }
0x11d: {  	[tilespmem:$0x50A0] =	vst v2  }
0x11e: {  	[tilespmem:$0x50E0] =	vst v1  }
0x11f: {  	v1 =	vld [tilespmem:s20+$0xFFFFFF80];
	_ =	sdelay $0x4  }
0x120: {  	v2 =	vand.u32 $0x3FFF, v1;
	v1 =	vshrl.u32 v1, $0xE  }
0x121: {  	[tilespmem:$0x50B0] =	vst v2  }
0x122: {  	[tilespmem:$0x50F0] =	vst v1  }
0x123: {  	[tilespmem:s26], [sflag:$0x2] =	stream.indirect.gather [spmem:s2], $0x40, s24, s21, $0xb8;
	[tilespmem:$0x1CE00] =	vst v63  }
0x124: {  	_ =	swait.ge [sflag:s12], $0x1000  }
0x125: {  	[sflag:s12] =	ssyncset.done $0x0  }
0x126: {  	[sflag:s12] =	ssyncadd.s32 $0xFFFFF000  }
0x127: {  	[spmem:s1] =	stream.indirect.scatter.add.f32 [tilespmem:s3], [sflag:$0x8], $0x40, s13, s21, $0xb8;
	[tilespmem:$0x1CE00] =	vst v63  }
0x128: {  	_ =	swait.ge [sflag:s14], $0x1000  }
0x129: {  	[sflag:s14] =	ssyncset.done $0x0  }
0x12a: {  	[sflag:s14] =	ssyncadd.s32 $0xFFFFF000  }
0x12b: {  	v1 =	vld [tilespmem:s20+$0xFFFFFF90];
	_ =	sdelay $0x4  }
0x12c: {  	v2 =	vand.u32 $0x3FFF, v1;
	v1 =	vshrl.u32 v1, $0xE  }
0x12d: {  	[tilespmem:$0x5100] =	vst v2  }
0x12e: {  	[tilespmem:$0x5140] =	vst v1  }
0x12f: {  	v1 =	vld [tilespmem:s20+$0xFFFFFFA0];
	_ =	sdelay $0x4  }
0x130: {  	v2 =	vand.u32 $0x3FFF, v1;
	v1 =	vshrl.u32 v1, $0xE  }
0x131: {  	[tilespmem:$0x5110] =	vst v2  }
0x132: {  	[tilespmem:$0x5150] =	vst v1  }
0x133: {  	v1 =	vld [tilespmem:s20+$0xFFFFFFB0];
	_ =	sdelay $0x4  }
0x134: {  	v2 =	vand.u32 $0x3FFF, v1;
	v1 =	vshrl.u32 v1, $0xE  }
0x135: {  	[tilespmem:$0x5120] =	vst v2  }
0x136: {  	[tilespmem:$0x5160] =	vst v1  }
0x137: {  	v1 =	vld [tilespmem:s20+$0xFFFFFFC0];
	_ =	sdelay $0x4  }
0x138: {  	v2 =	vand.u32 $0x3FFF, v1;
	v1 =	vshrl.u32 v1, $0xE  }
0x139: {  	[tilespmem:$0x5130] =	vst v2  }
0x13a: {  	[tilespmem:$0x5170] =	vst v1  }
0x13b: {  	[tilespmem:s29], [sflag:$0x3] =	stream.indirect.gather [spmem:s2], $0x40, s28, s21, $0xb8;
	[tilespmem:$0x1CE00] =	vst v63  }
0x13c: {  	_ =	swait.ge [sflag:s30], $0x1000  }
0x13d: {  	[sflag:s30] =	ssyncset.done $0x0  }
0x13e: {  	[sflag:s30] =	ssyncadd.s32 $0xFFFFF000  }
0x13f: {  	[spmem:s1] =	stream.indirect.scatter.add.f32 [tilespmem:s17], [sflag:$0x5], $0x40, s31, s21, $0xb8;
	[tilespmem:$0x1CE00] =	vst v63  }
0x140: {  	_ =	swait.ge [sflag:s15], $0x1000  }
0x141: {  	[sflag:s15] =	ssyncset.done $0x0  }
0x142: {  	[sflag:s15] =	ssyncadd.s32 $0xFFFFF000  }
0x143: {  	v1 =	vld [tilespmem:s20+$0xFFFFFFD0];
	_ =	sdelay $0x4  }
0x144: {  	v2 =	vand.u32 $0x3FFF, v1;
	v1 =	vshrl.u32 v1, $0xE  }
0x145: {  	[tilespmem:$0x5180] =	vst v2  }
0x146: {  	[tilespmem:$0x51C0] =	vst v1  }
0x147: {  	v1 =	vld [tilespmem:s20+$0xFFFFFFE0];
	_ =	sdelay $0x2  }
.Ltmp1:
0x148: {  	(pc) =	sbr.rel @p0 .LBB2_4-.Ltmp1, $4  }
0x149: {  	_ = 	snop  }
0x14a: {  	v2 =	vand.u32 $0x3FFF, v1;
	v1 =	vshrl.u32 v1, $0xE  }
0x14b: {  	[tilespmem:$0x5190] =	vst v2  }
0x14c: {  	[tilespmem:$0x51D0] =	vst v1  }
0x14d: {  	v1 =	vld [tilespmem:s20+$0xFFFFFFF0];
	_ =	sdelay $0x4  }
0x14e: {  	v2 =	vand.u32 $0x3FFF, v1  }
0x14f: {  	v1 =	vshrl.u32 v1, $0xE;
	[tilespmem:$0x51A0] =	vst v2  }
0x150: {  	[tilespmem:$0x51E0] =	vst v1  }
0x151: {  	v1 =	vld [tilespmem:s20+$0x0];
	_ =	sdelay $0x4  }
0x152: {  	v2 =	vand.u32 $0x3FFF, v1  }
0x153: {  	v1 =	vshrl.u32 v1, $0xE;
	[tilespmem:$0x51B0] =	vst v2  }
0x154: {  	[tilespmem:$0x51F0] =	vst v1  }
0x155: {  	[tilespmem:s3], [sflag:$0x4] =	stream.indirect.gather [spmem:s2], $0x40, s0, s21, $0xb8;
	[tilespmem:$0x1CE00] =	vst v63  }
0x156: {  	_ =	swait.ge [sflag:s6], $0x1000  }
0x157: {  	[sflag:s6] =	ssyncset.done $0x0  }
0x158: {  	[sflag:s6] =	ssyncadd.s32 $0xFFFFF000  }
0x159: {  	[spmem:s1] =	stream.indirect.scatter.add.f32 [tilespmem:s26], [sflag:$0x6], $0x40, s7, s21, $0xb8;
	[tilespmem:$0x1CE00] =	vst v63  }
0x15a: {  	_ =	swait.ge [sflag:s8], $0x1000  }
0x15b: {  	[sflag:s8] =	ssyncset.done $0x0  }
0x15c: {  	[sflag:s8] =	ssyncadd.s32 $0xFFFFF000  }
0x15d: {  	_ =	swait.ge [sflag:s9], $0x1000  }
0x15e: {  	[sflag:s9] =	ssyncset.done $0x0  }
0x15f: {  	[sflag:s9] =	ssyncadd.s32 $0xFFFFF000  }
0x160: {  	[spmem:s1] =	stream.indirect.scatter.add.f32 [tilespmem:s29], [sflag:$0x7], $0x40, s10, s21, $0xb8;
	[tilespmem:$0x1CE00] =	vst v63  }
0x161: {  	_ =	swait.ge [sflag:s11], $0x1000  }
0x162: {  	[sflag:s11] =	ssyncset.done $0x0  }
0x163: {  	[sflag:s11] =	ssyncadd.s32 $0xFFFFF000  }
0x164: {  	_ =	swait.ge [sflag:s12], $0x1000  }
0x165: {  	[sflag:s12] =	ssyncset.done $0x0  }
0x166: {  	[sflag:s12] =	ssyncadd.s32 $0xFFFFF000  }
0x167: {  	[spmem:s1] =	stream.indirect.scatter.add.f32 [tilespmem:s3], [sflag:$0x8], $0x40, s13, s21, $0xb8;
	[tilespmem:$0x1CE00] =	vst v63  }
0x168: {  	_ =	swait.ge [sflag:s14], $0x1000  }
0x169: {  	[sflag:s14] =	ssyncset.done $0x0  }
0x16a: {  	[sflag:s14] =	ssyncadd.s32 $0xFFFFF000  }
0x16b: {  	_ =	swait.ge [sflag:s15], $0x1000  }
0x16c: {  	[sflag:s15] =	ssyncset.done $0x0  }
0x16d: {  	[sflag:s15] =	ssyncadd.s32 $0xFFFFF000  }
0x16e: {  	[bflag:$0x0] =	sbarrier.arrive $0xFFFF  }
0x16f: {  	s25 =	rddreg [dreg:$0x12]  }
0x170: {  	s23 =	rddreg [dreg:$0x13]  }
0x171: {  	[hbm:s25], [sflag:s19] =	dma.local [spmem:s23], $0x13C0  }
0x172: {  	_ =	swait.ge [sflag:s18], $0x13C0  }
0x173: {  	s16 =	sadd.s32 $0x1, s16;
	s25 =	rddreg [dreg:$0x7]  }
0x174: {  	p0 =	sne.s32 s16, s25  }
.Ltmp2:
0x175: {  	_ = 	snop;
	(pc) =	sbr.rel @p0 .LBB2_1-.Ltmp2, $3  }
0x176: {  	_ =	sdelay $0x1  }
0x177: {  	[sflag:s18] =	ssyncset.done $0x0  }
0x178: {  	[sflag:s18] =	ssyncadd.s32 $0xFFFFEC40  }
0x179: {  	_ =	sfence.sel $0x180000  }
0x17a: {  	[bflag:$0x0] =	sbarrier.arrive $0xFFFF  }
0x17b: {  	_ =	strace $0x9000004A  }
0x17c: {  	s0 =	stileid.u32;
	[bflag:$0x2] =	sbarrier.arrive $0xFFFF  }
0x17d: {  	p0 =	sne.s32 s0, $0x0;
	s0 =	rddreg [dreg:$0x4]  }
0x17e: {  	s0 =	sadd.s32 @!p0 $0x100000, s0  }
0x17f: {  	[sflag:s0] =	ssyncadd.tile.s32 @!p0 $0x1;
	_ =	shalt  }
.Lfunc_end2:
_tile_overlayer_lowered:
.L_overlay_start_2:
0x180: {  	(tag) =	ssettag $0x2  }
0x181: {  	s0 =	rddreg [dreg:$0x0];
	s2 =	stileid.u32  }
0x182: {  	s1 =	rddreg [dreg:$0x1];
	p0 =	sne.s32 s2, $0x0  }
0x183: {  	s3 =	rddreg [dreg:$0x2];
	[bflag:$0x3] =	sbarrier.arrive $0xFFFF;
	s2 =	simm.s32 @!p0 $0x1C09  }
0x184: {  	[timem:s3], [sflag:s2] =	dma.local @!p0 [hbm:s0], s1  }
0x185: {  	s0 =	simm.s32 @!p0 $0x9  }
0x186: {  	_ =	swait.ge @!p0 [sflag:s0], s1  }
0x187: {  	s1 =	ssub.s32 @!p0 $0x0, s1;
	[sflag:s0] =	ssyncset.done @!p0 $0x0  }
0x188: {  	[sflag:s0] =	ssyncadd.s32 @!p0 s1  }
0x189: {  	[bflag:$0x3] =	sbarrier.arrive $0xFFFF  }
0x18a: {  	_ =	shalt  }

</sc_bundles>
